<compile_context>
chip_gen: v7x
topology: tpu7x:2x2x1
jax: 0.10.2.dev20260603
libtpu: 0.0.44.dev20260713+nightly
codegen_flags: <defaults>
</compile_context>

<pallas_src>
import functools

import jax
import jax.numpy as jnp
from jax import lax
from jax.experimental import pallas as pl
from jax.experimental.pallas import tpu as pltpu
from jax.experimental.pallas import tpu_sc as plsc

ROWS = 64
N = 8192
L = 16
NC = 2
NS = 16
NW = NC * NS
ROWS_PER_W = ROWS // NW
NCHUNK = N // L
NSEG = 4
SEG = N // NSEG + L
BISECT_ITERS = 26

_f32 = jnp.float32


@functools.partial(
    pl.kernel,
    out_type=jax.ShapeDtypeStruct((ROWS, N), _f32),
    mesh=plsc.VectorSubcoreMesh(core_axis_name="c", subcore_axis_name="s"),
    scratch_types=[
        pltpu.VMEM((ROWS_PER_W, N), _f32),
        pltpu.VMEM((NSEG * SEG,), _f32),
        pltpu.VMEM((N + 6 * L,), _f32),
        pltpu.SemaphoreType.DMA,
        pltpu.SemaphoreType.DMA,
    ],
    compiler_params=pltpu.CompilerParams(needs_layout_passes=False),
)
def _sparsemax_sc(x_hbm, out_hbm, xv, cand, packed, sem_in1, sem_out0):
    wid = lax.axis_index("s") * NC + lax.axis_index("c")
    base = wid * ROWS_PER_W

    in1 = pltpu.async_copy(x_hbm.at[pl.ds(base + 1, 1)],
                           xv.at[pl.ds(1, 1)], sem_in1)
    pltpu.sync_copy(x_hbm.at[pl.ds(base, 1)], xv.at[pl.ds(0, 1)])

    for r in range(ROWS_PER_W):
        if r == 1:
            in1.wait()
        neg = jnp.full((L,), -jnp.inf, _f32)

        @plsc.parallel_loop(0, NCHUNK, step=4, unroll=2,
                            carry=(neg, neg, neg, neg))
        def mx_accs(i, accs):
            return tuple(
                jnp.maximum(a, xv[r, pl.ds((i + j) * L, L)])
                for j, a in enumerate(accs))

        a0, a1, a2, a3 = mx_accs
        rowmax = jnp.max(jnp.maximum(jnp.maximum(a0, a1),
                                     jnp.maximum(a2, a3)))
        t0 = rowmax - _f32(1.0)

        z32 = jnp.int32(0)

        @plsc.parallel_loop(0, NCHUNK, step=NSEG, unroll=2,
                            carry=(z32, z32, z32, z32))
        def cp_offs(i, offs):
            nxt = []
            for j, off in enumerate(offs):
                v = xv[r, pl.ds((i + j) * L, L)]
                m = v > t0
                plsc.store_compressed(cand.at[pl.ds(j * SEG + off, L)],
                                      v, mask=m)
                nxt.append(off + plsc.all_reduce_population_count(m)[0])
            return tuple(nxt)

        tpad = jnp.full((L,), t0, _f32)
        woff = z32
        for j in range(NSEG):
            oj = cp_offs[j]
            cand[pl.ds(j * SEG + oj, L)] = tpad
            ncj = (oj + (L - 1)) >> 4

            def pk_body(k, w, j=j):
                packed[pl.ds(w * L, L)] = cand[pl.ds(j * SEG + k * L, L)]
                return w + 1

            woff = lax.fori_loop(0, ncj, pk_body, woff)
        packed[pl.ds(woff * L, L)] = tpad
        trips = (woff + 1) >> 1

        def bis_body(_, lohi):
            lo, hi = lohi
            mid = _f32(0.5) * (lo + hi)

            def s_body(k, accs):
                s0, s1 = accs
                v0 = packed[pl.ds((2 * k) * L, L)]
                v1 = packed[pl.ds((2 * k + 1) * L, L)]
                return (s0 + jnp.maximum(v0 - mid, _f32(0.0)),
                        s1 + jnp.maximum(v1 - mid, _f32(0.0)))

            zv = jnp.zeros((L,), _f32)
            s0, s1 = lax.fori_loop(0, trips, s_body, (zv, zv))
            s = jnp.sum(s0 + s1)
            ge = s >= _f32(1.0)
            return (jnp.where(ge, mid, lo), jnp.where(ge, hi, mid))

        lo, hi = lax.fori_loop(0, BISECT_ITERS, bis_body, (t0, rowmax))

        def fin_body(k, carry):
            sacc, cacc = carry
            v0 = packed[pl.ds((2 * k) * L, L)]
            v1 = packed[pl.ds((2 * k + 1) * L, L)]
            m0 = v0 > lo
            m1 = v1 > lo
            return (sacc + jnp.where(m0, v0, _f32(0.0))
                    + jnp.where(m1, v1, _f32(0.0)),
                    cacc + m0.astype(_f32) + m1.astype(_f32))

        sacc, cacc = lax.fori_loop(
            0, trips, fin_body,
            (jnp.zeros((L,), _f32), jnp.zeros((L,), _f32)))
        sv = jnp.full((L,), jnp.sum(sacc) - _f32(1.0), _f32)
        cv = jnp.full((L,), jnp.maximum(jnp.sum(cacc), _f32(1.0)), _f32)
        tau = sv / cv

        @plsc.parallel_loop(0, NCHUNK, step=4, unroll=2)
        def _out(i):
            for j in range(4):
                sl = pl.ds((i + j) * L, L)
                xv[r, sl] = jnp.maximum(xv[r, sl] - tau, _f32(0.0))

        if r == 0:
            out0 = pltpu.async_copy(xv.at[pl.ds(0, 1)],
                                    out_hbm.at[pl.ds(base, 1)], sem_out0)

    pltpu.sync_copy(xv.at[pl.ds(1, 1)], out_hbm.at[pl.ds(base + 1, 1)])
    out0.wait()


def kernel(input):
    return _sparsemax_sc(input)

# --- scband reference (transcript-rebuilt; emitter-appended) ---
"""Pipeline reference for scband-sparsemax-89395449299683 (READ-ONLY COPY).

The authoritative reference and input builder live on the scoring server;
editing this copy changes nothing except your own understanding.
"""

import jax, jax.numpy as jnp
import numpy as np


def setup_inputs(seed: int = 0) -> dict:
    key = jax.random.key(seed)
    input = jax.random.normal(key, (64, 8192), dtype=jnp.float32)
    return {"input": input}


def reference(input):
    dim = -1
    n = input.shape[dim]
    # sort descending along dim
    input_sorted = jnp.flip(jnp.sort(input, axis=dim), axis=dim)
    input_cumsum = jnp.cumsum(input_sorted, axis=dim)
    rhos = jnp.arange(1, n + 1, dtype=input.dtype)
    shape = [1] * input.ndim
    shape[dim] = -1
    rhos = rhos.reshape(shape)
    support = (1 + rhos * input_sorted) > input_cumsum
    k = jnp.sum(support.astype(jnp.int32), axis=dim, keepdims=True)
    tau_num = jnp.take_along_axis(input_cumsum, k - 1, axis=dim) - 1
    tau = tau_num / k.astype(input.dtype)
    output = jnp.clip(input - tau, 0, None)
    return output

if __name__ == "__main__":
    import jax
    _d = setup_inputs()
    print(jax.jit(kernel)(*tuple(_d.values())))

</pallas_src>

<mosaic_0001>
#map = affine_map<(d0, d1) -> (0, 0)>
module attributes {stable_mosaic.version = 14 : i64} {
  func.func @_sparsemax_sc(%arg0: i32, %arg1: i32, %arg2: memref<64x8192xf32, #tpu.memory_space<hbm>>, %arg3: memref<64x8192xf32, #tpu.memory_space<hbm>>, %arg4: memref<2x8192xf32, #tpu.memory_space<vmem>>, %arg5: memref<8256xf32, #tpu.memory_space<vmem>>, %arg6: memref<8288xf32, #tpu.memory_space<vmem>>, %arg7: memref<!tpu.dma_semaphore, #tpu.memory_space<semaphore_mem>>, %arg8: memref<!tpu.dma_semaphore, #tpu.memory_space<semaphore_mem>>) attributes {dimension_semantics = [#tpu.dimension_semantics<core_parallel>, #tpu.dimension_semantics<subcore_parallel>], iteration_bounds = array<i64: 2, 16>, scalar_prefetch = 0 : i64, scratch_operands = 5 : i64, tpu.core_type = #tpu.core_type<sc_vector_subcore>, window_params = [{transform_indices = #map}, {transform_indices = #map}]} {
    %mul3A = arith.constant 2 : i32
    %mul3A_0 = arith.muli %arg1, %mul3A : i32
    %add3A = arith.addi %mul3A_0, %arg0 : i32
    %mul3A_1 = arith.constant 2 : i32
    %mul3A_2 = arith.muli %add3A, %mul3A_1 : i32
    %add3A_3 = arith.constant 1 : i32
    %add3A_4 = arith.addi %mul3A_2, %add3A_3 : i32
    %dma_start3A = arith.constant 1 : i32
    %dma_start3A_5 = arith.constant 0 : i32
    %dma_start3A_6 = tpu.memref_slice %arg4[%dma_start3A, %dma_start3A_5] : memref<2x8192xf32, #tpu.memory_space<vmem>> -> memref<1x8192xf32, #tpu.memory_space<vmem>>
    %dma_start3A_7 = arith.constant 0 : i32
    %dma_start3A_8 = tpu.memref_slice %arg2[%add3A_4, %dma_start3A_7] : memref<64x8192xf32, #tpu.memory_space<hbm>> -> memref<1x8192xf32, #tpu.memory_space<hbm>>
    %dma_start3A_9 = arith.constant 1 : i32
    %dma_start3A_10 = arith.constant 0 : i32
    %dma_start3A_11 = tpu.memref_slice %arg4[%dma_start3A_9, %dma_start3A_10] : memref<2x8192xf32, #tpu.memory_space<vmem>> -> memref<1x8192xf32, #tpu.memory_space<vmem>>
    %dma_start3A_12 = arith.constant 0 : i32
    %dma_start3A_13 = tpu.memref_slice %arg2[%add3A_4, %dma_start3A_12] : memref<64x8192xf32, #tpu.memory_space<hbm>> -> memref<1x8192xf32, #tpu.memory_space<hbm>>
    tpu.enqueue_dma source(%dma_start3A_13 : memref<1x8192xf32, #tpu.memory_space<hbm>>) target(%dma_start3A_11 : memref<1x8192xf32, #tpu.memory_space<vmem>>) target_semaphore(%arg7 : memref<!tpu.dma_semaphore, #tpu.memory_space<semaphore_mem>>)
    "tpu.region"() ({
      %run_scoped3A = tpu.sem_alloc : memref<!tpu.dma_semaphore, #tpu.memory_space<semaphore_mem>>
      %dma_start3A_330 = arith.constant 0 : i32
      %dma_start3A_331 = arith.constant 0 : i32
      %dma_start3A_332 = tpu.memref_slice %arg4[%dma_start3A_330, %dma_start3A_331] : memref<2x8192xf32, #tpu.memory_space<vmem>> -> memref<1x8192xf32, #tpu.memory_space<vmem>>
      %dma_start3A_333 = arith.constant 0 : i32
      %dma_start3A_334 = tpu.memref_slice %arg2[%mul3A_2, %dma_start3A_333] : memref<64x8192xf32, #tpu.memory_space<hbm>> -> memref<1x8192xf32, #tpu.memory_space<hbm>>
      %dma_start3A_335 = arith.constant 0 : i32
      %dma_start3A_336 = arith.constant 0 : i32
      %dma_start3A_337 = tpu.memref_slice %arg4[%dma_start3A_335, %dma_start3A_336] : memref<2x8192xf32, #tpu.memory_space<vmem>> -> memref<1x8192xf32, #tpu.memory_space<vmem>>
      %dma_start3A_338 = arith.constant 0 : i32
      %dma_start3A_339 = tpu.memref_slice %arg2[%mul3A_2, %dma_start3A_338] : memref<64x8192xf32, #tpu.memory_space<hbm>> -> memref<1x8192xf32, #tpu.memory_space<hbm>>
      tpu.enqueue_dma source(%dma_start3A_339 : memref<1x8192xf32, #tpu.memory_space<hbm>>) target(%dma_start3A_337 : memref<1x8192xf32, #tpu.memory_space<vmem>>) target_semaphore(%run_scoped3A : memref<!tpu.dma_semaphore, #tpu.memory_space<semaphore_mem>>)
      %dma_wait3A_340 = arith.constant 0 : i32
      %dma_wait3A_341 = arith.constant 0 : i32
      %dma_wait3A_342 = tpu.memref_slice %arg4[%dma_wait3A_340, %dma_wait3A_341] : memref<2x8192xf32, #tpu.memory_space<vmem>> -> memref<1x8192xf32, #tpu.memory_space<vmem>>
      %dma_wait3A_343 = arith.constant 0 : i32
      %dma_wait3A_344 = tpu.memref_slice %arg2[%mul3A_2, %dma_wait3A_343] : memref<64x8192xf32, #tpu.memory_space<hbm>> -> memref<1x8192xf32, #tpu.memory_space<hbm>>
      %dma_wait3A_345 = arith.constant 0 : i32
      %dma_wait3A_346 = arith.constant 0 : i32
      %dma_wait3A_347 = tpu.memref_slice %arg4[%dma_wait3A_345, %dma_wait3A_346] : memref<2x8192xf32, #tpu.memory_space<vmem>> -> memref<1x8192xf32, #tpu.memory_space<vmem>>
      %dma_wait3A_348 = arith.constant 0 : i32
      %dma_wait3A_349 = tpu.memref_slice %arg2[%mul3A_2, %dma_wait3A_348] : memref<64x8192xf32, #tpu.memory_space<hbm>> -> memref<1x8192xf32, #tpu.memory_space<hbm>>
      tpu.wait_dma2 semaphore(%run_scoped3A : memref<!tpu.dma_semaphore, #tpu.memory_space<semaphore_mem>>) src(%dma_wait3A_349 : memref<1x8192xf32, #tpu.memory_space<hbm>>) dst(%dma_wait3A_347 : memref<1x8192xf32, #tpu.memory_space<vmem>>)
      tpu.yield
    }) : () -> ()
    %broadcast_in_dim3A = arith.constant 0xFF800000 : f32
    %broadcast_in_dim3A_14 = vector.broadcast %broadcast_in_dim3A : f32 to vector<16xf32>
    %parallel_loop3A = arith.constant 0 : i32
    %parallel_loop3A_15 = arith.constant 512 : i32
    %parallel_loop3A_16 = arith.constant 4 : i32
    %parallel_loop3A_17:4 = scf.for %parallel_loop3A_330 = %parallel_loop3A to %parallel_loop3A_15 step %parallel_loop3A_16 iter_args(%parallel_loop3A_331 = %broadcast_in_dim3A_14, %parallel_loop3A_332 = %broadcast_in_dim3A_14, %parallel_loop3A_333 = %broadcast_in_dim3A_14, %parallel_loop3A_334 = %broadcast_in_dim3A_14) -> (vector<16xf32>, vector<16xf32>, vector<16xf32>, vector<16xf32>)  : i32 {
      %parallel_loop3A_335 = arith.constant 0 : i32
      %parallel_loop3A_336 = arith.addi %parallel_loop3A_330, %parallel_loop3A_335 : i32
      %parallel_loop3A_337 = arith.constant 16 : i32
      %parallel_loop3A_338 = arith.muli %parallel_loop3A_336, %parallel_loop3A_337 : i32
      %parallel_loop3A_339 = arith.constant 0 : i32
      %parallel_loop3A_340 = arith.index_cast %parallel_loop3A_339 : i32 to index
      %parallel_loop3A_341 = arith.index_cast %parallel_loop3A_338 : i32 to index
      %parallel_loop3A_342 = tpu.vector_load %arg4[%parallel_loop3A_340, %parallel_loop3A_341] {strides = array<i32>} : memref<2x8192xf32, #tpu.memory_space<vmem>>, vector<16xf32>,
      %parallel_loop3A_343 = arith.maximumf %parallel_loop3A_331, %parallel_loop3A_342 : vector<16xf32>
      %parallel_loop3A_344 = arith.constant 1 : i32
      %parallel_loop3A_345 = arith.addi %parallel_loop3A_330, %parallel_loop3A_344 : i32
      %parallel_loop3A_346 = arith.constant 16 : i32
      %parallel_loop3A_347 = arith.muli %parallel_loop3A_345, %parallel_loop3A_346 : i32
      %parallel_loop3A_348 = arith.constant 0 : i32
      %parallel_loop3A_349 = arith.index_cast %parallel_loop3A_348 : i32 to index
      %parallel_loop3A_350 = arith.index_cast %parallel_loop3A_347 : i32 to index
      %parallel_loop3A_351 = tpu.vector_load %arg4[%parallel_loop3A_349, %parallel_loop3A_350] {strides = array<i32>} : memref<2x8192xf32, #tpu.memory_space<vmem>>, vector<16xf32>,
      %parallel_loop3A_352 = arith.maximumf %parallel_loop3A_332, %parallel_loop3A_351 : vector<16xf32>
      %parallel_loop3A_353 = arith.constant 2 : i32
      %parallel_loop3A_354 = arith.addi %parallel_loop3A_330, %parallel_loop3A_353 : i32
      %parallel_loop3A_355 = arith.constant 16 : i32
      %parallel_loop3A_356 = arith.muli %parallel_loop3A_354, %parallel_loop3A_355 : i32
      %parallel_loop3A_357 = arith.constant 0 : i32
      %parallel_loop3A_358 = arith.index_cast %parallel_loop3A_357 : i32 to index
      %parallel_loop3A_359 = arith.index_cast %parallel_loop3A_356 : i32 to index
      %parallel_loop3A_360 = tpu.vector_load %arg4[%parallel_loop3A_358, %parallel_loop3A_359] {strides = array<i32>} : memref<2x8192xf32, #tpu.memory_space<vmem>>, vector<16xf32>,
      %parallel_loop3A_361 = arith.maximumf %parallel_loop3A_333, %parallel_loop3A_360 : vector<16xf32>
      %parallel_loop3A_362 = arith.constant 3 : i32
      %parallel_loop3A_363 = arith.addi %parallel_loop3A_330, %parallel_loop3A_362 : i32
      %parallel_loop3A_364 = arith.constant 16 : i32
      %parallel_loop3A_365 = arith.muli %parallel_loop3A_363, %parallel_loop3A_364 : i32
      %parallel_loop3A_366 = arith.constant 0 : i32
      %parallel_loop3A_367 = arith.index_cast %parallel_loop3A_366 : i32 to index
      %parallel_loop3A_368 = arith.index_cast %parallel_loop3A_365 : i32 to index
      %parallel_loop3A_369 = tpu.vector_load %arg4[%parallel_loop3A_367, %parallel_loop3A_368] {strides = array<i32>} : memref<2x8192xf32, #tpu.memory_space<vmem>>, vector<16xf32>,
      %parallel_loop3A_370 = arith.maximumf %parallel_loop3A_334, %parallel_loop3A_369 : vector<16xf32>
      scf.yield %parallel_loop3A_343, %parallel_loop3A_352, %parallel_loop3A_361, %parallel_loop3A_370 : vector<16xf32>, vector<16xf32>, vector<16xf32>, vector<16xf32>
    } {sc.loop_unroll_factor = 2 : i64, sc.parallel_access}
    %max3A = arith.maximumf %parallel_loop3A_17#0, %parallel_loop3A_17#1 : vector<16xf32>
    %max3A_18 = arith.maximumf %parallel_loop3A_17#2, %parallel_loop3A_17#3 : vector<16xf32>
    %max3A_19 = arith.maximumf %max3A, %max3A_18 : vector<16xf32>
    %reduce_max3A = arith.constant true
    %reduce_max3A_20 = vector.broadcast %reduce_max3A : i1 to vector<16xi1>
    %reduce_max3A_21 = tpu.scan <max>, %max3A_19 masked %reduce_max3A_20 : vector<16xf32>, vector<16xi1> -> vector<16xf32>
    %reduce_max3A_22 = vector.extract %reduce_max3A_21[15] : f32 from vector<16xf32>
    %sub3A = arith.constant 1.000000e+00 : f32
    %sub3A_23 = arith.subf %reduce_max3A_22, %sub3A : f32
    %parallel_loop3A_24 = arith.constant 0 : i32
    %parallel_loop3A_25 = arith.constant 512 : i32
    %parallel_loop3A_26 = arith.constant 4 : i32
    %parallel_loop3A_27 = arith.constant 0 : i32
    %parallel_loop3A_28 = arith.constant 0 : i32
    %parallel_loop3A_29 = arith.constant 0 : i32
    %parallel_loop3A_30 = arith.constant 0 : i32
    %parallel_loop3A_31:4 = scf.for %parallel_loop3A_330 = %parallel_loop3A_24 to %parallel_loop3A_25 step %parallel_loop3A_26 iter_args(%parallel_loop3A_331 = %parallel_loop3A_27, %parallel_loop3A_332 = %parallel_loop3A_28, %parallel_loop3A_333 = %parallel_loop3A_29, %parallel_loop3A_334 = %parallel_loop3A_30) -> (i32, i32, i32, i32)  : i32 {
      %parallel_loop3A_335 = arith.constant 0 : i32
      %parallel_loop3A_336 = arith.addi %parallel_loop3A_330, %parallel_loop3A_335 : i32
      %parallel_loop3A_337 = arith.constant 16 : i32
      %parallel_loop3A_338 = arith.muli %parallel_loop3A_336, %parallel_loop3A_337 : i32
      %parallel_loop3A_339 = arith.constant 0 : i32
      %parallel_loop3A_340 = arith.index_cast %parallel_loop3A_339 : i32 to index
      %parallel_loop3A_341 = arith.index_cast %parallel_loop3A_338 : i32 to index
      %parallel_loop3A_342 = tpu.vector_load %arg4[%parallel_loop3A_340, %parallel_loop3A_341] {strides = array<i32>} : memref<2x8192xf32, #tpu.memory_space<vmem>>, vector<16xf32>,
      %parallel_loop3A_343 = vector.broadcast %sub3A_23 : f32 to vector<16xf32>
      %parallel_loop3A_344 = arith.cmpf ogt, %parallel_loop3A_342, %parallel_loop3A_343 : vector<16xf32>
      %parallel_loop3A_345 = arith.constant 0 : i32
      %parallel_loop3A_346 = arith.addi %parallel_loop3A_345, %parallel_loop3A_331 : i32
      %parallel_loop3A_347 = arith.index_cast %parallel_loop3A_346 : i32 to index
      %parallel_loop3A_348 = tpu.vector_load %arg5[%parallel_loop3A_347] masked %parallel_loop3A_344 {strides = array<i32>} : memref<8256xf32, #tpu.memory_space<vmem>>, vector<16xf32>, vector<16xi1>
      tpu.vector_store %arg5[%parallel_loop3A_347], %parallel_loop3A_342 masked %parallel_loop3A_344 {strides = array<i32>} : memref<8256xf32, #tpu.memory_space<vmem>>, vector<16xf32>, vector<16xi1>
      %parallel_loop3A_349 = tpu.all_reduce %parallel_loop3A_344 {dim = 0 : i64, kind = #tpu.reduction_kind<sum>} : vector<16xi1> -> vector<16xi32>
      %parallel_loop3A_350 = vector.extract_strided_slice %parallel_loop3A_349 {offsets = [0], sizes = [1], strides = [1]} : vector<16xi32> to vector<1xi32>
      %parallel_loop3A_351 = vector.extract %parallel_loop3A_350[0] : i32 from vector<1xi32>
      %parallel_loop3A_352 = arith.addi %parallel_loop3A_331, %parallel_loop3A_351 : i32
      %parallel_loop3A_353 = arith.constant 1 : i32
      %parallel_loop3A_354 = arith.addi %parallel_loop3A_330, %parallel_loop3A_353 : i32
      %parallel_loop3A_355 = arith.constant 16 : i32
      %parallel_loop3A_356 = arith.muli %parallel_loop3A_354, %parallel_loop3A_355 : i32
      %parallel_loop3A_357 = arith.constant 0 : i32
      %parallel_loop3A_358 = arith.index_cast %parallel_loop3A_357 : i32 to index
      %parallel_loop3A_359 = arith.index_cast %parallel_loop3A_356 : i32 to index
      %parallel_loop3A_360 = tpu.vector_load %arg4[%parallel_loop3A_358, %parallel_loop3A_359] {strides = array<i32>} : memref<2x8192xf32, #tpu.memory_space<vmem>>, vector<16xf32>,
      %parallel_loop3A_361 = vector.broadcast %sub3A_23 : f32 to vector<16xf32>
      %parallel_loop3A_362 = arith.cmpf ogt, %parallel_loop3A_360, %parallel_loop3A_361 : vector<16xf32>
      %parallel_loop3A_363 = arith.constant 2064 : i32
      %parallel_loop3A_364 = arith.addi %parallel_loop3A_363, %parallel_loop3A_332 : i32
      %parallel_loop3A_365 = arith.index_cast %parallel_loop3A_364 : i32 to index
      %parallel_loop3A_366 = tpu.vector_load %arg5[%parallel_loop3A_365] masked %parallel_loop3A_362 {strides = array<i32>} : memref<8256xf32, #tpu.memory_space<vmem>>, vector<16xf32>, vector<16xi1>
      tpu.vector_store %arg5[%parallel_loop3A_365], %parallel_loop3A_360 masked %parallel_loop3A_362 {strides = array<i32>} : memref<8256xf32, #tpu.memory_space<vmem>>, vector<16xf32>, vector<16xi1>
      %parallel_loop3A_367 = tpu.all_reduce %parallel_loop3A_362 {dim = 0 : i64, kind = #tpu.reduction_kind<sum>} : vector<16xi1> -> vector<16xi32>
      %parallel_loop3A_368 = vector.extract_strided_slice %parallel_loop3A_367 {offsets = [0], sizes = [1], strides = [1]} : vector<16xi32> to vector<1xi32>
      %parallel_loop3A_369 = vector.extract %parallel_loop3A_368[0] : i32 from vector<1xi32>
      %parallel_loop3A_370 = arith.addi %parallel_loop3A_332, %parallel_loop3A_369 : i32
      %parallel_loop3A_371 = arith.constant 2 : i32
      %parallel_loop3A_372 = arith.addi %parallel_loop3A_330, %parallel_loop3A_371 : i32
      %parallel_loop3A_373 = arith.constant 16 : i32
      %parallel_loop3A_374 = arith.muli %parallel_loop3A_372, %parallel_loop3A_373 : i32
      %parallel_loop3A_375 = arith.constant 0 : i32
      %parallel_loop3A_376 = arith.index_cast %parallel_loop3A_375 : i32 to index
      %parallel_loop3A_377 = arith.index_cast %parallel_loop3A_374 : i32 to index
      %parallel_loop3A_378 = tpu.vector_load %arg4[%parallel_loop3A_376, %parallel_loop3A_377] {strides = array<i32>} : memref<2x8192xf32, #tpu.memory_space<vmem>>, vector<16xf32>,
      %parallel_loop3A_379 = vector.broadcast %sub3A_23 : f32 to vector<16xf32>
      %parallel_loop3A_380 = arith.cmpf ogt, %parallel_loop3A_378, %parallel_loop3A_379 : vector<16xf32>
      %parallel_loop3A_381 = arith.constant 4128 : i32
      %parallel_loop3A_382 = arith.addi %parallel_loop3A_381, %parallel_loop3A_333 : i32
      %parallel_loop3A_383 = arith.index_cast %parallel_loop3A_382 : i32 to index
      %parallel_loop3A_384 = tpu.vector_load %arg5[%parallel_loop3A_383] masked %parallel_loop3A_380 {strides = array<i32>} : memref<8256xf32, #tpu.memory_space<vmem>>, vector<16xf32>, vector<16xi1>
      tpu.vector_store %arg5[%parallel_loop3A_383], %parallel_loop3A_378 masked %parallel_loop3A_380 {strides = array<i32>} : memref<8256xf32, #tpu.memory_space<vmem>>, vector<16xf32>, vector<16xi1>
      %parallel_loop3A_385 = tpu.all_reduce %parallel_loop3A_380 {dim = 0 : i64, kind = #tpu.reduction_kind<sum>} : vector<16xi1> -> vector<16xi32>
      %parallel_loop3A_386 = vector.extract_strided_slice %parallel_loop3A_385 {offsets = [0], sizes = [1], strides = [1]} : vector<16xi32> to vector<1xi32>
      %parallel_loop3A_387 = vector.extract %parallel_loop3A_386[0] : i32 from vector<1xi32>
      %parallel_loop3A_388 = arith.addi %parallel_loop3A_333, %parallel_loop3A_387 : i32
      %parallel_loop3A_389 = arith.constant 3 : i32
      %parallel_loop3A_390 = arith.addi %parallel_loop3A_330, %parallel_loop3A_389 : i32
      %parallel_loop3A_391 = arith.constant 16 : i32
      %parallel_loop3A_392 = arith.muli %parallel_loop3A_390, %parallel_loop3A_391 : i32
      %parallel_loop3A_393 = arith.constant 0 : i32
      %parallel_loop3A_394 = arith.index_cast %parallel_loop3A_393 : i32 to index
      %parallel_loop3A_395 = arith.index_cast %parallel_loop3A_392 : i32 to index
      %parallel_loop3A_396 = tpu.vector_load %arg4[%parallel_loop3A_394, %parallel_loop3A_395] {strides = array<i32>} : memref<2x8192xf32, #tpu.memory_space<vmem>>, vector<16xf32>,
      %parallel_loop3A_397 = vector.broadcast %sub3A_23 : f32 to vector<16xf32>
      %parallel_loop3A_398 = arith.cmpf ogt, %parallel_loop3A_396, %parallel_loop3A_397 : vector<16xf32>
      %parallel_loop3A_399 = arith.constant 6192 : i32
      %parallel_loop3A_400 = arith.addi %parallel_loop3A_399, %parallel_loop3A_334 : i32
      %parallel_loop3A_401 = arith.index_cast %parallel_loop3A_400 : i32 to index
      %parallel_loop3A_402 = tpu.vector_load %arg5[%parallel_loop3A_401] masked %parallel_loop3A_398 {strides = array<i32>} : memref<8256xf32, #tpu.memory_space<vmem>>, vector<16xf32>, vector<16xi1>
      tpu.vector_store %arg5[%parallel_loop3A_401], %parallel_loop3A_396 masked %parallel_loop3A_398 {strides = array<i32>} : memref<8256xf32, #tpu.memory_space<vmem>>, vector<16xf32>, vector<16xi1>
      %parallel_loop3A_403 = tpu.all_reduce %parallel_loop3A_398 {dim = 0 : i64, kind = #tpu.reduction_kind<sum>} : vector<16xi1> -> vector<16xi32>
      %parallel_loop3A_404 = vector.extract_strided_slice %parallel_loop3A_403 {offsets = [0], sizes = [1], strides = [1]} : vector<16xi32> to vector<1xi32>
      %parallel_loop3A_405 = vector.extract %parallel_loop3A_404[0] : i32 from vector<1xi32>
      %parallel_loop3A_406 = arith.addi %parallel_loop3A_334, %parallel_loop3A_405 : i32
      scf.yield %parallel_loop3A_352, %parallel_loop3A_370, %parallel_loop3A_388, %parallel_loop3A_406 : i32, i32, i32, i32
    } {sc.loop_unroll_factor = 2 : i64, sc.parallel_access}
    %broadcast_in_dim3A_32 = vector.broadcast %sub3A_23 : f32 to vector<16xf32>
    %add3A_33 = arith.constant 0 : i32
    %add3A_34 = arith.addi %add3A_33, %parallel_loop3A_31#0 : i32
    %swap3A = arith.index_cast %add3A_34 : i32 to index
    %swap3A_35 = tpu.vector_load %arg5[%swap3A] {strides = array<i32>} : memref<8256xf32, #tpu.memory_space<vmem>>, vector<16xf32>,
    tpu.vector_store %arg5[%swap3A], %broadcast_in_dim3A_32 {strides = array<i32>} : memref<8256xf32, #tpu.memory_space<vmem>>, vector<16xf32>,
    %add3A_36 = arith.constant 15 : i32
    %add3A_37 = arith.addi %parallel_loop3A_31#0, %add3A_36 : i32
    %shift_right_arithmetic3A = arith.constant 4 : i32
    %shift_right_arithmetic3A_38 = arith.shrsi %add3A_37, %shift_right_arithmetic3A : i32
    %while3A = arith.constant 0 : i32
    %while3A_39 = arith.constant 0 : i32
    %while3A_40 = arith.subi %shift_right_arithmetic3A_38, %while3A : i32
    %while3A_41 = arith.addi %while3A, %while3A_40 : i32
    %while3A_42 = arith.constant 1 : i32
    %while3A_43 = arith.divsi %while3A_40, %while3A_42 : i32
    %while3A_44 = arith.muli %while3A_43, %while3A_42 : i32
    %while3A_45 = arith.addi %while3A, %while3A_44 : i32
    %while3A_46 = arith.constant 1 : i32
    %while3A_47 = scf.for %while3A_330 = %while3A to %while3A_45 step %while3A_46 iter_args(%while3A_331 = %while3A_39) -> (i32)  : i32 {
      %mul3A_332 = arith.constant 16 : i32
      %mul3A_333 = arith.muli %while3A_330, %mul3A_332 : i32
      %add3A_334 = arith.constant 0 : i32
      %add3A_335 = arith.addi %add3A_334, %mul3A_333 : i32
      %get3A = arith.index_cast %add3A_335 : i32 to index
      %get3A_336 = tpu.vector_load %arg5[%get3A] {strides = array<i32>} : memref<8256xf32, #tpu.memory_space<vmem>>, vector<16xf32>,
      %mul3A_337 = arith.constant 16 : i32
      %mul3A_338 = arith.muli %while3A_331, %mul3A_337 : i32
      %swap3A_339 = arith.index_cast %mul3A_338 : i32 to index
      %swap3A_340 = tpu.vector_load %arg6[%swap3A_339] {strides = array<i32>} : memref<8288xf32, #tpu.memory_space<vmem>>, vector<16xf32>,
      tpu.vector_store %arg6[%swap3A_339], %get3A_336 {strides = array<i32>} : memref<8288xf32, #tpu.memory_space<vmem>>, vector<16xf32>,
      %add3A_341 = arith.constant 1 : i32
      %add3A_342 = arith.addi %while3A_331, %add3A_341 : i32
      scf.yield %add3A_342 : i32
    }
    %while3A_48 = arith.constant 1 : i32
    %while3A_49 = scf.for %while3A_330 = %while3A_45 to %while3A_41 step %while3A_48 iter_args(%while3A_331 = %while3A_47) -> (i32)  : i32 {
      %mul3A_332 = arith.constant 16 : i32
      %mul3A_333 = arith.muli %while3A_330, %mul3A_332 : i32
      %add3A_334 = arith.constant 0 : i32
      %add3A_335 = arith.addi %add3A_334, %mul3A_333 : i32
      %get3A = arith.index_cast %add3A_335 : i32 to index
      %get3A_336 = tpu.vector_load %arg5[%get3A] {strides = array<i32>} : memref<8256xf32, #tpu.memory_space<vmem>>, vector<16xf32>,
      %mul3A_337 = arith.constant 16 : i32
      %mul3A_338 = arith.muli %while3A_331, %mul3A_337 : i32
      %swap3A_339 = arith.index_cast %mul3A_338 : i32 to index
      %swap3A_340 = tpu.vector_load %arg6[%swap3A_339] {strides = array<i32>} : memref<8288xf32, #tpu.memory_space<vmem>>, vector<16xf32>,
      tpu.vector_store %arg6[%swap3A_339], %get3A_336 {strides = array<i32>} : memref<8288xf32, #tpu.memory_space<vmem>>, vector<16xf32>,
      %add3A_341 = arith.constant 1 : i32
      %add3A_342 = arith.addi %while3A_331, %add3A_341 : i32
      scf.yield %add3A_342 : i32
    }
    %add3A_50 = arith.constant 2064 : i32
    %add3A_51 = arith.addi %add3A_50, %parallel_loop3A_31#1 : i32
    %swap3A_52 = arith.index_cast %add3A_51 : i32 to index
    %swap3A_53 = tpu.vector_load %arg5[%swap3A_52] {strides = array<i32>} : memref<8256xf32, #tpu.memory_space<vmem>>, vector<16xf32>,
    tpu.vector_store %arg5[%swap3A_52], %broadcast_in_dim3A_32 {strides = array<i32>} : memref<8256xf32, #tpu.memory_space<vmem>>, vector<16xf32>,
    %add3A_54 = arith.constant 15 : i32
    %add3A_55 = arith.addi %parallel_loop3A_31#1, %add3A_54 : i32
    %shift_right_arithmetic3A_56 = arith.constant 4 : i32
    %shift_right_arithmetic3A_57 = arith.shrsi %add3A_55, %shift_right_arithmetic3A_56 : i32
    %while3A_58 = arith.constant 0 : i32
    %while3A_59 = arith.subi %shift_right_arithmetic3A_57, %while3A_58 : i32
    %while3A_60 = arith.addi %while3A_58, %while3A_59 : i32
    %while3A_61 = arith.constant 1 : i32
    %while3A_62 = arith.divsi %while3A_59, %while3A_61 : i32
    %while3A_63 = arith.muli %while3A_62, %while3A_61 : i32
    %while3A_64 = arith.addi %while3A_58, %while3A_63 : i32
    %while3A_65 = arith.constant 1 : i32
    %while3A_66 = scf.for %while3A_330 = %while3A_58 to %while3A_64 step %while3A_65 iter_args(%while3A_331 = %while3A_49) -> (i32)  : i32 {
      %mul3A_332 = arith.constant 16 : i32
      %mul3A_333 = arith.muli %while3A_330, %mul3A_332 : i32
      %add3A_334 = arith.constant 2064 : i32
      %add3A_335 = arith.addi %add3A_334, %mul3A_333 : i32
      %get3A = arith.index_cast %add3A_335 : i32 to index
      %get3A_336 = tpu.vector_load %arg5[%get3A] {strides = array<i32>} : memref<8256xf32, #tpu.memory_space<vmem>>, vector<16xf32>,
      %mul3A_337 = arith.constant 16 : i32
      %mul3A_338 = arith.muli %while3A_331, %mul3A_337 : i32
      %swap3A_339 = arith.index_cast %mul3A_338 : i32 to index
      %swap3A_340 = tpu.vector_load %arg6[%swap3A_339] {strides = array<i32>} : memref<8288xf32, #tpu.memory_space<vmem>>, vector<16xf32>,
      tpu.vector_store %arg6[%swap3A_339], %get3A_336 {strides = array<i32>} : memref<8288xf32, #tpu.memory_space<vmem>>, vector<16xf32>,
      %add3A_341 = arith.constant 1 : i32
      %add3A_342 = arith.addi %while3A_331, %add3A_341 : i32
      scf.yield %add3A_342 : i32
    }
    %while3A_67 = arith.constant 1 : i32
    %while3A_68 = scf.for %while3A_330 = %while3A_64 to %while3A_60 step %while3A_67 iter_args(%while3A_331 = %while3A_66) -> (i32)  : i32 {
      %mul3A_332 = arith.constant 16 : i32
      %mul3A_333 = arith.muli %while3A_330, %mul3A_332 : i32
      %add3A_334 = arith.constant 2064 : i32
      %add3A_335 = arith.addi %add3A_334, %mul3A_333 : i32
      %get3A = arith.index_cast %add3A_335 : i32 to index
      %get3A_336 = tpu.vector_load %arg5[%get3A] {strides = array<i32>} : memref<8256xf32, #tpu.memory_space<vmem>>, vector<16xf32>,
      %mul3A_337 = arith.constant 16 : i32
      %mul3A_338 = arith.muli %while3A_331, %mul3A_337 : i32
      %swap3A_339 = arith.index_cast %mul3A_338 : i32 to index
      %swap3A_340 = tpu.vector_load %arg6[%swap3A_339] {strides = array<i32>} : memref<8288xf32, #tpu.memory_space<vmem>>, vector<16xf32>,
      tpu.vector_store %arg6[%swap3A_339], %get3A_336 {strides = array<i32>} : memref<8288xf32, #tpu.memory_space<vmem>>, vector<16xf32>,
      %add3A_341 = arith.constant 1 : i32
      %add3A_342 = arith.addi %while3A_331, %add3A_341 : i32
      scf.yield %add3A_342 : i32
    }
    %add3A_69 = arith.constant 4128 : i32
    %add3A_70 = arith.addi %add3A_69, %parallel_loop3A_31#2 : i32
    %swap3A_71 = arith.index_cast %add3A_70 : i32 to index
    %swap3A_72 = tpu.vector_load %arg5[%swap3A_71] {strides = array<i32>} : memref<8256xf32, #tpu.memory_space<vmem>>, vector<16xf32>,
    tpu.vector_store %arg5[%swap3A_71], %broadcast_in_dim3A_32 {strides = array<i32>} : memref<8256xf32, #tpu.memory_space<vmem>>, vector<16xf32>,
    %add3A_73 = arith.constant 15 : i32
    %add3A_74 = arith.addi %parallel_loop3A_31#2, %add3A_73 : i32
    %shift_right_arithmetic3A_75 = arith.constant 4 : i32
    %shift_right_arithmetic3A_76 = arith.shrsi %add3A_74, %shift_right_arithmetic3A_75 : i32
    %while3A_77 = arith.constant 0 : i32
    %while3A_78 = arith.subi %shift_right_arithmetic3A_76, %while3A_77 : i32
    %while3A_79 = arith.addi %while3A_77, %while3A_78 : i32
    %while3A_80 = arith.constant 1 : i32
    %while3A_81 = arith.divsi %while3A_78, %while3A_80 : i32
    %while3A_82 = arith.muli %while3A_81, %while3A_80 : i32
    %while3A_83 = arith.addi %while3A_77, %while3A_82 : i32
    %while3A_84 = arith.constant 1 : i32
    %while3A_85 = scf.for %while3A_330 = %while3A_77 to %while3A_83 step %while3A_84 iter_args(%while3A_331 = %while3A_68) -> (i32)  : i32 {
      %mul3A_332 = arith.constant 16 : i32
      %mul3A_333 = arith.muli %while3A_330, %mul3A_332 : i32
      %add3A_334 = arith.constant 4128 : i32
      %add3A_335 = arith.addi %add3A_334, %mul3A_333 : i32
      %get3A = arith.index_cast %add3A_335 : i32 to index
      %get3A_336 = tpu.vector_load %arg5[%get3A] {strides = array<i32>} : memref<8256xf32, #tpu.memory_space<vmem>>, vector<16xf32>,
      %mul3A_337 = arith.constant 16 : i32
      %mul3A_338 = arith.muli %while3A_331, %mul3A_337 : i32
      %swap3A_339 = arith.index_cast %mul3A_338 : i32 to index
      %swap3A_340 = tpu.vector_load %arg6[%swap3A_339] {strides = array<i32>} : memref<8288xf32, #tpu.memory_space<vmem>>, vector<16xf32>,
      tpu.vector_store %arg6[%swap3A_339], %get3A_336 {strides = array<i32>} : memref<8288xf32, #tpu.memory_space<vmem>>, vector<16xf32>,
      %add3A_341 = arith.constant 1 : i32
      %add3A_342 = arith.addi %while3A_331, %add3A_341 : i32
      scf.yield %add3A_342 : i32
    }
    %while3A_86 = arith.constant 1 : i32
    %while3A_87 = scf.for %while3A_330 = %while3A_83 to %while3A_79 step %while3A_86 iter_args(%while3A_331 = %while3A_85) -> (i32)  : i32 {
      %mul3A_332 = arith.constant 16 : i32
      %mul3A_333 = arith.muli %while3A_330, %mul3A_332 : i32
      %add3A_334 = arith.constant 4128 : i32
      %add3A_335 = arith.addi %add3A_334, %mul3A_333 : i32
      %get3A = arith.index_cast %add3A_335 : i32 to index
      %get3A_336 = tpu.vector_load %arg5[%get3A] {strides = array<i32>} : memref<8256xf32, #tpu.memory_space<vmem>>, vector<16xf32>,
      %mul3A_337 = arith.constant 16 : i32
      %mul3A_338 = arith.muli %while3A_331, %mul3A_337 : i32
      %swap3A_339 = arith.index_cast %mul3A_338 : i32 to index
      %swap3A_340 = tpu.vector_load %arg6[%swap3A_339] {strides = array<i32>} : memref<8288xf32, #tpu.memory_space<vmem>>, vector<16xf32>,
      tpu.vector_store %arg6[%swap3A_339], %get3A_336 {strides = array<i32>} : memref<8288xf32, #tpu.memory_space<vmem>>, vector<16xf32>,
      %add3A_341 = arith.constant 1 : i32
      %add3A_342 = arith.addi %while3A_331, %add3A_341 : i32
      scf.yield %add3A_342 : i32
    }
    %add3A_88 = arith.constant 6192 : i32
    %add3A_89 = arith.addi %add3A_88, %parallel_loop3A_31#3 : i32
    %swap3A_90 = arith.index_cast %add3A_89 : i32 to index
    %swap3A_91 = tpu.vector_load %arg5[%swap3A_90] {strides = array<i32>} : memref<8256xf32, #tpu.memory_space<vmem>>, vector<16xf32>,
    tpu.vector_store %arg5[%swap3A_90], %broadcast_in_dim3A_32 {strides = array<i32>} : memref<8256xf32, #tpu.memory_space<vmem>>, vector<16xf32>,
    %add3A_92 = arith.constant 15 : i32
    %add3A_93 = arith.addi %parallel_loop3A_31#3, %add3A_92 : i32
    %shift_right_arithmetic3A_94 = arith.constant 4 : i32
    %shift_right_arithmetic3A_95 = arith.shrsi %add3A_93, %shift_right_arithmetic3A_94 : i32
    %while3A_96 = arith.constant 0 : i32
    %while3A_97 = arith.subi %shift_right_arithmetic3A_95, %while3A_96 : i32
    %while3A_98 = arith.addi %while3A_96, %while3A_97 : i32
    %while3A_99 = arith.constant 1 : i32
    %while3A_100 = arith.divsi %while3A_97, %while3A_99 : i32
    %while3A_101 = arith.muli %while3A_100, %while3A_99 : i32
    %while3A_102 = arith.addi %while3A_96, %while3A_101 : i32
    %while3A_103 = arith.constant 1 : i32
    %while3A_104 = scf.for %while3A_330 = %while3A_96 to %while3A_102 step %while3A_103 iter_args(%while3A_331 = %while3A_87) -> (i32)  : i32 {
      %mul3A_332 = arith.constant 16 : i32
      %mul3A_333 = arith.muli %while3A_330, %mul3A_332 : i32
      %add3A_334 = arith.constant 6192 : i32
      %add3A_335 = arith.addi %add3A_334, %mul3A_333 : i32
      %get3A = arith.index_cast %add3A_335 : i32 to index
      %get3A_336 = tpu.vector_load %arg5[%get3A] {strides = array<i32>} : memref<8256xf32, #tpu.memory_space<vmem>>, vector<16xf32>,
      %mul3A_337 = arith.constant 16 : i32
      %mul3A_338 = arith.muli %while3A_331, %mul3A_337 : i32
      %swap3A_339 = arith.index_cast %mul3A_338 : i32 to index
      %swap3A_340 = tpu.vector_load %arg6[%swap3A_339] {strides = array<i32>} : memref<8288xf32, #tpu.memory_space<vmem>>, vector<16xf32>,
      tpu.vector_store %arg6[%swap3A_339], %get3A_336 {strides = array<i32>} : memref<8288xf32, #tpu.memory_space<vmem>>, vector<16xf32>,
      %add3A_341 = arith.constant 1 : i32
      %add3A_342 = arith.addi %while3A_331, %add3A_341 : i32
      scf.yield %add3A_342 : i32
    }
    %while3A_105 = arith.constant 1 : i32
    %while3A_106 = scf.for %while3A_330 = %while3A_102 to %while3A_98 step %while3A_105 iter_args(%while3A_331 = %while3A_104) -> (i32)  : i32 {
      %mul3A_332 = arith.constant 16 : i32
      %mul3A_333 = arith.muli %while3A_330, %mul3A_332 : i32
      %add3A_334 = arith.constant 6192 : i32
      %add3A_335 = arith.addi %add3A_334, %mul3A_333 : i32
      %get3A = arith.index_cast %add3A_335 : i32 to index
      %get3A_336 = tpu.vector_load %arg5[%get3A] {strides = array<i32>} : memref<8256xf32, #tpu.memory_space<vmem>>, vector<16xf32>,
      %mul3A_337 = arith.constant 16 : i32
      %mul3A_338 = arith.muli %while3A_331, %mul3A_337 : i32
      %swap3A_339 = arith.index_cast %mul3A_338 : i32 to index
      %swap3A_340 = tpu.vector_load %arg6[%swap3A_339] {strides = array<i32>} : memref<8288xf32, #tpu.memory_space<vmem>>, vector<16xf32>,
      tpu.vector_store %arg6[%swap3A_339], %get3A_336 {strides = array<i32>} : memref<8288xf32, #tpu.memory_space<vmem>>, vector<16xf32>,
      %add3A_341 = arith.constant 1 : i32
      %add3A_342 = arith.addi %while3A_331, %add3A_341 : i32
      scf.yield %add3A_342 : i32
    }
    %mul3A_107 = arith.constant 16 : i32
    %mul3A_108 = arith.muli %while3A_106, %mul3A_107 : i32
    %swap3A_109 = arith.index_cast %mul3A_108 : i32 to index
    %swap3A_110 = tpu.vector_load %arg6[%swap3A_109] {strides = array<i32>} : memref<8288xf32, #tpu.memory_space<vmem>>, vector<16xf32>,
    tpu.vector_store %arg6[%swap3A_109], %broadcast_in_dim3A_32 {strides = array<i32>} : memref<8288xf32, #tpu.memory_space<vmem>>, vector<16xf32>,
    %add3A_111 = arith.constant 1 : i32
    %add3A_112 = arith.addi %while3A_106, %add3A_111 : i32
    %shift_right_arithmetic3A_113 = arith.constant 1 : i32
    %shift_right_arithmetic3A_114 = arith.shrsi %add3A_112, %shift_right_arithmetic3A_113 : i32
    %scan3A = arith.constant 0 : i32
    %scan3A_115 = arith.constant 26 : i32
    %scan3A_116 = arith.addi %scan3A, %scan3A_115 : i32
    %scan3A_117 = arith.constant 1 : i32
    %scan3A_118:2 = scf.for %scan3A_330 = %scan3A to %scan3A_116 step %scan3A_117 iter_args(%scan3A_331 = %sub3A_23, %scan3A_332 = %reduce_max3A_22) -> (f32, f32)  : i32 {
      %add3A_333 = arith.addf %scan3A_331, %scan3A_332 : f32
      %mul3A_334 = arith.constant 5.000000e-01 : f32
      %mul3A_335 = arith.mulf %mul3A_334, %add3A_333 : f32
      %broadcast_in_dim3A_336 = arith.constant 0.000000e+00 : f32
      %broadcast_in_dim3A_337 = vector.broadcast %broadcast_in_dim3A_336 : f32 to vector<16xf32>
      %while3A_338 = arith.constant 0 : i32
      %while3A_339 = arith.subi %shift_right_arithmetic3A_114, %while3A_338 : i32
      %while3A_340 = arith.addi %while3A_338, %while3A_339 : i32
      %while3A_341 = arith.constant 1 : i32
      %while3A_342 = arith.divsi %while3A_339, %while3A_341 : i32
      %while3A_343 = arith.muli %while3A_342, %while3A_341 : i32
      %while3A_344 = arith.addi %while3A_338, %while3A_343 : i32
      %while3A_345 = arith.constant 1 : i32
      %while3A_346:2 = scf.for %while3A_356 = %while3A_338 to %while3A_344 step %while3A_345 iter_args(%while3A_357 = %broadcast_in_dim3A_337, %while3A_358 = %broadcast_in_dim3A_337) -> (vector<16xf32>, vector<16xf32>)  : i32 {
        %mul3A_359 = arith.constant 2 : i32
        %mul3A_360 = arith.muli %mul3A_359, %while3A_356 : i32
        %mul3A_361 = arith.constant 16 : i32
        %mul3A_362 = arith.muli %mul3A_360, %mul3A_361 : i32
        %get3A = arith.index_cast %mul3A_362 : i32 to index
        %get3A_363 = tpu.vector_load %arg6[%get3A] {strides = array<i32>} : memref<8288xf32, #tpu.memory_space<vmem>>, vector<16xf32>,
        %mul3A_364 = arith.constant 2 : i32
        %mul3A_365 = arith.muli %mul3A_364, %while3A_356 : i32
        %add3A_366 = arith.constant 1 : i32
        %add3A_367 = arith.addi %mul3A_365, %add3A_366 : i32
        %mul3A_368 = arith.constant 16 : i32
        %mul3A_369 = arith.muli %add3A_367, %mul3A_368 : i32
        %get3A_370 = arith.index_cast %mul3A_369 : i32 to index
        %get3A_371 = tpu.vector_load %arg6[%get3A_370] {strides = array<i32>} : memref<8288xf32, #tpu.memory_space<vmem>>, vector<16xf32>,
        %sub3A_372 = vector.broadcast %mul3A_335 : f32 to vector<16xf32>
        %sub3A_373 = arith.subf %get3A_363, %sub3A_372 : vector<16xf32>
        %max3A_374 = arith.constant 0.000000e+00 : f32
        %max3A_375 = vector.broadcast %max3A_374 : f32 to vector<16xf32>
        %max3A_376 = arith.maximumf %sub3A_373, %max3A_375 : vector<16xf32>
        %add3A_377 = arith.addf %while3A_357, %max3A_376 : vector<16xf32>
        %sub3A_378 = vector.broadcast %mul3A_335 : f32 to vector<16xf32>
        %sub3A_379 = arith.subf %get3A_371, %sub3A_378 : vector<16xf32>
        %max3A_380 = arith.constant 0.000000e+00 : f32
        %max3A_381 = vector.broadcast %max3A_380 : f32 to vector<16xf32>
        %max3A_382 = arith.maximumf %sub3A_379, %max3A_381 : vector<16xf32>
        %add3A_383 = arith.addf %while3A_358, %max3A_382 : vector<16xf32>
        scf.yield %add3A_377, %add3A_383 : vector<16xf32>, vector<16xf32>
      }
      %while3A_347 = arith.constant 1 : i32
      %while3A_348:2 = scf.for %while3A_356 = %while3A_344 to %while3A_340 step %while3A_347 iter_args(%while3A_357 = %while3A_346#0, %while3A_358 = %while3A_346#1) -> (vector<16xf32>, vector<16xf32>)  : i32 {
        %mul3A_359 = arith.constant 2 : i32
        %mul3A_360 = arith.muli %mul3A_359, %while3A_356 : i32
        %mul3A_361 = arith.constant 16 : i32
        %mul3A_362 = arith.muli %mul3A_360, %mul3A_361 : i32
        %get3A = arith.index_cast %mul3A_362 : i32 to index
        %get3A_363 = tpu.vector_load %arg6[%get3A] {strides = array<i32>} : memref<8288xf32, #tpu.memory_space<vmem>>, vector<16xf32>,
        %mul3A_364 = arith.constant 2 : i32
        %mul3A_365 = arith.muli %mul3A_364, %while3A_356 : i32
        %add3A_366 = arith.constant 1 : i32
        %add3A_367 = arith.addi %mul3A_365, %add3A_366 : i32
        %mul3A_368 = arith.constant 16 : i32
        %mul3A_369 = arith.muli %add3A_367, %mul3A_368 : i32
        %get3A_370 = arith.index_cast %mul3A_369 : i32 to index
        %get3A_371 = tpu.vector_load %arg6[%get3A_370] {strides = array<i32>} : memref<8288xf32, #tpu.memory_space<vmem>>, vector<16xf32>,
        %sub3A_372 = vector.broadcast %mul3A_335 : f32 to vector<16xf32>
        %sub3A_373 = arith.subf %get3A_363, %sub3A_372 : vector<16xf32>
        %max3A_374 = arith.constant 0.000000e+00 : f32
        %max3A_375 = vector.broadcast %max3A_374 : f32 to vector<16xf32>
        %max3A_376 = arith.maximumf %sub3A_373, %max3A_375 : vector<16xf32>
        %add3A_377 = arith.addf %while3A_357, %max3A_376 : vector<16xf32>
        %sub3A_378 = vector.broadcast %mul3A_335 : f32 to vector<16xf32>
        %sub3A_379 = arith.subf %get3A_371, %sub3A_378 : vector<16xf32>
        %max3A_380 = arith.constant 0.000000e+00 : f32
        %max3A_381 = vector.broadcast %max3A_380 : f32 to vector<16xf32>
        %max3A_382 = arith.maximumf %sub3A_379, %max3A_381 : vector<16xf32>
        %add3A_383 = arith.addf %while3A_358, %max3A_382 : vector<16xf32>
        scf.yield %add3A_377, %add3A_383 : vector<16xf32>, vector<16xf32>
      }
      %add3A_349 = arith.addf %while3A_348#0, %while3A_348#1 : vector<16xf32>
      %reduce_sum3A_350 = arith.constant true
      %reduce_sum3A_351 = vector.broadcast %reduce_sum3A_350 : i1 to vector<16xi1>
      %reduce_sum3A_352 = tpu.scan <sum>, %add3A_349 masked %reduce_sum3A_351 : vector<16xf32>, vector<16xi1> -> vector<16xf32>
      %reduce_sum3A_353 = vector.extract %reduce_sum3A_352[15] : f32 from vector<16xf32>
      %ge3A = arith.constant 1.000000e+00 : f32
      %ge3A_354 = arith.cmpf oge, %reduce_sum3A_353, %ge3A : f32
      %select_n3A = arith.select %ge3A_354, %mul3A_335, %scan3A_331 : f32
      %select_n3A_355 = arith.select %ge3A_354, %scan3A_332, %mul3A_335 : f32
      scf.yield %select_n3A, %select_n3A_355 : f32, f32
    }
    %scan3A_119 = arith.constant 26 : i32
    %broadcast_in_dim3A_120 = arith.constant 0.000000e+00 : f32
    %broadcast_in_dim3A_121 = vector.broadcast %broadcast_in_dim3A_120 : f32 to vector<16xf32>
    %broadcast_in_dim3A_122 = arith.constant 0.000000e+00 : f32
    %broadcast_in_dim3A_123 = vector.broadcast %broadcast_in_dim3A_122 : f32 to vector<16xf32>
    %while3A_124 = arith.constant 0 : i32
    %while3A_125 = arith.subi %shift_right_arithmetic3A_114, %while3A_124 : i32
    %while3A_126 = arith.addi %while3A_124, %while3A_125 : i32
    %while3A_127 = arith.constant 1 : i32
    %while3A_128 = arith.divsi %while3A_125, %while3A_127 : i32
    %while3A_129 = arith.muli %while3A_128, %while3A_127 : i32
    %while3A_130 = arith.addi %while3A_124, %while3A_129 : i32
    %while3A_131 = arith.constant 1 : i32
    %while3A_132:2 = scf.for %while3A_330 = %while3A_124 to %while3A_130 step %while3A_131 iter_args(%while3A_331 = %broadcast_in_dim3A_121, %while3A_332 = %broadcast_in_dim3A_123) -> (vector<16xf32>, vector<16xf32>)  : i32 {
      %mul3A_333 = arith.constant 2 : i32
      %mul3A_334 = arith.muli %mul3A_333, %while3A_330 : i32
      %mul3A_335 = arith.constant 16 : i32
      %mul3A_336 = arith.muli %mul3A_334, %mul3A_335 : i32
      %get3A = arith.index_cast %mul3A_336 : i32 to index
      %get3A_337 = tpu.vector_load %arg6[%get3A] {strides = array<i32>} : memref<8288xf32, #tpu.memory_space<vmem>>, vector<16xf32>,
      %mul3A_338 = arith.constant 2 : i32
      %mul3A_339 = arith.muli %mul3A_338, %while3A_330 : i32
      %add3A_340 = arith.constant 1 : i32
      %add3A_341 = arith.addi %mul3A_339, %add3A_340 : i32
      %mul3A_342 = arith.constant 16 : i32
      %mul3A_343 = arith.muli %add3A_341, %mul3A_342 : i32
      %get3A_344 = arith.index_cast %mul3A_343 : i32 to index
      %get3A_345 = tpu.vector_load %arg6[%get3A_344] {strides = array<i32>} : memref<8288xf32, #tpu.memory_space<vmem>>, vector<16xf32>,
      %gt3A = vector.broadcast %scan3A_118#0 : f32 to vector<16xf32>
      %gt3A_346 = arith.cmpf ogt, %get3A_337, %gt3A : vector<16xf32>
      %gt3A_347 = vector.broadcast %scan3A_118#0 : f32 to vector<16xf32>
      %gt3A_348 = arith.cmpf ogt, %get3A_345, %gt3A_347 : vector<16xf32>
      %jit3A = arith.constant 0.000000e+00 : f32
      %broadcast_in_dim3A_349 = vector.broadcast %jit3A : f32 to vector<16xf32>
      %select_n3A = arith.select %gt3A_346, %get3A_337, %broadcast_in_dim3A_349 : vector<16xi1>, vector<16xf32>
      %add3A_350 = arith.addf %while3A_331, %select_n3A : vector<16xf32>
      %jit3A_351 = arith.constant 0.000000e+00 : f32
      %broadcast_in_dim3A_352 = vector.broadcast %jit3A_351 : f32 to vector<16xf32>
      %select_n3A_353 = arith.select %gt3A_348, %get3A_345, %broadcast_in_dim3A_352 : vector<16xi1>, vector<16xf32>
      %add3A_354 = arith.addf %add3A_350, %select_n3A_353 : vector<16xf32>
      %convert_element_type3A = arith.extui %gt3A_346 : vector<16xi1> to vector<16xi32>
      %convert_element_type3A_355 = arith.sitofp %convert_element_type3A : vector<16xi32> to vector<16xf32>
      %add3A_356 = arith.addf %while3A_332, %convert_element_type3A_355 : vector<16xf32>
      %convert_element_type3A_357 = arith.extui %gt3A_348 : vector<16xi1> to vector<16xi32>
      %convert_element_type3A_358 = arith.sitofp %convert_element_type3A_357 : vector<16xi32> to vector<16xf32>
      %add3A_359 = arith.addf %add3A_356, %convert_element_type3A_358 : vector<16xf32>
      scf.yield %add3A_354, %add3A_359 : vector<16xf32>, vector<16xf32>
    }
    %while3A_133 = arith.constant 1 : i32
    %while3A_134:2 = scf.for %while3A_330 = %while3A_130 to %while3A_126 step %while3A_133 iter_args(%while3A_331 = %while3A_132#0, %while3A_332 = %while3A_132#1) -> (vector<16xf32>, vector<16xf32>)  : i32 {
      %mul3A_333 = arith.constant 2 : i32
      %mul3A_334 = arith.muli %mul3A_333, %while3A_330 : i32
      %mul3A_335 = arith.constant 16 : i32
      %mul3A_336 = arith.muli %mul3A_334, %mul3A_335 : i32
      %get3A = arith.index_cast %mul3A_336 : i32 to index
      %get3A_337 = tpu.vector_load %arg6[%get3A] {strides = array<i32>} : memref<8288xf32, #tpu.memory_space<vmem>>, vector<16xf32>,
      %mul3A_338 = arith.constant 2 : i32
      %mul3A_339 = arith.muli %mul3A_338, %while3A_330 : i32
      %add3A_340 = arith.constant 1 : i32
      %add3A_341 = arith.addi %mul3A_339, %add3A_340 : i32
      %mul3A_342 = arith.constant 16 : i32
      %mul3A_343 = arith.muli %add3A_341, %mul3A_342 : i32
      %get3A_344 = arith.index_cast %mul3A_343 : i32 to index
      %get3A_345 = tpu.vector_load %arg6[%get3A_344] {strides = array<i32>} : memref<8288xf32, #tpu.memory_space<vmem>>, vector<16xf32>,
      %gt3A = vector.broadcast %scan3A_118#0 : f32 to vector<16xf32>
      %gt3A_346 = arith.cmpf ogt, %get3A_337, %gt3A : vector<16xf32>
      %gt3A_347 = vector.broadcast %scan3A_118#0 : f32 to vector<16xf32>
      %gt3A_348 = arith.cmpf ogt, %get3A_345, %gt3A_347 : vector<16xf32>
      %jit3A = arith.constant 0.000000e+00 : f32
      %broadcast_in_dim3A_349 = vector.broadcast %jit3A : f32 to vector<16xf32>
      %select_n3A = arith.select %gt3A_346, %get3A_337, %broadcast_in_dim3A_349 : vector<16xi1>, vector<16xf32>
      %add3A_350 = arith.addf %while3A_331, %select_n3A : vector<16xf32>
      %jit3A_351 = arith.constant 0.000000e+00 : f32
      %broadcast_in_dim3A_352 = vector.broadcast %jit3A_351 : f32 to vector<16xf32>
      %select_n3A_353 = arith.select %gt3A_348, %get3A_345, %broadcast_in_dim3A_352 : vector<16xi1>, vector<16xf32>
      %add3A_354 = arith.addf %add3A_350, %select_n3A_353 : vector<16xf32>
      %convert_element_type3A = arith.extui %gt3A_346 : vector<16xi1> to vector<16xi32>
      %convert_element_type3A_355 = arith.sitofp %convert_element_type3A : vector<16xi32> to vector<16xf32>
      %add3A_356 = arith.addf %while3A_332, %convert_element_type3A_355 : vector<16xf32>
      %convert_element_type3A_357 = arith.extui %gt3A_348 : vector<16xi1> to vector<16xi32>
      %convert_element_type3A_358 = arith.sitofp %convert_element_type3A_357 : vector<16xi32> to vector<16xf32>
      %add3A_359 = arith.addf %add3A_356, %convert_element_type3A_358 : vector<16xf32>
      scf.yield %add3A_354, %add3A_359 : vector<16xf32>, vector<16xf32>
    }
    %reduce_sum3A = arith.constant true
    %reduce_sum3A_135 = vector.broadcast %reduce_sum3A : i1 to vector<16xi1>
    %reduce_sum3A_136 = tpu.scan <sum>, %while3A_134#0 masked %reduce_sum3A_135 : vector<16xf32>, vector<16xi1> -> vector<16xf32>
    %reduce_sum3A_137 = vector.extract %reduce_sum3A_136[15] : f32 from vector<16xf32>
    %sub3A_138 = arith.constant 1.000000e+00 : f32
    %sub3A_139 = arith.subf %reduce_sum3A_137, %sub3A_138 : f32
    %broadcast_in_dim3A_140 = vector.broadcast %sub3A_139 : f32 to vector<16xf32>
    %reduce_sum3A_141 = arith.constant true
    %reduce_sum3A_142 = vector.broadcast %reduce_sum3A_141 : i1 to vector<16xi1>
    %reduce_sum3A_143 = tpu.scan <sum>, %while3A_134#1 masked %reduce_sum3A_142 : vector<16xf32>, vector<16xi1> -> vector<16xf32>
    %reduce_sum3A_144 = vector.extract %reduce_sum3A_143[15] : f32 from vector<16xf32>
    %max3A_145 = arith.constant 1.000000e+00 : f32
    %max3A_146 = arith.maximumf %reduce_sum3A_144, %max3A_145 : f32
    %broadcast_in_dim3A_147 = vector.broadcast %max3A_146 : f32 to vector<16xf32>
    %div3A = arith.divf %broadcast_in_dim3A_140, %broadcast_in_dim3A_147 : vector<16xf32>
    %parallel_loop3A_148 = arith.constant 0 : i32
    %parallel_loop3A_149 = arith.constant 512 : i32
    %parallel_loop3A_150 = arith.constant 4 : i32
    scf.for %parallel_loop3A_330 = %parallel_loop3A_148 to %parallel_loop3A_149 step %parallel_loop3A_150  : i32 {
      %parallel_loop3A_331 = arith.constant 0 : i32
      %parallel_loop3A_332 = arith.addi %parallel_loop3A_330, %parallel_loop3A_331 : i32
      %parallel_loop3A_333 = arith.constant 16 : i32
      %parallel_loop3A_334 = arith.muli %parallel_loop3A_332, %parallel_loop3A_333 : i32
      %parallel_loop3A_335 = arith.constant 0 : i32
      %parallel_loop3A_336 = arith.index_cast %parallel_loop3A_335 : i32 to index
      %parallel_loop3A_337 = arith.index_cast %parallel_loop3A_334 : i32 to index
      %parallel_loop3A_338 = tpu.vector_load %arg4[%parallel_loop3A_336, %parallel_loop3A_337] {strides = array<i32>} : memref<2x8192xf32, #tpu.memory_space<vmem>>, vector<16xf32>,
      %parallel_loop3A_339 = arith.subf %parallel_loop3A_338, %div3A : vector<16xf32>
      %parallel_loop3A_340 = arith.constant 0.000000e+00 : f32
      %parallel_loop3A_341 = vector.broadcast %parallel_loop3A_340 : f32 to vector<16xf32>
      %parallel_loop3A_342 = arith.maximumf %parallel_loop3A_339, %parallel_loop3A_341 : vector<16xf32>
      %parallel_loop3A_343 = arith.constant 0 : i32
      %parallel_loop3A_344 = arith.index_cast %parallel_loop3A_343 : i32 to index
      %parallel_loop3A_345 = arith.index_cast %parallel_loop3A_334 : i32 to index
      %parallel_loop3A_346 = tpu.vector_load %arg4[%parallel_loop3A_344, %parallel_loop3A_345] {strides = array<i32>} : memref<2x8192xf32, #tpu.memory_space<vmem>>, vector<16xf32>,
      tpu.vector_store %arg4[%parallel_loop3A_344, %parallel_loop3A_345], %parallel_loop3A_342 {strides = array<i32>} : memref<2x8192xf32, #tpu.memory_space<vmem>>, vector<16xf32>,
      %parallel_loop3A_347 = arith.constant 1 : i32
      %parallel_loop3A_348 = arith.addi %parallel_loop3A_330, %parallel_loop3A_347 : i32
      %parallel_loop3A_349 = arith.constant 16 : i32
      %parallel_loop3A_350 = arith.muli %parallel_loop3A_348, %parallel_loop3A_349 : i32
      %parallel_loop3A_351 = arith.constant 0 : i32
      %parallel_loop3A_352 = arith.index_cast %parallel_loop3A_351 : i32 to index
      %parallel_loop3A_353 = arith.index_cast %parallel_loop3A_350 : i32 to index
      %parallel_loop3A_354 = tpu.vector_load %arg4[%parallel_loop3A_352, %parallel_loop3A_353] {strides = array<i32>} : memref<2x8192xf32, #tpu.memory_space<vmem>>, vector<16xf32>,
      %parallel_loop3A_355 = arith.subf %parallel_loop3A_354, %div3A : vector<16xf32>
      %parallel_loop3A_356 = arith.constant 0.000000e+00 : f32
      %parallel_loop3A_357 = vector.broadcast %parallel_loop3A_356 : f32 to vector<16xf32>
      %parallel_loop3A_358 = arith.maximumf %parallel_loop3A_355, %parallel_loop3A_357 : vector<16xf32>
      %parallel_loop3A_359 = arith.constant 0 : i32
      %parallel_loop3A_360 = arith.index_cast %parallel_loop3A_359 : i32 to index
      %parallel_loop3A_361 = arith.index_cast %parallel_loop3A_350 : i32 to index
      %parallel_loop3A_362 = tpu.vector_load %arg4[%parallel_loop3A_360, %parallel_loop3A_361] {strides = array<i32>} : memref<2x8192xf32, #tpu.memory_space<vmem>>, vector<16xf32>,
      tpu.vector_store %arg4[%parallel_loop3A_360, %parallel_loop3A_361], %parallel_loop3A_358 {strides = array<i32>} : memref<2x8192xf32, #tpu.memory_space<vmem>>, vector<16xf32>,
      %parallel_loop3A_363 = arith.constant 2 : i32
      %parallel_loop3A_364 = arith.addi %parallel_loop3A_330, %parallel_loop3A_363 : i32
      %parallel_loop3A_365 = arith.constant 16 : i32
      %parallel_loop3A_366 = arith.muli %parallel_loop3A_364, %parallel_loop3A_365 : i32
      %parallel_loop3A_367 = arith.constant 0 : i32
      %parallel_loop3A_368 = arith.index_cast %parallel_loop3A_367 : i32 to index
      %parallel_loop3A_369 = arith.index_cast %parallel_loop3A_366 : i32 to index
      %parallel_loop3A_370 = tpu.vector_load %arg4[%parallel_loop3A_368, %parallel_loop3A_369] {strides = array<i32>} : memref<2x8192xf32, #tpu.memory_space<vmem>>, vector<16xf32>,
      %parallel_loop3A_371 = arith.subf %parallel_loop3A_370, %div3A : vector<16xf32>
      %parallel_loop3A_372 = arith.constant 0.000000e+00 : f32
      %parallel_loop3A_373 = vector.broadcast %parallel_loop3A_372 : f32 to vector<16xf32>
      %parallel_loop3A_374 = arith.maximumf %parallel_loop3A_371, %parallel_loop3A_373 : vector<16xf32>
      %parallel_loop3A_375 = arith.constant 0 : i32
      %parallel_loop3A_376 = arith.index_cast %parallel_loop3A_375 : i32 to index
      %parallel_loop3A_377 = arith.index_cast %parallel_loop3A_366 : i32 to index
      %parallel_loop3A_378 = tpu.vector_load %arg4[%parallel_loop3A_376, %parallel_loop3A_377] {strides = array<i32>} : memref<2x8192xf32, #tpu.memory_space<vmem>>, vector<16xf32>,
      tpu.vector_store %arg4[%parallel_loop3A_376, %parallel_loop3A_377], %parallel_loop3A_374 {strides = array<i32>} : memref<2x8192xf32, #tpu.memory_space<vmem>>, vector<16xf32>,
      %parallel_loop3A_379 = arith.constant 3 : i32
      %parallel_loop3A_380 = arith.addi %parallel_loop3A_330, %parallel_loop3A_379 : i32
      %parallel_loop3A_381 = arith.constant 16 : i32
      %parallel_loop3A_382 = arith.muli %parallel_loop3A_380, %parallel_loop3A_381 : i32
      %parallel_loop3A_383 = arith.constant 0 : i32
      %parallel_loop3A_384 = arith.index_cast %parallel_loop3A_383 : i32 to index
      %parallel_loop3A_385 = arith.index_cast %parallel_loop3A_382 : i32 to index
      %parallel_loop3A_386 = tpu.vector_load %arg4[%parallel_loop3A_384, %parallel_loop3A_385] {strides = array<i32>} : memref<2x8192xf32, #tpu.memory_space<vmem>>, vector<16xf32>,
      %parallel_loop3A_387 = arith.subf %parallel_loop3A_386, %div3A : vector<16xf32>
      %parallel_loop3A_388 = arith.constant 0.000000e+00 : f32
      %parallel_loop3A_389 = vector.broadcast %parallel_loop3A_388 : f32 to vector<16xf32>
      %parallel_loop3A_390 = arith.maximumf %parallel_loop3A_387, %parallel_loop3A_389 : vector<16xf32>
      %parallel_loop3A_391 = arith.constant 0 : i32
      %parallel_loop3A_392 = arith.index_cast %parallel_loop3A_391 : i32 to index
      %parallel_loop3A_393 = arith.index_cast %parallel_loop3A_382 : i32 to index
      %parallel_loop3A_394 = tpu.vector_load %arg4[%parallel_loop3A_392, %parallel_loop3A_393] {strides = array<i32>} : memref<2x8192xf32, #tpu.memory_space<vmem>>, vector<16xf32>,
      tpu.vector_store %arg4[%parallel_loop3A_392, %parallel_loop3A_393], %parallel_loop3A_390 {strides = array<i32>} : memref<2x8192xf32, #tpu.memory_space<vmem>>, vector<16xf32>,
    } {sc.loop_unroll_factor = 2 : i64, sc.parallel_access}
    %dma_start3A_151 = arith.constant 0 : i32
    %dma_start3A_152 = arith.constant 0 : i32
    %dma_start3A_153 = tpu.memref_slice %arg4[%dma_start3A_151, %dma_start3A_152] : memref<2x8192xf32, #tpu.memory_space<vmem>> -> memref<1x8192xf32, #tpu.memory_space<vmem>>
    %dma_start3A_154 = arith.constant 0 : i32
    %dma_start3A_155 = tpu.memref_slice %arg3[%mul3A_2, %dma_start3A_154] : memref<64x8192xf32, #tpu.memory_space<hbm>> -> memref<1x8192xf32, #tpu.memory_space<hbm>>
    %dma_start3A_156 = arith.constant 0 : i32
    %dma_start3A_157 = tpu.memref_slice %arg3[%mul3A_2, %dma_start3A_156] : memref<64x8192xf32, #tpu.memory_space<hbm>> -> memref<1x8192xf32, #tpu.memory_space<hbm>>
    %dma_start3A_158 = arith.constant 0 : i32
    %dma_start3A_159 = arith.constant 0 : i32
    %dma_start3A_160 = tpu.memref_slice %arg4[%dma_start3A_158, %dma_start3A_159] : memref<2x8192xf32, #tpu.memory_space<vmem>> -> memref<1x8192xf32, #tpu.memory_space<vmem>>
    tpu.enqueue_dma source(%dma_start3A_160 : memref<1x8192xf32, #tpu.memory_space<vmem>>) target(%dma_start3A_157 : memref<1x8192xf32, #tpu.memory_space<hbm>>) target_semaphore(%arg8 : memref<!tpu.dma_semaphore, #tpu.memory_space<semaphore_mem>>)
    %dma_wait3A = arith.constant 1 : i32
    %dma_wait3A_161 = arith.constant 0 : i32
    %dma_wait3A_162 = tpu.memref_slice %arg4[%dma_wait3A, %dma_wait3A_161] : memref<2x8192xf32, #tpu.memory_space<vmem>> -> memref<1x8192xf32, #tpu.memory_space<vmem>>
    %dma_wait3A_163 = arith.constant 0 : i32
    %dma_wait3A_164 = tpu.memref_slice %arg2[%add3A_4, %dma_wait3A_163] : memref<64x8192xf32, #tpu.memory_space<hbm>> -> memref<1x8192xf32, #tpu.memory_space<hbm>>
    %dma_wait3A_165 = arith.constant 1 : i32
    %dma_wait3A_166 = arith.constant 0 : i32
    %dma_wait3A_167 = tpu.memref_slice %arg4[%dma_wait3A_165, %dma_wait3A_166] : memref<2x8192xf32, #tpu.memory_space<vmem>> -> memref<1x8192xf32, #tpu.memory_space<vmem>>
    %dma_wait3A_168 = arith.constant 0 : i32
    %dma_wait3A_169 = tpu.memref_slice %arg2[%add3A_4, %dma_wait3A_168] : memref<64x8192xf32, #tpu.memory_space<hbm>> -> memref<1x8192xf32, #tpu.memory_space<hbm>>
    tpu.wait_dma2 semaphore(%arg7 : memref<!tpu.dma_semaphore, #tpu.memory_space<semaphore_mem>>) src(%dma_wait3A_169 : memref<1x8192xf32, #tpu.memory_space<hbm>>) dst(%dma_wait3A_167 : memref<1x8192xf32, #tpu.memory_space<vmem>>)
    %broadcast_in_dim3A_170 = arith.constant 0xFF800000 : f32
    %broadcast_in_dim3A_171 = vector.broadcast %broadcast_in_dim3A_170 : f32 to vector<16xf32>
    %parallel_loop3A_172 = arith.constant 0 : i32
    %parallel_loop3A_173 = arith.constant 512 : i32
    %parallel_loop3A_174 = arith.constant 4 : i32
    %parallel_loop3A_175:4 = scf.for %parallel_loop3A_330 = %parallel_loop3A_172 to %parallel_loop3A_173 step %parallel_loop3A_174 iter_args(%parallel_loop3A_331 = %broadcast_in_dim3A_171, %parallel_loop3A_332 = %broadcast_in_dim3A_171, %parallel_loop3A_333 = %broadcast_in_dim3A_171, %parallel_loop3A_334 = %broadcast_in_dim3A_171) -> (vector<16xf32>, vector<16xf32>, vector<16xf32>, vector<16xf32>)  : i32 {
      %parallel_loop3A_335 = arith.constant 0 : i32
      %parallel_loop3A_336 = arith.addi %parallel_loop3A_330, %parallel_loop3A_335 : i32
      %parallel_loop3A_337 = arith.constant 16 : i32
      %parallel_loop3A_338 = arith.muli %parallel_loop3A_336, %parallel_loop3A_337 : i32
      %parallel_loop3A_339 = arith.constant 1 : i32
      %parallel_loop3A_340 = arith.index_cast %parallel_loop3A_339 : i32 to index
      %parallel_loop3A_341 = arith.index_cast %parallel_loop3A_338 : i32 to index
      %parallel_loop3A_342 = tpu.vector_load %arg4[%parallel_loop3A_340, %parallel_loop3A_341] {strides = array<i32>} : memref<2x8192xf32, #tpu.memory_space<vmem>>, vector<16xf32>,
      %parallel_loop3A_343 = arith.maximumf %parallel_loop3A_331, %parallel_loop3A_342 : vector<16xf32>
      %parallel_loop3A_344 = arith.constant 1 : i32
      %parallel_loop3A_345 = arith.addi %parallel_loop3A_330, %parallel_loop3A_344 : i32
      %parallel_loop3A_346 = arith.constant 16 : i32
      %parallel_loop3A_347 = arith.muli %parallel_loop3A_345, %parallel_loop3A_346 : i32
      %parallel_loop3A_348 = arith.constant 1 : i32
      %parallel_loop3A_349 = arith.index_cast %parallel_loop3A_348 : i32 to index
      %parallel_loop3A_350 = arith.index_cast %parallel_loop3A_347 : i32 to index
      %parallel_loop3A_351 = tpu.vector_load %arg4[%parallel_loop3A_349, %parallel_loop3A_350] {strides = array<i32>} : memref<2x8192xf32, #tpu.memory_space<vmem>>, vector<16xf32>,
      %parallel_loop3A_352 = arith.maximumf %parallel_loop3A_332, %parallel_loop3A_351 : vector<16xf32>
      %parallel_loop3A_353 = arith.constant 2 : i32
      %parallel_loop3A_354 = arith.addi %parallel_loop3A_330, %parallel_loop3A_353 : i32
      %parallel_loop3A_355 = arith.constant 16 : i32
      %parallel_loop3A_356 = arith.muli %parallel_loop3A_354, %parallel_loop3A_355 : i32
      %parallel_loop3A_357 = arith.constant 1 : i32
      %parallel_loop3A_358 = arith.index_cast %parallel_loop3A_357 : i32 to index
      %parallel_loop3A_359 = arith.index_cast %parallel_loop3A_356 : i32 to index
      %parallel_loop3A_360 = tpu.vector_load %arg4[%parallel_loop3A_358, %parallel_loop3A_359] {strides = array<i32>} : memref<2x8192xf32, #tpu.memory_space<vmem>>, vector<16xf32>,
      %parallel_loop3A_361 = arith.maximumf %parallel_loop3A_333, %parallel_loop3A_360 : vector<16xf32>
      %parallel_loop3A_362 = arith.constant 3 : i32
      %parallel_loop3A_363 = arith.addi %parallel_loop3A_330, %parallel_loop3A_362 : i32
      %parallel_loop3A_364 = arith.constant 16 : i32
      %parallel_loop3A_365 = arith.muli %parallel_loop3A_363, %parallel_loop3A_364 : i32
      %parallel_loop3A_366 = arith.constant 1 : i32
      %parallel_loop3A_367 = arith.index_cast %parallel_loop3A_366 : i32 to index
      %parallel_loop3A_368 = arith.index_cast %parallel_loop3A_365 : i32 to index
      %parallel_loop3A_369 = tpu.vector_load %arg4[%parallel_loop3A_367, %parallel_loop3A_368] {strides = array<i32>} : memref<2x8192xf32, #tpu.memory_space<vmem>>, vector<16xf32>,
      %parallel_loop3A_370 = arith.maximumf %parallel_loop3A_334, %parallel_loop3A_369 : vector<16xf32>
      scf.yield %parallel_loop3A_343, %parallel_loop3A_352, %parallel_loop3A_361, %parallel_loop3A_370 : vector<16xf32>, vector<16xf32>, vector<16xf32>, vector<16xf32>
    } {sc.loop_unroll_factor = 2 : i64, sc.parallel_access}
    %max3A_176 = arith.maximumf %parallel_loop3A_175#0, %parallel_loop3A_175#1 : vector<16xf32>
    %max3A_177 = arith.maximumf %parallel_loop3A_175#2, %parallel_loop3A_175#3 : vector<16xf32>
    %max3A_178 = arith.maximumf %max3A_176, %max3A_177 : vector<16xf32>
    %reduce_max3A_179 = arith.constant true
    %reduce_max3A_180 = vector.broadcast %reduce_max3A_179 : i1 to vector<16xi1>
    %reduce_max3A_181 = tpu.scan <max>, %max3A_178 masked %reduce_max3A_180 : vector<16xf32>, vector<16xi1> -> vector<16xf32>
    %reduce_max3A_182 = vector.extract %reduce_max3A_181[15] : f32 from vector<16xf32>
    %sub3A_183 = arith.constant 1.000000e+00 : f32
    %sub3A_184 = arith.subf %reduce_max3A_182, %sub3A_183 : f32
    %parallel_loop3A_185 = arith.constant 0 : i32
    %parallel_loop3A_186 = arith.constant 512 : i32
    %parallel_loop3A_187 = arith.constant 4 : i32
    %parallel_loop3A_188 = arith.constant 0 : i32
    %parallel_loop3A_189 = arith.constant 0 : i32
    %parallel_loop3A_190 = arith.constant 0 : i32
    %parallel_loop3A_191 = arith.constant 0 : i32
    %parallel_loop3A_192:4 = scf.for %parallel_loop3A_330 = %parallel_loop3A_185 to %parallel_loop3A_186 step %parallel_loop3A_187 iter_args(%parallel_loop3A_331 = %parallel_loop3A_188, %parallel_loop3A_332 = %parallel_loop3A_189, %parallel_loop3A_333 = %parallel_loop3A_190, %parallel_loop3A_334 = %parallel_loop3A_191) -> (i32, i32, i32, i32)  : i32 {
      %parallel_loop3A_335 = arith.constant 0 : i32
      %parallel_loop3A_336 = arith.addi %parallel_loop3A_330, %parallel_loop3A_335 : i32
      %parallel_loop3A_337 = arith.constant 16 : i32
      %parallel_loop3A_338 = arith.muli %parallel_loop3A_336, %parallel_loop3A_337 : i32
      %parallel_loop3A_339 = arith.constant 1 : i32
      %parallel_loop3A_340 = arith.index_cast %parallel_loop3A_339 : i32 to index
      %parallel_loop3A_341 = arith.index_cast %parallel_loop3A_338 : i32 to index
      %parallel_loop3A_342 = tpu.vector_load %arg4[%parallel_loop3A_340, %parallel_loop3A_341] {strides = array<i32>} : memref<2x8192xf32, #tpu.memory_space<vmem>>, vector<16xf32>,
      %parallel_loop3A_343 = vector.broadcast %sub3A_184 : f32 to vector<16xf32>
      %parallel_loop3A_344 = arith.cmpf ogt, %parallel_loop3A_342, %parallel_loop3A_343 : vector<16xf32>
      %parallel_loop3A_345 = arith.constant 0 : i32
      %parallel_loop3A_346 = arith.addi %parallel_loop3A_345, %parallel_loop3A_331 : i32
      %parallel_loop3A_347 = arith.index_cast %parallel_loop3A_346 : i32 to index
      %parallel_loop3A_348 = tpu.vector_load %arg5[%parallel_loop3A_347] masked %parallel_loop3A_344 {strides = array<i32>} : memref<8256xf32, #tpu.memory_space<vmem>>, vector<16xf32>, vector<16xi1>
      tpu.vector_store %arg5[%parallel_loop3A_347], %parallel_loop3A_342 masked %parallel_loop3A_344 {strides = array<i32>} : memref<8256xf32, #tpu.memory_space<vmem>>, vector<16xf32>, vector<16xi1>
      %parallel_loop3A_349 = tpu.all_reduce %parallel_loop3A_344 {dim = 0 : i64, kind = #tpu.reduction_kind<sum>} : vector<16xi1> -> vector<16xi32>
      %parallel_loop3A_350 = vector.extract_strided_slice %parallel_loop3A_349 {offsets = [0], sizes = [1], strides = [1]} : vector<16xi32> to vector<1xi32>
      %parallel_loop3A_351 = vector.extract %parallel_loop3A_350[0] : i32 from vector<1xi32>
      %parallel_loop3A_352 = arith.addi %parallel_loop3A_331, %parallel_loop3A_351 : i32
      %parallel_loop3A_353 = arith.constant 1 : i32
      %parallel_loop3A_354 = arith.addi %parallel_loop3A_330, %parallel_loop3A_353 : i32
      %parallel_loop3A_355 = arith.constant 16 : i32
      %parallel_loop3A_356 = arith.muli %parallel_loop3A_354, %parallel_loop3A_355 : i32
      %parallel_loop3A_357 = arith.constant 1 : i32
      %parallel_loop3A_358 = arith.index_cast %parallel_loop3A_357 : i32 to index
      %parallel_loop3A_359 = arith.index_cast %parallel_loop3A_356 : i32 to index
      %parallel_loop3A_360 = tpu.vector_load %arg4[%parallel_loop3A_358, %parallel_loop3A_359] {strides = array<i32>} : memref<2x8192xf32, #tpu.memory_space<vmem>>, vector<16xf32>,
      %parallel_loop3A_361 = vector.broadcast %sub3A_184 : f32 to vector<16xf32>
      %parallel_loop3A_362 = arith.cmpf ogt, %parallel_loop3A_360, %parallel_loop3A_361 : vector<16xf32>
      %parallel_loop3A_363 = arith.constant 2064 : i32
      %parallel_loop3A_364 = arith.addi %parallel_loop3A_363, %parallel_loop3A_332 : i32
      %parallel_loop3A_365 = arith.index_cast %parallel_loop3A_364 : i32 to index
      %parallel_loop3A_366 = tpu.vector_load %arg5[%parallel_loop3A_365] masked %parallel_loop3A_362 {strides = array<i32>} : memref<8256xf32, #tpu.memory_space<vmem>>, vector<16xf32>, vector<16xi1>
      tpu.vector_store %arg5[%parallel_loop3A_365], %parallel_loop3A_360 masked %parallel_loop3A_362 {strides = array<i32>} : memref<8256xf32, #tpu.memory_space<vmem>>, vector<16xf32>, vector<16xi1>
      %parallel_loop3A_367 = tpu.all_reduce %parallel_loop3A_362 {dim = 0 : i64, kind = #tpu.reduction_kind<sum>} : vector<16xi1> -> vector<16xi32>
      %parallel_loop3A_368 = vector.extract_strided_slice %parallel_loop3A_367 {offsets = [0], sizes = [1], strides = [1]} : vector<16xi32> to vector<1xi32>
      %parallel_loop3A_369 = vector.extract %parallel_loop3A_368[0] : i32 from vector<1xi32>
      %parallel_loop3A_370 = arith.addi %parallel_loop3A_332, %parallel_loop3A_369 : i32
      %parallel_loop3A_371 = arith.constant 2 : i32
      %parallel_loop3A_372 = arith.addi %parallel_loop3A_330, %parallel_loop3A_371 : i32
      %parallel_loop3A_373 = arith.constant 16 : i32
      %parallel_loop3A_374 = arith.muli %parallel_loop3A_372, %parallel_loop3A_373 : i32
      %parallel_loop3A_375 = arith.constant 1 : i32
      %parallel_loop3A_376 = arith.index_cast %parallel_loop3A_375 : i32 to index
      %parallel_loop3A_377 = arith.index_cast %parallel_loop3A_374 : i32 to index
      %parallel_loop3A_378 = tpu.vector_load %arg4[%parallel_loop3A_376, %parallel_loop3A_377] {strides = array<i32>} : memref<2x8192xf32, #tpu.memory_space<vmem>>, vector<16xf32>,
      %parallel_loop3A_379 = vector.broadcast %sub3A_184 : f32 to vector<16xf32>
      %parallel_loop3A_380 = arith.cmpf ogt, %parallel_loop3A_378, %parallel_loop3A_379 : vector<16xf32>
      %parallel_loop3A_381 = arith.constant 4128 : i32
      %parallel_loop3A_382 = arith.addi %parallel_loop3A_381, %parallel_loop3A_333 : i32
      %parallel_loop3A_383 = arith.index_cast %parallel_loop3A_382 : i32 to index
      %parallel_loop3A_384 = tpu.vector_load %arg5[%parallel_loop3A_383] masked %parallel_loop3A_380 {strides = array<i32>} : memref<8256xf32, #tpu.memory_space<vmem>>, vector<16xf32>, vector<16xi1>
      tpu.vector_store %arg5[%parallel_loop3A_383], %parallel_loop3A_378 masked %parallel_loop3A_380 {strides = array<i32>} : memref<8256xf32, #tpu.memory_space<vmem>>, vector<16xf32>, vector<16xi1>
      %parallel_loop3A_385 = tpu.all_reduce %parallel_loop3A_380 {dim = 0 : i64, kind = #tpu.reduction_kind<sum>} : vector<16xi1> -> vector<16xi32>
      %parallel_loop3A_386 = vector.extract_strided_slice %parallel_loop3A_385 {offsets = [0], sizes = [1], strides = [1]} : vector<16xi32> to vector<1xi32>
      %parallel_loop3A_387 = vector.extract %parallel_loop3A_386[0] : i32 from vector<1xi32>
      %parallel_loop3A_388 = arith.addi %parallel_loop3A_333, %parallel_loop3A_387 : i32
      %parallel_loop3A_389 = arith.constant 3 : i32
      %parallel_loop3A_390 = arith.addi %parallel_loop3A_330, %parallel_loop3A_389 : i32
      %parallel_loop3A_391 = arith.constant 16 : i32
      %parallel_loop3A_392 = arith.muli %parallel_loop3A_390, %parallel_loop3A_391 : i32
      %parallel_loop3A_393 = arith.constant 1 : i32
      %parallel_loop3A_394 = arith.index_cast %parallel_loop3A_393 : i32 to index
      %parallel_loop3A_395 = arith.index_cast %parallel_loop3A_392 : i32 to index
      %parallel_loop3A_396 = tpu.vector_load %arg4[%parallel_loop3A_394, %parallel_loop3A_395] {strides = array<i32>} : memref<2x8192xf32, #tpu.memory_space<vmem>>, vector<16xf32>,
      %parallel_loop3A_397 = vector.broadcast %sub3A_184 : f32 to vector<16xf32>
      %parallel_loop3A_398 = arith.cmpf ogt, %parallel_loop3A_396, %parallel_loop3A_397 : vector<16xf32>
      %parallel_loop3A_399 = arith.constant 6192 : i32
      %parallel_loop3A_400 = arith.addi %parallel_loop3A_399, %parallel_loop3A_334 : i32
      %parallel_loop3A_401 = arith.index_cast %parallel_loop3A_400 : i32 to index
      %parallel_loop3A_402 = tpu.vector_load %arg5[%parallel_loop3A_401] masked %parallel_loop3A_398 {strides = array<i32>} : memref<8256xf32, #tpu.memory_space<vmem>>, vector<16xf32>, vector<16xi1>
      tpu.vector_store %arg5[%parallel_loop3A_401], %parallel_loop3A_396 masked %parallel_loop3A_398 {strides = array<i32>} : memref<8256xf32, #tpu.memory_space<vmem>>, vector<16xf32>, vector<16xi1>
      %parallel_loop3A_403 = tpu.all_reduce %parallel_loop3A_398 {dim = 0 : i64, kind = #tpu.reduction_kind<sum>} : vector<16xi1> -> vector<16xi32>
      %parallel_loop3A_404 = vector.extract_strided_slice %parallel_loop3A_403 {offsets = [0], sizes = [1], strides = [1]} : vector<16xi32> to vector<1xi32>
      %parallel_loop3A_405 = vector.extract %parallel_loop3A_404[0] : i32 from vector<1xi32>
      %parallel_loop3A_406 = arith.addi %parallel_loop3A_334, %parallel_loop3A_405 : i32
      scf.yield %parallel_loop3A_352, %parallel_loop3A_370, %parallel_loop3A_388, %parallel_loop3A_406 : i32, i32, i32, i32
    } {sc.loop_unroll_factor = 2 : i64, sc.parallel_access}
    %broadcast_in_dim3A_193 = vector.broadcast %sub3A_184 : f32 to vector<16xf32>
    %add3A_194 = arith.constant 0 : i32
    %add3A_195 = arith.addi %add3A_194, %parallel_loop3A_192#0 : i32
    %swap3A_196 = arith.index_cast %add3A_195 : i32 to index
    %swap3A_197 = tpu.vector_load %arg5[%swap3A_196] {strides = array<i32>} : memref<8256xf32, #tpu.memory_space<vmem>>, vector<16xf32>,
    tpu.vector_store %arg5[%swap3A_196], %broadcast_in_dim3A_193 {strides = array<i32>} : memref<8256xf32, #tpu.memory_space<vmem>>, vector<16xf32>,
    %add3A_198 = arith.constant 15 : i32
    %add3A_199 = arith.addi %parallel_loop3A_192#0, %add3A_198 : i32
    %shift_right_arithmetic3A_200 = arith.constant 4 : i32
    %shift_right_arithmetic3A_201 = arith.shrsi %add3A_199, %shift_right_arithmetic3A_200 : i32
    %while3A_202 = arith.constant 0 : i32
    %while3A_203 = arith.constant 0 : i32
    %while3A_204 = arith.subi %shift_right_arithmetic3A_201, %while3A_202 : i32
    %while3A_205 = arith.addi %while3A_202, %while3A_204 : i32
    %while3A_206 = arith.constant 1 : i32
    %while3A_207 = arith.divsi %while3A_204, %while3A_206 : i32
    %while3A_208 = arith.muli %while3A_207, %while3A_206 : i32
    %while3A_209 = arith.addi %while3A_202, %while3A_208 : i32
    %while3A_210 = arith.constant 1 : i32
    %while3A_211 = scf.for %while3A_330 = %while3A_202 to %while3A_209 step %while3A_210 iter_args(%while3A_331 = %while3A_203) -> (i32)  : i32 {
      %mul3A_332 = arith.constant 16 : i32
      %mul3A_333 = arith.muli %while3A_330, %mul3A_332 : i32
      %add3A_334 = arith.constant 0 : i32
      %add3A_335 = arith.addi %add3A_334, %mul3A_333 : i32
      %get3A = arith.index_cast %add3A_335 : i32 to index
      %get3A_336 = tpu.vector_load %arg5[%get3A] {strides = array<i32>} : memref<8256xf32, #tpu.memory_space<vmem>>, vector<16xf32>,
      %mul3A_337 = arith.constant 16 : i32
      %mul3A_338 = arith.muli %while3A_331, %mul3A_337 : i32
      %swap3A_339 = arith.index_cast %mul3A_338 : i32 to index
      %swap3A_340 = tpu.vector_load %arg6[%swap3A_339] {strides = array<i32>} : memref<8288xf32, #tpu.memory_space<vmem>>, vector<16xf32>,
      tpu.vector_store %arg6[%swap3A_339], %get3A_336 {strides = array<i32>} : memref<8288xf32, #tpu.memory_space<vmem>>, vector<16xf32>,
      %add3A_341 = arith.constant 1 : i32
      %add3A_342 = arith.addi %while3A_331, %add3A_341 : i32
      scf.yield %add3A_342 : i32
    }
    %while3A_212 = arith.constant 1 : i32
    %while3A_213 = scf.for %while3A_330 = %while3A_209 to %while3A_205 step %while3A_212 iter_args(%while3A_331 = %while3A_211) -> (i32)  : i32 {
      %mul3A_332 = arith.constant 16 : i32
      %mul3A_333 = arith.muli %while3A_330, %mul3A_332 : i32
      %add3A_334 = arith.constant 0 : i32
      %add3A_335 = arith.addi %add3A_334, %mul3A_333 : i32
      %get3A = arith.index_cast %add3A_335 : i32 to index
      %get3A_336 = tpu.vector_load %arg5[%get3A] {strides = array<i32>} : memref<8256xf32, #tpu.memory_space<vmem>>, vector<16xf32>,
      %mul3A_337 = arith.constant 16 : i32
      %mul3A_338 = arith.muli %while3A_331, %mul3A_337 : i32
      %swap3A_339 = arith.index_cast %mul3A_338 : i32 to index
      %swap3A_340 = tpu.vector_load %arg6[%swap3A_339] {strides = array<i32>} : memref<8288xf32, #tpu.memory_space<vmem>>, vector<16xf32>,
      tpu.vector_store %arg6[%swap3A_339], %get3A_336 {strides = array<i32>} : memref<8288xf32, #tpu.memory_space<vmem>>, vector<16xf32>,
      %add3A_341 = arith.constant 1 : i32
      %add3A_342 = arith.addi %while3A_331, %add3A_341 : i32
      scf.yield %add3A_342 : i32
    }
    %add3A_214 = arith.constant 2064 : i32
    %add3A_215 = arith.addi %add3A_214, %parallel_loop3A_192#1 : i32
    %swap3A_216 = arith.index_cast %add3A_215 : i32 to index
    %swap3A_217 = tpu.vector_load %arg5[%swap3A_216] {strides = array<i32>} : memref<8256xf32, #tpu.memory_space<vmem>>, vector<16xf32>,
    tpu.vector_store %arg5[%swap3A_216], %broadcast_in_dim3A_193 {strides = array<i32>} : memref<8256xf32, #tpu.memory_space<vmem>>, vector<16xf32>,
    %add3A_218 = arith.constant 15 : i32
    %add3A_219 = arith.addi %parallel_loop3A_192#1, %add3A_218 : i32
    %shift_right_arithmetic3A_220 = arith.constant 4 : i32
    %shift_right_arithmetic3A_221 = arith.shrsi %add3A_219, %shift_right_arithmetic3A_220 : i32
    %while3A_222 = arith.constant 0 : i32
    %while3A_223 = arith.subi %shift_right_arithmetic3A_221, %while3A_222 : i32
    %while3A_224 = arith.addi %while3A_222, %while3A_223 : i32
    %while3A_225 = arith.constant 1 : i32
    %while3A_226 = arith.divsi %while3A_223, %while3A_225 : i32
    %while3A_227 = arith.muli %while3A_226, %while3A_225 : i32
    %while3A_228 = arith.addi %while3A_222, %while3A_227 : i32
    %while3A_229 = arith.constant 1 : i32
    %while3A_230 = scf.for %while3A_330 = %while3A_222 to %while3A_228 step %while3A_229 iter_args(%while3A_331 = %while3A_213) -> (i32)  : i32 {
      %mul3A_332 = arith.constant 16 : i32
      %mul3A_333 = arith.muli %while3A_330, %mul3A_332 : i32
      %add3A_334 = arith.constant 2064 : i32
      %add3A_335 = arith.addi %add3A_334, %mul3A_333 : i32
      %get3A = arith.index_cast %add3A_335 : i32 to index
      %get3A_336 = tpu.vector_load %arg5[%get3A] {strides = array<i32>} : memref<8256xf32, #tpu.memory_space<vmem>>, vector<16xf32>,
      %mul3A_337 = arith.constant 16 : i32
      %mul3A_338 = arith.muli %while3A_331, %mul3A_337 : i32
      %swap3A_339 = arith.index_cast %mul3A_338 : i32 to index
      %swap3A_340 = tpu.vector_load %arg6[%swap3A_339] {strides = array<i32>} : memref<8288xf32, #tpu.memory_space<vmem>>, vector<16xf32>,
      tpu.vector_store %arg6[%swap3A_339], %get3A_336 {strides = array<i32>} : memref<8288xf32, #tpu.memory_space<vmem>>, vector<16xf32>,
      %add3A_341 = arith.constant 1 : i32
      %add3A_342 = arith.addi %while3A_331, %add3A_341 : i32
      scf.yield %add3A_342 : i32
    }
    %while3A_231 = arith.constant 1 : i32
    %while3A_232 = scf.for %while3A_330 = %while3A_228 to %while3A_224 step %while3A_231 iter_args(%while3A_331 = %while3A_230) -> (i32)  : i32 {
      %mul3A_332 = arith.constant 16 : i32
      %mul3A_333 = arith.muli %while3A_330, %mul3A_332 : i32
      %add3A_334 = arith.constant 2064 : i32
      %add3A_335 = arith.addi %add3A_334, %mul3A_333 : i32
      %get3A = arith.index_cast %add3A_335 : i32 to index
      %get3A_336 = tpu.vector_load %arg5[%get3A] {strides = array<i32>} : memref<8256xf32, #tpu.memory_space<vmem>>, vector<16xf32>,
      %mul3A_337 = arith.constant 16 : i32
      %mul3A_338 = arith.muli %while3A_331, %mul3A_337 : i32
      %swap3A_339 = arith.index_cast %mul3A_338 : i32 to index
      %swap3A_340 = tpu.vector_load %arg6[%swap3A_339] {strides = array<i32>} : memref<8288xf32, #tpu.memory_space<vmem>>, vector<16xf32>,
      tpu.vector_store %arg6[%swap3A_339], %get3A_336 {strides = array<i32>} : memref<8288xf32, #tpu.memory_space<vmem>>, vector<16xf32>,
      %add3A_341 = arith.constant 1 : i32
      %add3A_342 = arith.addi %while3A_331, %add3A_341 : i32
      scf.yield %add3A_342 : i32
    }
    %add3A_233 = arith.constant 4128 : i32
    %add3A_234 = arith.addi %add3A_233, %parallel_loop3A_192#2 : i32
    %swap3A_235 = arith.index_cast %add3A_234 : i32 to index
    %swap3A_236 = tpu.vector_load %arg5[%swap3A_235] {strides = array<i32>} : memref<8256xf32, #tpu.memory_space<vmem>>, vector<16xf32>,
    tpu.vector_store %arg5[%swap3A_235], %broadcast_in_dim3A_193 {strides = array<i32>} : memref<8256xf32, #tpu.memory_space<vmem>>, vector<16xf32>,
    %add3A_237 = arith.constant 15 : i32
    %add3A_238 = arith.addi %parallel_loop3A_192#2, %add3A_237 : i32
    %shift_right_arithmetic3A_239 = arith.constant 4 : i32
    %shift_right_arithmetic3A_240 = arith.shrsi %add3A_238, %shift_right_arithmetic3A_239 : i32
    %while3A_241 = arith.constant 0 : i32
    %while3A_242 = arith.subi %shift_right_arithmetic3A_240, %while3A_241 : i32
    %while3A_243 = arith.addi %while3A_241, %while3A_242 : i32
    %while3A_244 = arith.constant 1 : i32
    %while3A_245 = arith.divsi %while3A_242, %while3A_244 : i32
    %while3A_246 = arith.muli %while3A_245, %while3A_244 : i32
    %while3A_247 = arith.addi %while3A_241, %while3A_246 : i32
    %while3A_248 = arith.constant 1 : i32
    %while3A_249 = scf.for %while3A_330 = %while3A_241 to %while3A_247 step %while3A_248 iter_args(%while3A_331 = %while3A_232) -> (i32)  : i32 {
      %mul3A_332 = arith.constant 16 : i32
      %mul3A_333 = arith.muli %while3A_330, %mul3A_332 : i32
      %add3A_334 = arith.constant 4128 : i32
      %add3A_335 = arith.addi %add3A_334, %mul3A_333 : i32
      %get3A = arith.index_cast %add3A_335 : i32 to index
      %get3A_336 = tpu.vector_load %arg5[%get3A] {strides = array<i32>} : memref<8256xf32, #tpu.memory_space<vmem>>, vector<16xf32>,
      %mul3A_337 = arith.constant 16 : i32
      %mul3A_338 = arith.muli %while3A_331, %mul3A_337 : i32
      %swap3A_339 = arith.index_cast %mul3A_338 : i32 to index
      %swap3A_340 = tpu.vector_load %arg6[%swap3A_339] {strides = array<i32>} : memref<8288xf32, #tpu.memory_space<vmem>>, vector<16xf32>,
      tpu.vector_store %arg6[%swap3A_339], %get3A_336 {strides = array<i32>} : memref<8288xf32, #tpu.memory_space<vmem>>, vector<16xf32>,
      %add3A_341 = arith.constant 1 : i32
      %add3A_342 = arith.addi %while3A_331, %add3A_341 : i32
      scf.yield %add3A_342 : i32
    }
    %while3A_250 = arith.constant 1 : i32
    %while3A_251 = scf.for %while3A_330 = %while3A_247 to %while3A_243 step %while3A_250 iter_args(%while3A_331 = %while3A_249) -> (i32)  : i32 {
      %mul3A_332 = arith.constant 16 : i32
      %mul3A_333 = arith.muli %while3A_330, %mul3A_332 : i32
      %add3A_334 = arith.constant 4128 : i32
      %add3A_335 = arith.addi %add3A_334, %mul3A_333 : i32
      %get3A = arith.index_cast %add3A_335 : i32 to index
      %get3A_336 = tpu.vector_load %arg5[%get3A] {strides = array<i32>} : memref<8256xf32, #tpu.memory_space<vmem>>, vector<16xf32>,
      %mul3A_337 = arith.constant 16 : i32
      %mul3A_338 = arith.muli %while3A_331, %mul3A_337 : i32
      %swap3A_339 = arith.index_cast %mul3A_338 : i32 to index
      %swap3A_340 = tpu.vector_load %arg6[%swap3A_339] {strides = array<i32>} : memref<8288xf32, #tpu.memory_space<vmem>>, vector<16xf32>,
      tpu.vector_store %arg6[%swap3A_339], %get3A_336 {strides = array<i32>} : memref<8288xf32, #tpu.memory_space<vmem>>, vector<16xf32>,
      %add3A_341 = arith.constant 1 : i32
      %add3A_342 = arith.addi %while3A_331, %add3A_341 : i32
      scf.yield %add3A_342 : i32
    }
    %add3A_252 = arith.constant 6192 : i32
    %add3A_253 = arith.addi %add3A_252, %parallel_loop3A_192#3 : i32
    %swap3A_254 = arith.index_cast %add3A_253 : i32 to index
    %swap3A_255 = tpu.vector_load %arg5[%swap3A_254] {strides = array<i32>} : memref<8256xf32, #tpu.memory_space<vmem>>, vector<16xf32>,
    tpu.vector_store %arg5[%swap3A_254], %broadcast_in_dim3A_193 {strides = array<i32>} : memref<8256xf32, #tpu.memory_space<vmem>>, vector<16xf32>,
    %add3A_256 = arith.constant 15 : i32
    %add3A_257 = arith.addi %parallel_loop3A_192#3, %add3A_256 : i32
    %shift_right_arithmetic3A_258 = arith.constant 4 : i32
    %shift_right_arithmetic3A_259 = arith.shrsi %add3A_257, %shift_right_arithmetic3A_258 : i32
    %while3A_260 = arith.constant 0 : i32
    %while3A_261 = arith.subi %shift_right_arithmetic3A_259, %while3A_260 : i32
    %while3A_262 = arith.addi %while3A_260, %while3A_261 : i32
    %while3A_263 = arith.constant 1 : i32
    %while3A_264 = arith.divsi %while3A_261, %while3A_263 : i32
    %while3A_265 = arith.muli %while3A_264, %while3A_263 : i32
    %while3A_266 = arith.addi %while3A_260, %while3A_265 : i32
    %while3A_267 = arith.constant 1 : i32
    %while3A_268 = scf.for %while3A_330 = %while3A_260 to %while3A_266 step %while3A_267 iter_args(%while3A_331 = %while3A_251) -> (i32)  : i32 {
      %mul3A_332 = arith.constant 16 : i32
      %mul3A_333 = arith.muli %while3A_330, %mul3A_332 : i32
      %add3A_334 = arith.constant 6192 : i32
      %add3A_335 = arith.addi %add3A_334, %mul3A_333 : i32
      %get3A = arith.index_cast %add3A_335 : i32 to index
      %get3A_336 = tpu.vector_load %arg5[%get3A] {strides = array<i32>} : memref<8256xf32, #tpu.memory_space<vmem>>, vector<16xf32>,
      %mul3A_337 = arith.constant 16 : i32
      %mul3A_338 = arith.muli %while3A_331, %mul3A_337 : i32
      %swap3A_339 = arith.index_cast %mul3A_338 : i32 to index
      %swap3A_340 = tpu.vector_load %arg6[%swap3A_339] {strides = array<i32>} : memref<8288xf32, #tpu.memory_space<vmem>>, vector<16xf32>,
      tpu.vector_store %arg6[%swap3A_339], %get3A_336 {strides = array<i32>} : memref<8288xf32, #tpu.memory_space<vmem>>, vector<16xf32>,
      %add3A_341 = arith.constant 1 : i32
      %add3A_342 = arith.addi %while3A_331, %add3A_341 : i32
      scf.yield %add3A_342 : i32
    }
    %while3A_269 = arith.constant 1 : i32
    %while3A_270 = scf.for %while3A_330 = %while3A_266 to %while3A_262 step %while3A_269 iter_args(%while3A_331 = %while3A_268) -> (i32)  : i32 {
      %mul3A_332 = arith.constant 16 : i32
      %mul3A_333 = arith.muli %while3A_330, %mul3A_332 : i32
      %add3A_334 = arith.constant 6192 : i32
      %add3A_335 = arith.addi %add3A_334, %mul3A_333 : i32
      %get3A = arith.index_cast %add3A_335 : i32 to index
      %get3A_336 = tpu.vector_load %arg5[%get3A] {strides = array<i32>} : memref<8256xf32, #tpu.memory_space<vmem>>, vector<16xf32>,
      %mul3A_337 = arith.constant 16 : i32
      %mul3A_338 = arith.muli %while3A_331, %mul3A_337 : i32
      %swap3A_339 = arith.index_cast %mul3A_338 : i32 to index
      %swap3A_340 = tpu.vector_load %arg6[%swap3A_339] {strides = array<i32>} : memref<8288xf32, #tpu.memory_space<vmem>>, vector<16xf32>,
      tpu.vector_store %arg6[%swap3A_339], %get3A_336 {strides = array<i32>} : memref<8288xf32, #tpu.memory_space<vmem>>, vector<16xf32>,
      %add3A_341 = arith.constant 1 : i32
      %add3A_342 = arith.addi %while3A_331, %add3A_341 : i32
      scf.yield %add3A_342 : i32
    }
    %mul3A_271 = arith.constant 16 : i32
    %mul3A_272 = arith.muli %while3A_270, %mul3A_271 : i32
    %swap3A_273 = arith.index_cast %mul3A_272 : i32 to index
    %swap3A_274 = tpu.vector_load %arg6[%swap3A_273] {strides = array<i32>} : memref<8288xf32, #tpu.memory_space<vmem>>, vector<16xf32>,
    tpu.vector_store %arg6[%swap3A_273], %broadcast_in_dim3A_193 {strides = array<i32>} : memref<8288xf32, #tpu.memory_space<vmem>>, vector<16xf32>,
    %add3A_275 = arith.constant 1 : i32
    %add3A_276 = arith.addi %while3A_270, %add3A_275 : i32
    %shift_right_arithmetic3A_277 = arith.constant 1 : i32
    %shift_right_arithmetic3A_278 = arith.shrsi %add3A_276, %shift_right_arithmetic3A_277 : i32
    %scan3A_279 = arith.constant 0 : i32
    %scan3A_280 = arith.constant 26 : i32
    %scan3A_281 = arith.addi %scan3A_279, %scan3A_280 : i32
    %scan3A_282 = arith.constant 1 : i32
    %scan3A_283:2 = scf.for %scan3A_330 = %scan3A_279 to %scan3A_281 step %scan3A_282 iter_args(%scan3A_331 = %sub3A_184, %scan3A_332 = %reduce_max3A_182) -> (f32, f32)  : i32 {
      %add3A_333 = arith.addf %scan3A_331, %scan3A_332 : f32
      %mul3A_334 = arith.constant 5.000000e-01 : f32
      %mul3A_335 = arith.mulf %mul3A_334, %add3A_333 : f32
      %broadcast_in_dim3A_336 = arith.constant 0.000000e+00 : f32
      %broadcast_in_dim3A_337 = vector.broadcast %broadcast_in_dim3A_336 : f32 to vector<16xf32>
      %while3A_338 = arith.constant 0 : i32
      %while3A_339 = arith.subi %shift_right_arithmetic3A_278, %while3A_338 : i32
      %while3A_340 = arith.addi %while3A_338, %while3A_339 : i32
      %while3A_341 = arith.constant 1 : i32
      %while3A_342 = arith.divsi %while3A_339, %while3A_341 : i32
      %while3A_343 = arith.muli %while3A_342, %while3A_341 : i32
      %while3A_344 = arith.addi %while3A_338, %while3A_343 : i32
      %while3A_345 = arith.constant 1 : i32
      %while3A_346:2 = scf.for %while3A_356 = %while3A_338 to %while3A_344 step %while3A_345 iter_args(%while3A_357 = %broadcast_in_dim3A_337, %while3A_358 = %broadcast_in_dim3A_337) -> (vector<16xf32>, vector<16xf32>)  : i32 {
        %mul3A_359 = arith.constant 2 : i32
        %mul3A_360 = arith.muli %mul3A_359, %while3A_356 : i32
        %mul3A_361 = arith.constant 16 : i32
        %mul3A_362 = arith.muli %mul3A_360, %mul3A_361 : i32
        %get3A = arith.index_cast %mul3A_362 : i32 to index
        %get3A_363 = tpu.vector_load %arg6[%get3A] {strides = array<i32>} : memref<8288xf32, #tpu.memory_space<vmem>>, vector<16xf32>,
        %mul3A_364 = arith.constant 2 : i32
        %mul3A_365 = arith.muli %mul3A_364, %while3A_356 : i32
        %add3A_366 = arith.constant 1 : i32
        %add3A_367 = arith.addi %mul3A_365, %add3A_366 : i32
        %mul3A_368 = arith.constant 16 : i32
        %mul3A_369 = arith.muli %add3A_367, %mul3A_368 : i32
        %get3A_370 = arith.index_cast %mul3A_369 : i32 to index
        %get3A_371 = tpu.vector_load %arg6[%get3A_370] {strides = array<i32>} : memref<8288xf32, #tpu.memory_space<vmem>>, vector<16xf32>,
        %sub3A_372 = vector.broadcast %mul3A_335 : f32 to vector<16xf32>
        %sub3A_373 = arith.subf %get3A_363, %sub3A_372 : vector<16xf32>
        %max3A_374 = arith.constant 0.000000e+00 : f32
        %max3A_375 = vector.broadcast %max3A_374 : f32 to vector<16xf32>
        %max3A_376 = arith.maximumf %sub3A_373, %max3A_375 : vector<16xf32>
        %add3A_377 = arith.addf %while3A_357, %max3A_376 : vector<16xf32>
        %sub3A_378 = vector.broadcast %mul3A_335 : f32 to vector<16xf32>
        %sub3A_379 = arith.subf %get3A_371, %sub3A_378 : vector<16xf32>
        %max3A_380 = arith.constant 0.000000e+00 : f32
        %max3A_381 = vector.broadcast %max3A_380 : f32 to vector<16xf32>
        %max3A_382 = arith.maximumf %sub3A_379, %max3A_381 : vector<16xf32>
        %add3A_383 = arith.addf %while3A_358, %max3A_382 : vector<16xf32>
        scf.yield %add3A_377, %add3A_383 : vector<16xf32>, vector<16xf32>
      }
      %while3A_347 = arith.constant 1 : i32
      %while3A_348:2 = scf.for %while3A_356 = %while3A_344 to %while3A_340 step %while3A_347 iter_args(%while3A_357 = %while3A_346#0, %while3A_358 = %while3A_346#1) -> (vector<16xf32>, vector<16xf32>)  : i32 {
        %mul3A_359 = arith.constant 2 : i32
        %mul3A_360 = arith.muli %mul3A_359, %while3A_356 : i32
        %mul3A_361 = arith.constant 16 : i32
        %mul3A_362 = arith.muli %mul3A_360, %mul3A_361 : i32
        %get3A = arith.index_cast %mul3A_362 : i32 to index
        %get3A_363 = tpu.vector_load %arg6[%get3A] {strides = array<i32>} : memref<8288xf32, #tpu.memory_space<vmem>>, vector<16xf32>,
        %mul3A_364 = arith.constant 2 : i32
        %mul3A_365 = arith.muli %mul3A_364, %while3A_356 : i32
        %add3A_366 = arith.constant 1 : i32
        %add3A_367 = arith.addi %mul3A_365, %add3A_366 : i32
        %mul3A_368 = arith.constant 16 : i32
        %mul3A_369 = arith.muli %add3A_367, %mul3A_368 : i32
        %get3A_370 = arith.index_cast %mul3A_369 : i32 to index
        %get3A_371 = tpu.vector_load %arg6[%get3A_370] {strides = array<i32>} : memref<8288xf32, #tpu.memory_space<vmem>>, vector<16xf32>,
        %sub3A_372 = vector.broadcast %mul3A_335 : f32 to vector<16xf32>
        %sub3A_373 = arith.subf %get3A_363, %sub3A_372 : vector<16xf32>
        %max3A_374 = arith.constant 0.000000e+00 : f32
        %max3A_375 = vector.broadcast %max3A_374 : f32 to vector<16xf32>
        %max3A_376 = arith.maximumf %sub3A_373, %max3A_375 : vector<16xf32>
        %add3A_377 = arith.addf %while3A_357, %max3A_376 : vector<16xf32>
        %sub3A_378 = vector.broadcast %mul3A_335 : f32 to vector<16xf32>
        %sub3A_379 = arith.subf %get3A_371, %sub3A_378 : vector<16xf32>
        %max3A_380 = arith.constant 0.000000e+00 : f32
        %max3A_381 = vector.broadcast %max3A_380 : f32 to vector<16xf32>
        %max3A_382 = arith.maximumf %sub3A_379, %max3A_381 : vector<16xf32>
        %add3A_383 = arith.addf %while3A_358, %max3A_382 : vector<16xf32>
        scf.yield %add3A_377, %add3A_383 : vector<16xf32>, vector<16xf32>
      }
      %add3A_349 = arith.addf %while3A_348#0, %while3A_348#1 : vector<16xf32>
      %reduce_sum3A_350 = arith.constant true
      %reduce_sum3A_351 = vector.broadcast %reduce_sum3A_350 : i1 to vector<16xi1>
      %reduce_sum3A_352 = tpu.scan <sum>, %add3A_349 masked %reduce_sum3A_351 : vector<16xf32>, vector<16xi1> -> vector<16xf32>
      %reduce_sum3A_353 = vector.extract %reduce_sum3A_352[15] : f32 from vector<16xf32>
      %ge3A = arith.constant 1.000000e+00 : f32
      %ge3A_354 = arith.cmpf oge, %reduce_sum3A_353, %ge3A : f32
      %select_n3A = arith.select %ge3A_354, %mul3A_335, %scan3A_331 : f32
      %select_n3A_355 = arith.select %ge3A_354, %scan3A_332, %mul3A_335 : f32
      scf.yield %select_n3A, %select_n3A_355 : f32, f32
    }
    %scan3A_284 = arith.constant 26 : i32
    %broadcast_in_dim3A_285 = arith.constant 0.000000e+00 : f32
    %broadcast_in_dim3A_286 = vector.broadcast %broadcast_in_dim3A_285 : f32 to vector<16xf32>
    %broadcast_in_dim3A_287 = arith.constant 0.000000e+00 : f32
    %broadcast_in_dim3A_288 = vector.broadcast %broadcast_in_dim3A_287 : f32 to vector<16xf32>
    %while3A_289 = arith.constant 0 : i32
    %while3A_290 = arith.subi %shift_right_arithmetic3A_278, %while3A_289 : i32
    %while3A_291 = arith.addi %while3A_289, %while3A_290 : i32
    %while3A_292 = arith.constant 1 : i32
    %while3A_293 = arith.divsi %while3A_290, %while3A_292 : i32
    %while3A_294 = arith.muli %while3A_293, %while3A_292 : i32
    %while3A_295 = arith.addi %while3A_289, %while3A_294 : i32
    %while3A_296 = arith.constant 1 : i32
    %while3A_297:2 = scf.for %while3A_330 = %while3A_289 to %while3A_295 step %while3A_296 iter_args(%while3A_331 = %broadcast_in_dim3A_286, %while3A_332 = %broadcast_in_dim3A_288) -> (vector<16xf32>, vector<16xf32>)  : i32 {
      %mul3A_333 = arith.constant 2 : i32
      %mul3A_334 = arith.muli %mul3A_333, %while3A_330 : i32
      %mul3A_335 = arith.constant 16 : i32
      %mul3A_336 = arith.muli %mul3A_334, %mul3A_335 : i32
      %get3A = arith.index_cast %mul3A_336 : i32 to index
      %get3A_337 = tpu.vector_load %arg6[%get3A] {strides = array<i32>} : memref<8288xf32, #tpu.memory_space<vmem>>, vector<16xf32>,
      %mul3A_338 = arith.constant 2 : i32
      %mul3A_339 = arith.muli %mul3A_338, %while3A_330 : i32
      %add3A_340 = arith.constant 1 : i32
      %add3A_341 = arith.addi %mul3A_339, %add3A_340 : i32
      %mul3A_342 = arith.constant 16 : i32
      %mul3A_343 = arith.muli %add3A_341, %mul3A_342 : i32
      %get3A_344 = arith.index_cast %mul3A_343 : i32 to index
      %get3A_345 = tpu.vector_load %arg6[%get3A_344] {strides = array<i32>} : memref<8288xf32, #tpu.memory_space<vmem>>, vector<16xf32>,
      %gt3A = vector.broadcast %scan3A_283#0 : f32 to vector<16xf32>
      %gt3A_346 = arith.cmpf ogt, %get3A_337, %gt3A : vector<16xf32>
      %gt3A_347 = vector.broadcast %scan3A_283#0 : f32 to vector<16xf32>
      %gt3A_348 = arith.cmpf ogt, %get3A_345, %gt3A_347 : vector<16xf32>
      %jit3A = arith.constant 0.000000e+00 : f32
      %broadcast_in_dim3A_349 = vector.broadcast %jit3A : f32 to vector<16xf32>
      %select_n3A = arith.select %gt3A_346, %get3A_337, %broadcast_in_dim3A_349 : vector<16xi1>, vector<16xf32>
      %add3A_350 = arith.addf %while3A_331, %select_n3A : vector<16xf32>
      %jit3A_351 = arith.constant 0.000000e+00 : f32
      %broadcast_in_dim3A_352 = vector.broadcast %jit3A_351 : f32 to vector<16xf32>
      %select_n3A_353 = arith.select %gt3A_348, %get3A_345, %broadcast_in_dim3A_352 : vector<16xi1>, vector<16xf32>
      %add3A_354 = arith.addf %add3A_350, %select_n3A_353 : vector<16xf32>
      %convert_element_type3A = arith.extui %gt3A_346 : vector<16xi1> to vector<16xi32>
      %convert_element_type3A_355 = arith.sitofp %convert_element_type3A : vector<16xi32> to vector<16xf32>
      %add3A_356 = arith.addf %while3A_332, %convert_element_type3A_355 : vector<16xf32>
      %convert_element_type3A_357 = arith.extui %gt3A_348 : vector<16xi1> to vector<16xi32>
      %convert_element_type3A_358 = arith.sitofp %convert_element_type3A_357 : vector<16xi32> to vector<16xf32>
      %add3A_359 = arith.addf %add3A_356, %convert_element_type3A_358 : vector<16xf32>
      scf.yield %add3A_354, %add3A_359 : vector<16xf32>, vector<16xf32>
    }
    %while3A_298 = arith.constant 1 : i32
    %while3A_299:2 = scf.for %while3A_330 = %while3A_295 to %while3A_291 step %while3A_298 iter_args(%while3A_331 = %while3A_297#0, %while3A_332 = %while3A_297#1) -> (vector<16xf32>, vector<16xf32>)  : i32 {
      %mul3A_333 = arith.constant 2 : i32
      %mul3A_334 = arith.muli %mul3A_333, %while3A_330 : i32
      %mul3A_335 = arith.constant 16 : i32
      %mul3A_336 = arith.muli %mul3A_334, %mul3A_335 : i32
      %get3A = arith.index_cast %mul3A_336 : i32 to index
      %get3A_337 = tpu.vector_load %arg6[%get3A] {strides = array<i32>} : memref<8288xf32, #tpu.memory_space<vmem>>, vector<16xf32>,
      %mul3A_338 = arith.constant 2 : i32
      %mul3A_339 = arith.muli %mul3A_338, %while3A_330 : i32
      %add3A_340 = arith.constant 1 : i32
      %add3A_341 = arith.addi %mul3A_339, %add3A_340 : i32
      %mul3A_342 = arith.constant 16 : i32
      %mul3A_343 = arith.muli %add3A_341, %mul3A_342 : i32
      %get3A_344 = arith.index_cast %mul3A_343 : i32 to index
      %get3A_345 = tpu.vector_load %arg6[%get3A_344] {strides = array<i32>} : memref<8288xf32, #tpu.memory_space<vmem>>, vector<16xf32>,
      %gt3A = vector.broadcast %scan3A_283#0 : f32 to vector<16xf32>
      %gt3A_346 = arith.cmpf ogt, %get3A_337, %gt3A : vector<16xf32>
      %gt3A_347 = vector.broadcast %scan3A_283#0 : f32 to vector<16xf32>
      %gt3A_348 = arith.cmpf ogt, %get3A_345, %gt3A_347 : vector<16xf32>
      %jit3A = arith.constant 0.000000e+00 : f32
      %broadcast_in_dim3A_349 = vector.broadcast %jit3A : f32 to vector<16xf32>
      %select_n3A = arith.select %gt3A_346, %get3A_337, %broadcast_in_dim3A_349 : vector<16xi1>, vector<16xf32>
      %add3A_350 = arith.addf %while3A_331, %select_n3A : vector<16xf32>
      %jit3A_351 = arith.constant 0.000000e+00 : f32
      %broadcast_in_dim3A_352 = vector.broadcast %jit3A_351 : f32 to vector<16xf32>
      %select_n3A_353 = arith.select %gt3A_348, %get3A_345, %broadcast_in_dim3A_352 : vector<16xi1>, vector<16xf32>
      %add3A_354 = arith.addf %add3A_350, %select_n3A_353 : vector<16xf32>
      %convert_element_type3A = arith.extui %gt3A_346 : vector<16xi1> to vector<16xi32>
      %convert_element_type3A_355 = arith.sitofp %convert_element_type3A : vector<16xi32> to vector<16xf32>
      %add3A_356 = arith.addf %while3A_332, %convert_element_type3A_355 : vector<16xf32>
      %convert_element_type3A_357 = arith.extui %gt3A_348 : vector<16xi1> to vector<16xi32>
      %convert_element_type3A_358 = arith.sitofp %convert_element_type3A_357 : vector<16xi32> to vector<16xf32>
      %add3A_359 = arith.addf %add3A_356, %convert_element_type3A_358 : vector<16xf32>
      scf.yield %add3A_354, %add3A_359 : vector<16xf32>, vector<16xf32>
    }
    %reduce_sum3A_300 = arith.constant true
    %reduce_sum3A_301 = vector.broadcast %reduce_sum3A_300 : i1 to vector<16xi1>
    %reduce_sum3A_302 = tpu.scan <sum>, %while3A_299#0 masked %reduce_sum3A_301 : vector<16xf32>, vector<16xi1> -> vector<16xf32>
    %reduce_sum3A_303 = vector.extract %reduce_sum3A_302[15] : f32 from vector<16xf32>
    %sub3A_304 = arith.constant 1.000000e+00 : f32
    %sub3A_305 = arith.subf %reduce_sum3A_303, %sub3A_304 : f32
    %broadcast_in_dim3A_306 = vector.broadcast %sub3A_305 : f32 to vector<16xf32>
    %reduce_sum3A_307 = arith.constant true
    %reduce_sum3A_308 = vector.broadcast %reduce_sum3A_307 : i1 to vector<16xi1>
    %reduce_sum3A_309 = tpu.scan <sum>, %while3A_299#1 masked %reduce_sum3A_308 : vector<16xf32>, vector<16xi1> -> vector<16xf32>
    %reduce_sum3A_310 = vector.extract %reduce_sum3A_309[15] : f32 from vector<16xf32>
    %max3A_311 = arith.constant 1.000000e+00 : f32
    %max3A_312 = arith.maximumf %reduce_sum3A_310, %max3A_311 : f32
    %broadcast_in_dim3A_313 = vector.broadcast %max3A_312 : f32 to vector<16xf32>
    %div3A_314 = arith.divf %broadcast_in_dim3A_306, %broadcast_in_dim3A_313 : vector<16xf32>
    %parallel_loop3A_315 = arith.constant 0 : i32
    %parallel_loop3A_316 = arith.constant 512 : i32
    %parallel_loop3A_317 = arith.constant 4 : i32
    scf.for %parallel_loop3A_330 = %parallel_loop3A_315 to %parallel_loop3A_316 step %parallel_loop3A_317  : i32 {
      %parallel_loop3A_331 = arith.constant 0 : i32
      %parallel_loop3A_332 = arith.addi %parallel_loop3A_330, %parallel_loop3A_331 : i32
      %parallel_loop3A_333 = arith.constant 16 : i32
      %parallel_loop3A_334 = arith.muli %parallel_loop3A_332, %parallel_loop3A_333 : i32
      %parallel_loop3A_335 = arith.constant 1 : i32
      %parallel_loop3A_336 = arith.index_cast %parallel_loop3A_335 : i32 to index
      %parallel_loop3A_337 = arith.index_cast %parallel_loop3A_334 : i32 to index
      %parallel_loop3A_338 = tpu.vector_load %arg4[%parallel_loop3A_336, %parallel_loop3A_337] {strides = array<i32>} : memref<2x8192xf32, #tpu.memory_space<vmem>>, vector<16xf32>,
      %parallel_loop3A_339 = arith.subf %parallel_loop3A_338, %div3A_314 : vector<16xf32>
      %parallel_loop3A_340 = arith.constant 0.000000e+00 : f32
      %parallel_loop3A_341 = vector.broadcast %parallel_loop3A_340 : f32 to vector<16xf32>
      %parallel_loop3A_342 = arith.maximumf %parallel_loop3A_339, %parallel_loop3A_341 : vector<16xf32>
      %parallel_loop3A_343 = arith.constant 1 : i32
      %parallel_loop3A_344 = arith.index_cast %parallel_loop3A_343 : i32 to index
      %parallel_loop3A_345 = arith.index_cast %parallel_loop3A_334 : i32 to index
      %parallel_loop3A_346 = tpu.vector_load %arg4[%parallel_loop3A_344, %parallel_loop3A_345] {strides = array<i32>} : memref<2x8192xf32, #tpu.memory_space<vmem>>, vector<16xf32>,
      tpu.vector_store %arg4[%parallel_loop3A_344, %parallel_loop3A_345], %parallel_loop3A_342 {strides = array<i32>} : memref<2x8192xf32, #tpu.memory_space<vmem>>, vector<16xf32>,
      %parallel_loop3A_347 = arith.constant 1 : i32
      %parallel_loop3A_348 = arith.addi %parallel_loop3A_330, %parallel_loop3A_347 : i32
      %parallel_loop3A_349 = arith.constant 16 : i32
      %parallel_loop3A_350 = arith.muli %parallel_loop3A_348, %parallel_loop3A_349 : i32
      %parallel_loop3A_351 = arith.constant 1 : i32
      %parallel_loop3A_352 = arith.index_cast %parallel_loop3A_351 : i32 to index
      %parallel_loop3A_353 = arith.index_cast %parallel_loop3A_350 : i32 to index
      %parallel_loop3A_354 = tpu.vector_load %arg4[%parallel_loop3A_352, %parallel_loop3A_353] {strides = array<i32>} : memref<2x8192xf32, #tpu.memory_space<vmem>>, vector<16xf32>,
      %parallel_loop3A_355 = arith.subf %parallel_loop3A_354, %div3A_314 : vector<16xf32>
      %parallel_loop3A_356 = arith.constant 0.000000e+00 : f32
      %parallel_loop3A_357 = vector.broadcast %parallel_loop3A_356 : f32 to vector<16xf32>
      %parallel_loop3A_358 = arith.maximumf %parallel_loop3A_355, %parallel_loop3A_357 : vector<16xf32>
      %parallel_loop3A_359 = arith.constant 1 : i32
      %parallel_loop3A_360 = arith.index_cast %parallel_loop3A_359 : i32 to index
      %parallel_loop3A_361 = arith.index_cast %parallel_loop3A_350 : i32 to index
      %parallel_loop3A_362 = tpu.vector_load %arg4[%parallel_loop3A_360, %parallel_loop3A_361] {strides = array<i32>} : memref<2x8192xf32, #tpu.memory_space<vmem>>, vector<16xf32>,
      tpu.vector_store %arg4[%parallel_loop3A_360, %parallel_loop3A_361], %parallel_loop3A_358 {strides = array<i32>} : memref<2x8192xf32, #tpu.memory_space<vmem>>, vector<16xf32>,
      %parallel_loop3A_363 = arith.constant 2 : i32
      %parallel_loop3A_364 = arith.addi %parallel_loop3A_330, %parallel_loop3A_363 : i32
      %parallel_loop3A_365 = arith.constant 16 : i32
      %parallel_loop3A_366 = arith.muli %parallel_loop3A_364, %parallel_loop3A_365 : i32
      %parallel_loop3A_367 = arith.constant 1 : i32
      %parallel_loop3A_368 = arith.index_cast %parallel_loop3A_367 : i32 to index
      %parallel_loop3A_369 = arith.index_cast %parallel_loop3A_366 : i32 to index
      %parallel_loop3A_370 = tpu.vector_load %arg4[%parallel_loop3A_368, %parallel_loop3A_369] {strides = array<i32>} : memref<2x8192xf32, #tpu.memory_space<vmem>>, vector<16xf32>,
      %parallel_loop3A_371 = arith.subf %parallel_loop3A_370, %div3A_314 : vector<16xf32>
      %parallel_loop3A_372 = arith.constant 0.000000e+00 : f32
      %parallel_loop3A_373 = vector.broadcast %parallel_loop3A_372 : f32 to vector<16xf32>
      %parallel_loop3A_374 = arith.maximumf %parallel_loop3A_371, %parallel_loop3A_373 : vector<16xf32>
      %parallel_loop3A_375 = arith.constant 1 : i32
      %parallel_loop3A_376 = arith.index_cast %parallel_loop3A_375 : i32 to index
      %parallel_loop3A_377 = arith.index_cast %parallel_loop3A_366 : i32 to index
      %parallel_loop3A_378 = tpu.vector_load %arg4[%parallel_loop3A_376, %parallel_loop3A_377] {strides = array<i32>} : memref<2x8192xf32, #tpu.memory_space<vmem>>, vector<16xf32>,
      tpu.vector_store %arg4[%parallel_loop3A_376, %parallel_loop3A_377], %parallel_loop3A_374 {strides = array<i32>} : memref<2x8192xf32, #tpu.memory_space<vmem>>, vector<16xf32>,
      %parallel_loop3A_379 = arith.constant 3 : i32
      %parallel_loop3A_380 = arith.addi %parallel_loop3A_330, %parallel_loop3A_379 : i32
      %parallel_loop3A_381 = arith.constant 16 : i32
      %parallel_loop3A_382 = arith.muli %parallel_loop3A_380, %parallel_loop3A_381 : i32
      %parallel_loop3A_383 = arith.constant 1 : i32
      %parallel_loop3A_384 = arith.index_cast %parallel_loop3A_383 : i32 to index
      %parallel_loop3A_385 = arith.index_cast %parallel_loop3A_382 : i32 to index
      %parallel_loop3A_386 = tpu.vector_load %arg4[%parallel_loop3A_384, %parallel_loop3A_385] {strides = array<i32>} : memref<2x8192xf32, #tpu.memory_space<vmem>>, vector<16xf32>,
      %parallel_loop3A_387 = arith.subf %parallel_loop3A_386, %div3A_314 : vector<16xf32>
      %parallel_loop3A_388 = arith.constant 0.000000e+00 : f32
      %parallel_loop3A_389 = vector.broadcast %parallel_loop3A_388 : f32 to vector<16xf32>
      %parallel_loop3A_390 = arith.maximumf %parallel_loop3A_387, %parallel_loop3A_389 : vector<16xf32>
      %parallel_loop3A_391 = arith.constant 1 : i32
      %parallel_loop3A_392 = arith.index_cast %parallel_loop3A_391 : i32 to index
      %parallel_loop3A_393 = arith.index_cast %parallel_loop3A_382 : i32 to index
      %parallel_loop3A_394 = tpu.vector_load %arg4[%parallel_loop3A_392, %parallel_loop3A_393] {strides = array<i32>} : memref<2x8192xf32, #tpu.memory_space<vmem>>, vector<16xf32>,
      tpu.vector_store %arg4[%parallel_loop3A_392, %parallel_loop3A_393], %parallel_loop3A_390 {strides = array<i32>} : memref<2x8192xf32, #tpu.memory_space<vmem>>, vector<16xf32>,
    } {sc.loop_unroll_factor = 2 : i64, sc.parallel_access}
    %add3A_318 = arith.constant 1 : i32
    %add3A_319 = arith.addi %mul3A_2, %add3A_318 : i32
    "tpu.region"() ({
      %run_scoped3A = tpu.sem_alloc : memref<!tpu.dma_semaphore, #tpu.memory_space<semaphore_mem>>
      %dma_start3A_330 = arith.constant 1 : i32
      %dma_start3A_331 = arith.constant 0 : i32
      %dma_start3A_332 = tpu.memref_slice %arg4[%dma_start3A_330, %dma_start3A_331] : memref<2x8192xf32, #tpu.memory_space<vmem>> -> memref<1x8192xf32, #tpu.memory_space<vmem>>
      %dma_start3A_333 = arith.constant 0 : i32
      %dma_start3A_334 = tpu.memref_slice %arg3[%add3A_319, %dma_start3A_333] : memref<64x8192xf32, #tpu.memory_space<hbm>> -> memref<1x8192xf32, #tpu.memory_space<hbm>>
      %dma_start3A_335 = arith.constant 0 : i32
      %dma_start3A_336 = tpu.memref_slice %arg3[%add3A_319, %dma_start3A_335] : memref<64x8192xf32, #tpu.memory_space<hbm>> -> memref<1x8192xf32, #tpu.memory_space<hbm>>
      %dma_start3A_337 = arith.constant 1 : i32
      %dma_start3A_338 = arith.constant 0 : i32
      %dma_start3A_339 = tpu.memref_slice %arg4[%dma_start3A_337, %dma_start3A_338] : memref<2x8192xf32, #tpu.memory_space<vmem>> -> memref<1x8192xf32, #tpu.memory_space<vmem>>
      tpu.enqueue_dma source(%dma_start3A_339 : memref<1x8192xf32, #tpu.memory_space<vmem>>) target(%dma_start3A_336 : memref<1x8192xf32, #tpu.memory_space<hbm>>) target_semaphore(%run_scoped3A : memref<!tpu.dma_semaphore, #tpu.memory_space<semaphore_mem>>)
      %dma_wait3A_340 = arith.constant 1 : i32
      %dma_wait3A_341 = arith.constant 0 : i32
      %dma_wait3A_342 = tpu.memref_slice %arg4[%dma_wait3A_340, %dma_wait3A_341] : memref<2x8192xf32, #tpu.memory_space<vmem>> -> memref<1x8192xf32, #tpu.memory_space<vmem>>
      %dma_wait3A_343 = arith.constant 0 : i32
      %dma_wait3A_344 = tpu.memref_slice %arg3[%add3A_319, %dma_wait3A_343] : memref<64x8192xf32, #tpu.memory_space<hbm>> -> memref<1x8192xf32, #tpu.memory_space<hbm>>
      %dma_wait3A_345 = arith.constant 0 : i32
      %dma_wait3A_346 = tpu.memref_slice %arg3[%add3A_319, %dma_wait3A_345] : memref<64x8192xf32, #tpu.memory_space<hbm>> -> memref<1x8192xf32, #tpu.memory_space<hbm>>
      %dma_wait3A_347 = arith.constant 1 : i32
      %dma_wait3A_348 = arith.constant 0 : i32
      %dma_wait3A_349 = tpu.memref_slice %arg4[%dma_wait3A_347, %dma_wait3A_348] : memref<2x8192xf32, #tpu.memory_space<vmem>> -> memref<1x8192xf32, #tpu.memory_space<vmem>>
      tpu.wait_dma2 semaphore(%run_scoped3A : memref<!tpu.dma_semaphore, #tpu.memory_space<semaphore_mem>>) src(%dma_wait3A_349 : memref<1x8192xf32, #tpu.memory_space<vmem>>) dst(%dma_wait3A_346 : memref<1x8192xf32, #tpu.memory_space<hbm>>)
      tpu.yield
    }) : () -> ()
    %dma_wait3A_320 = arith.constant 0 : i32
    %dma_wait3A_321 = arith.constant 0 : i32
    %dma_wait3A_322 = tpu.memref_slice %arg4[%dma_wait3A_320, %dma_wait3A_321] : memref<2x8192xf32, #tpu.memory_space<vmem>> -> memref<1x8192xf32, #tpu.memory_space<vmem>>
    %dma_wait3A_323 = arith.constant 0 : i32
    %dma_wait3A_324 = tpu.memref_slice %arg3[%mul3A_2, %dma_wait3A_323] : memref<64x8192xf32, #tpu.memory_space<hbm>> -> memref<1x8192xf32, #tpu.memory_space<hbm>>
    %dma_wait3A_325 = arith.constant 0 : i32
    %dma_wait3A_326 = tpu.memref_slice %arg3[%mul3A_2, %dma_wait3A_325] : memref<64x8192xf32, #tpu.memory_space<hbm>> -> memref<1x8192xf32, #tpu.memory_space<hbm>>
    %dma_wait3A_327 = arith.constant 0 : i32
    %dma_wait3A_328 = arith.constant 0 : i32
    %dma_wait3A_329 = tpu.memref_slice %arg4[%dma_wait3A_327, %dma_wait3A_328] : memref<2x8192xf32, #tpu.memory_space<vmem>> -> memref<1x8192xf32, #tpu.memory_space<vmem>>
    tpu.wait_dma2 semaphore(%arg8 : memref<!tpu.dma_semaphore, #tpu.memory_space<semaphore_mem>>) src(%dma_wait3A_329 : memref<1x8192xf32, #tpu.memory_space<vmem>>) dst(%dma_wait3A_326 : memref<1x8192xf32, #tpu.memory_space<hbm>>)
    return
  }
}

</mosaic_0001>

<sc_bundles>
// kernel: kernel.3.cloned.1.call-start
scs
__scs_entry_jumppad:
0x0: {  	(pc) =	sbr.rel $0x88, $3  }
0x1: {  	(tag) =	ssettag $0x0;
	lr =	simm.s32 $0x1  }
0x2: {  	[smem:$0x3FA0] =	sst lr;
	_ =	strace $0xD0000000  }
0x3: {  	_ = 	snop  }
0x4: {  	_ = 	snop  }
0x5: {  	_ = 	snop  }
0x6: {  	_ = 	snop  }
0x7: {  	_ = 	snop  }
__scs_overlays_trampoline_lowered:
0x8: {  	[smem:$0x3FAF] =	sst s0  }
0x9: {  	[smem:$0x3FB0] =	sst s1  }
0xa: {  	[smem:$0x3FB1] =	sst s2  }
0xb: {  	[smem:$0x3FB2] =	sst s3  }
0xc: {  	[smem:$0x3FB3] =	sst s4  }
0xd: {  	[smem:$0x3FB4] =	sst s5  }
0xe: {  	[smem:$0x3FB5] =	sst s6  }
0xf: {  	[smem:$0x3FB6] =	sst s7  }
0x10: {  	[smem:$0x3FB7] =	sst s8  }
0x11: {  	[smem:$0x3FB8] =	sst s9;
	s0 =	simm.s32 @!p0 $0x0  }
0x12: {  	s1 =	sld [smem:$0x3F9E];
	s0 =	simm.s32 @p0 $0x1  }
0x13: {  	[smem:$0x3FB9] =	sst s0;
	s0 =	simm.s32 @!p1 $0x0  }
0x14: {  	s2 =	sld [smem:$0x3F9D];
	s0 =	simm.s32 @p1 $0x1  }
0x15: {  	[smem:$0x3FBA] =	sst s0;
	s0 =	simm.s32 @!p2 $0x0  }
0x16: {  	s3 =	sld [smem:$0x3FDB];
	s0 =	simm.s32 @p2 $0x1  }
0x17: {  	s4 =	simm.s32 $0x1BF5;
	[smem:$0x3FBC] =	sst s0  }
0x18: {  	s0 =	sld [smem:$0x3F9F];
	_ =	swait.ge [sflag:s4], $0x0  }
0x19: {  	s7 =	sld [smem:$0x3FA0]  }
0x1a: {  	s8 =	sadd.s32 $0xFFFFE003, lr  }
0x1b: {  	s9 =	sadd.s32 $0xFFFFFEF7, lr;
	s5 =	simm.s32 $0xFFFFFFFF;
	p2 =	slt.u32 s8, $0xFFFFF086  }
0x1c: {  	p1 =	slt.u32 s9, $0xF7A;
	s5 =	simm.s32 @!p2 $0x0  }
0x1d: {  	s5 =	simm.s32 @p1 $0x1;
	p0 =	seq.s32 s7, s2  }
0x1e: {  	s7 =	smul.u32 @!p0 $0xF7A, s2;
	p2 =	seq.s32 @!p0 s5, $0x0  }
0x1f: {  	s9 =	smul.u32 $0xF7A, s1;
	s8 =	simm.s32 @!p0 $0x1BF5;
	p2 =	por !p2, p0  }
0x20: {  	[sflag:s8] =	ssyncset.s32 @!p0 $0xFFFFF086;
	s6 =	sadd.s32 @!p0 s3, s7;
	s7 =	simm.s32 @!p0 $0x108  }
0x21: {  	s3 =	sadd.s32 s3, s9;
	s6 =	sadd.s32 @!p0 $0x88, s6;
	s7 =	simm.s32 @p2 $0x1082  }
0x22: {  	[simem:s7], [sflag:s8] =	dma.local @!p0 [hbm:s6], $0xF7A  }
0x23: {  	s9 =	sor.u32 $0xD0000000, s2;
	s6 =	simm.s32 $0x108;
	_ =	swait.ge @!p0 [sflag:s8], $0x0  }
0x24: {  	s3 =	sadd.s32 $0x88, s3;
	s6 =	simm.s32 @!p1 $0x1082;
	[sflag:s4] =	ssyncset.s32 $0xFFFFF086  }
0x25: {  	[simem:s6], [sflag:s4] =	dma.local [hbm:s3], $0xF7A  }
0x26: {  	[smem:$0x3FA0] =	sst s1;
	(tag) =	ssettag s2;
	_ =	strace s9  }
0x27: {  	s1 =	sld [smem:$0x3FB0]  }
0x28: {  	s2 =	sld [smem:$0x3FB1]  }
0x29: {  	s4 =	sld [smem:$0x3FB3]  }
0x2a: {  	p0 =	seq.s32 s5, $0x0;
	s5 =	sld [smem:$0x3FB4]  }
0x2b: {  	s6 =	sld [smem:$0x3FB5]  }
0x2c: {  	s7 =	sld [smem:$0x3FB6]  }
0x2d: {  	s3 =	simm.s32 $0x108;
	s8 =	sld [smem:$0x3FB7]  }
0x2e: {  	s3 =	simm.s32 @!p0 $0x1082;
	s9 =	sld [smem:$0x3FB8]  }
0x2f: {  	lr =	sadd.s32 s0, s3;
	s0 =	sld [smem:$0x3FAF]  }
0x30: {  	s3 =	sld [smem:$0x3FB2]  }
0x31: {  	[smem:$0x3FBB] =	sst s10  }
0x32: {  	s10 =	sld [smem:$0x3FB9];
	_ =	sdelay $0x3  }
0x33: {  	p0 =	seq.s32 s10, $0x1;
	s10 =	sld [smem:$0x3FBB];
	_ =	sdelay $0x3  }
0x34: {  	[smem:$0x3FBB] =	sst s10  }
0x35: {  	s10 =	sld [smem:$0x3FBA];
	_ =	sdelay $0x3  }
0x36: {  	p1 =	seq.s32 s10, $0x1;
	s10 =	sld [smem:$0x3FBB];
	_ =	sdelay $0x3  }
0x37: {  	[smem:$0x3FBB] =	sst s10  }
0x38: {  	s10 =	sld [smem:$0x3FBC]  }
0x39: {  	_ = 	snop;
	(pc) =	sbr.ind lr, $3  }
0x3a: {  	_ = 	snop  }
0x3b: {  	_ = 	snop  }
0x3c: {  	p2 =	seq.s32 s10, $0x1;
	s10 =	sld [smem:$0x3FBB]  }
0x3d: {  	_ =	shalt  }
0x3e: {  	_ =	shalt  }
0x3f: {  	_ =	shalt  }
0x40: {  	_ =	shalt  }
0x41: {  	_ =	shalt  }
0x42: {  	_ =	shalt  }
0x43: {  	_ =	shalt  }
0x44: {  	_ =	shalt  }
0x45: {  	_ =	shalt  }
0x46: {  	_ =	shalt  }
0x47: {  	_ =	shalt  }
0x48: {  	_ =	shalt  }
0x49: {  	_ =	shalt  }
0x4a: {  	_ =	shalt  }
0x4b: {  	_ =	shalt  }
0x4c: {  	_ =	shalt  }
0x4d: {  	_ =	shalt  }
0x4e: {  	_ =	shalt  }
0x4f: {  	_ =	shalt  }
0x50: {  	_ =	shalt  }
0x51: {  	_ =	shalt  }
0x52: {  	_ =	shalt  }
0x53: {  	_ =	shalt  }
0x54: {  	_ =	shalt  }
0x55: {  	_ =	shalt  }
0x56: {  	_ =	shalt  }
0x57: {  	_ =	shalt  }
0x58: {  	_ =	shalt  }
0x59: {  	_ =	shalt  }
0x5a: {  	_ =	shalt  }
0x5b: {  	_ =	shalt  }
0x5c: {  	_ =	shalt  }
0x5d: {  	_ =	shalt  }
0x5e: {  	_ =	shalt  }
0x5f: {  	_ =	shalt  }
0x60: {  	_ =	shalt  }
0x61: {  	_ =	shalt  }
0x62: {  	_ =	shalt  }
0x63: {  	_ =	shalt  }
0x64: {  	_ =	shalt  }
0x65: {  	_ =	shalt  }
0x66: {  	_ =	shalt  }
0x67: {  	_ =	shalt  }
0x68: {  	_ =	shalt  }
0x69: {  	_ =	shalt  }
0x6a: {  	_ =	shalt  }
0x6b: {  	_ =	shalt  }
0x6c: {  	_ =	shalt  }
0x6d: {  	_ =	shalt  }
0x6e: {  	_ =	shalt  }
0x6f: {  	_ =	shalt  }
0x70: {  	_ =	shalt  }
0x71: {  	_ =	shalt  }
0x72: {  	_ =	shalt  }
0x73: {  	_ =	shalt  }
0x74: {  	_ =	shalt  }
0x75: {  	_ =	shalt  }
0x76: {  	_ =	shalt  }
0x77: {  	_ =	shalt  }
0x78: {  	_ =	shalt  }
0x79: {  	_ =	shalt  }
0x7a: {  	_ =	shalt  }
0x7b: {  	_ =	shalt  }
0x7c: {  	_ =	shalt  }
0x7d: {  	_ =	shalt  }
0x7e: {  	_ =	shalt  }
0x7f: {  	_ =	shalt  }
0x80: {  	_ =	shalt  }
0x81: {  	_ =	shalt  }
0x82: {  	_ =	shalt  }
0x83: {  	_ =	shalt  }
0x84: {  	_ =	shalt  }
0x85: {  	_ =	shalt  }
0x86: {  	_ =	shalt  }
0x87: {  	_ =	shalt  }
.Lfunc_end0:
.L_simem_size_0:
called_computation_lowered:
.L_overlay_start_0:
0x88: {  	s2 =	sld [smem:$0x3FD9]  }
0x89: {  	s3 =	sld [smem:$0x3FFE];
	_ =	sdelay $0x1  }
0x8a: {  	s1 =	srdreg.scid  }
0x8b: {  	s0 =	sand.u32 $0x1, s1  }
0x8c: {  	s18 =	sshll.u32 s0, $0xA;
	s2 =	sadd.s32 s3, s2  }
0x8d: {  	s2 =	sadd.s32 s2, s18  }
0x8e: {  	[smem:$0x3FC7] =	sst s2  }
0x8f: {  	_ = 	snop  }
0x90: {  	s2 =	sld [smem:$0x3FC9]  }
0x91: {  	s19 =	sld [smem:$0x3FD0];
	(tm) =	ssettm $0x1  }
0x92: {  	s4 =	sld [smem:$0x3FFB];
	_ =	sdelay $0x3  }
0x93: {  	_ =	strace s4  }
0x94: {  	s4 =	sld [smem:$0x3FFC];
	_ =	sdelay $0x3  }
0x95: {  	_ =	strace s4  }
0x96: {  	s4 =	sld [smem:$0x3FFD];
	_ =	sdelay $0x3  }
0x97: {  	_ =	strace s4  }
0x98: {  	_ =	strace $0x8FFFFFFF  }
0x99: {  	s20 =	sld [smem:$0x3FDB];
	_ =	sdelay $0x1  }
0x9a: {  	s5 =	simm.s32 $_scs_section_size  }
0x9b: {  	s6 =	simm.s32 $_size__tile_overlayer_lowered;
	s7 =	simm.s32 $_tile_overlayer_lowered  }
0x9c: {  	s23 =	simm.s32 $0x1BFF;
	s22 =	sshll.u32 s7, $0x1;
	s4 =	sadd.s32 s5, s20  }
0x9d: {  	s8 =	simm.s32 $0x0;
	s21 =	sshll.u32 s6, $0x1;
	s6 =	sadd.s32 s22, s4  }
0x9e: {  	[timem:s8], [sflag:s23] =	dma.local [hbm:s6], s21  }
0x9f: {  	_ =	swait.ge [sflag:s23], s21  }
0xa0: {  	s5 =	ssub.s32 $0x0, s21;
	[sflag:s23] =	ssyncset.done $0x0  }
0xa1: {  	[sflag:s23] =	ssyncadd.s32 s5;
	_ =	sdelay $0x1  }
0xa2: {  	s24 =	simm.s32 $0x1B8B  }
0xa3: {  	_ =	swait.ge [sflag:s24], $0x1  }
0xa4: {  	[sflag:s24] =	ssyncset.done $0x0  }
0xa5: {  	s25 =	simm.s32 $0x1B8E;
	[sflag:s24] =	ssyncadd.s32 $0xFFFFFFFF  }
0xa6: {  	s26 =	simm.s32 $execute0_lowered;
	[smem:$0x3FD2] =	sst s25  }
0xa7: {  	s5 =	sshll.u32 s26, $0x1;
	_ =	strace $0x80000046;
	[dreg:$0x1] =	wrdreg $0xFFFFFFFF  }
0xa8: {  	s28 =	simm.s32 $_size_execute0_lowered;
	s4 =	sadd.s32 s4, s5;
	[dreg:$0x0] =	wrdreg $0x0  }
0xa9: {  	s5 =	sshll.u32 s28, $0x1;
	[dreg:$0x2] =	wrdreg s4  }
0xaa: {  	[dreg:$0x3] =	wrdreg s5  }
0xab: {  	[dreg:$0x4] =	wrdreg $0xC0  }
0xac: {  	_ =	task [dreg:s8], $0x5FFFF  }
0xad: {  	[dreg:$0x1] =	wrdreg $0xFFFFFFFF  }
0xae: {  	[dreg:$0x0] =	wrdreg $0x60  }
0xaf: {  	[dreg:$0x2] =	wrdreg s2  }
0xb0: {  	[dreg:$0x3] =	wrdreg s19  }
0xb1: {  	[dreg:$0x4] =	wrdreg $0x9  }
0xb2: {  	_ =	task.clear_ibuf [dreg:s8], $0x5FFFF;
	_ =	strace $0x90000046  }
0xb3: {  	s29 =	simm.s32 $0x9;
	_ =	strace $0x80000048  }
0xb4: {  	_ =	swait.ge [sflag:s29], $0x1  }
0xb5: {  	[sflag:s29] =	ssyncadd.s32 $0xFFFFFFFF  }
0xb6: {  	_ =	strace $0x90000048  }
0xb7: {  	_ =	sfence  }
0xb8: {  	s30 =	sld [smem:$0x0];
	_ =	sdelay $0x2  }
0xb9: {  	s31 =	sshll.u32 s1, $0xD;
	s1 =	sshrl.u32 s1, $0x2  }
0xba: {  	s3 =	sand.u32 $0x4000, s31;
	s1 =	sadd.s32 s1, s30  }
0xbb: {  	s0 =	sor.u32 s3, s0;
	s1 =	sshll.u32 s1, $0x11  }
0xbc: {  	s0 =	sor.u32 s1, s0  }
0xbd: {  	s0 =	sadd.s32 $0x8F2B, s0  }
0xbe: {  	[sflag:s0] =	ssyncadd.remote.s32 $0x1  }
0xbf: {  	_ =	sfence.sel $0xFFFF  }
0xc0: {  	[dreg:$0x0] =	wrdreg $0xFFFFFFFF;
	(pc) =	sbr.abs _section_cstart, $3  }
0xc1: {  	[dreg:$0x1] =	wrdreg $0xFFFFFFFF  }
0xc2: {  	_ =	task.clear_ibuf [dreg:s8], $0x2FFFF;
	_ =	strace $0x9FFFFFFF  }
0xc3: {  	(tm) =	ssettm $0x7FFFFFFF  }
tec
execute0_lowered:
.L_overlay_start_1:
0x0: {  	(tag) =	ssettag $0x1  }
0x1: {  	s0 =	rddreg [dreg:$0x0]  }
0x2: {  	s1 =	rddreg [dreg:$0x1];
	s3 =	srdreg.scid  }
0x3: {  	s6 =	stileid.u32;
	s2 =	simm.s32 $0x0;
	s11 =	simm.s32 $0x0  }
0x4: {  	s3 =	sand.u32 $0x1, s3;
	s4 =	sshll.u32 s6, $0x6;
	s6 =	sshll.u32 s6, $0xC  }
0x5: {  	[smem:$0x7FF] =	sst s2;
	s5 =	sshll.u32 s3, $0x5;
	s4 =	sand.u32 $0x40, s4  }
0x6: {  	s3 =	ssub.s32 $0x2, s3;
	s6 =	sand.u32 $0xE000, s6;
	s4 =	sor.u32 s5, s4  }
0x7: {  	_ =	strace $0x80000047;
	s30 =	sshrl.u32 s3, $0x1;
	s6 =	sor.u32 s4, s6  }
0x8: {  	s7 =	ssub.s32 s3, s30;
	s8 =	sor.u32 $0x10, s6;
	s4 =	sadd.s32 s0, s6  }
0x9: {  	s5 =	sadd.s32 s1, s6;
	s31 =	smax.u32 s7, $0x1;
	s3 =	sadd.s32 s0, s8  }
0xa: {  	v0 =	vimm.s32 $0x0;
	s6 =	sadd.s32 s1, s8;
	[dreg:$0x3] =	wrdreg s31;
	s8 =	simm.s32 $0x3  }
.LBB2_1:
0xb: {  	s0 =	simm.s32 $0x80  }
0xc: {  	s1 =	simm.s32 $0x80;
	s12 =	sadd.s32 $0x0, s3;
	s7 =	simm.s32 $0x180  }
.LBB2_2:
0xd: {  	[tilespmem:s0], [sflag:$0x1] =	stream.linear.gather [hbm4b:s12+s2], $0x80, $0x38;
	[tilespmem:$0x8100] =	vst v63  }
0xe: {  	s12 =	smov.u32 s1;
	s0 =	smov.u32 s7;
	p0 =	sne.s32 s1, $0x1F80  }
.Ltmp0:
0xf: {  	s1 =	sadd.s32 $0x80, s1;
	(pc) =	sbr.rel @p0 .LBB2_2-.Ltmp0, $2  }
0x10: {  	_ =	sdelay $0x2  }
0x11: {  	s7 =	sadd.s32 $0x100, s7;
	s12 =	sadd.s32 s12, s3  }
0x12: {  	[tilespmem:s0], [sflag:$0x1] =	stream.linear.gather [hbm4b:s12+s2], $0x80, $0x38;
	[tilespmem:$0x8100] =	vst v63  }
0x13: {  	s0 =	simm.s32 $0x0  }
0x14: {  	s1 =	simm.s32 $0x80;
	s12 =	sadd.s32 $0x0, s4;
	s7 =	simm.s32 $0x100  }
.LBB2_4:
0x15: {  	[tilespmem:s0], [sflag:$0x3] =	stream.linear.gather [hbm4b:s12+s2], $0x80, $0x38;
	[tilespmem:$0x8100] =	vst v63  }
0x16: {  	s12 =	smov.u32 s1;
	s0 =	smov.u32 s7;
	p0 =	sne.s32 s1, $0x1F80  }
.Ltmp1:
0x17: {  	s1 =	sadd.s32 $0x80, s1;
	(pc) =	sbr.rel @p0 .LBB2_4-.Ltmp1, $2  }
0x18: {  	_ =	sdelay $0x2  }
0x19: {  	s7 =	sadd.s32 $0x100, s7;
	s12 =	sadd.s32 s12, s4  }
0x1a: {  	[tilespmem:s0], [sflag:$0x3] =	stream.linear.gather [hbm4b:s12+s2], $0x80, $0x38;
	[tilespmem:$0x8100] =	vst v63  }
0x1b: {  	_ =	swait.ge [sflag:s8], $0x2000  }
0x1c: {  	[sflag:s8] =	ssyncset.done $0x0  }
0x1d: {  	s1 =	simm.s32 $0x40;
	[sflag:s8] =	ssyncadd.s32 $0xFFFFE000  }
0x1e: {  	v8 =	vld [tilespmem:s1+$0x0]  }
0x1f: {  	v1 =	vld [tilespmem:s1+$0x10]  }
0x20: {  	v4 =	vld [tilespmem:s1+$0x20]  }
0x21: {  	v3 =	vld [tilespmem:s1+$0xFFFFFFC0]  }
0x22: {  	v2 =	vld [tilespmem:s1+$0xFFFFFFD0]  }
0x23: {  	v6 =	vld [tilespmem:s1+$0xFFFFFFE0]  }
0x24: {  	v5 =	vimm.f32 $-Inf;
	v9 =	vld [tilespmem:s1+$0xFFFFFFF0]  }
0x25: {  	s0 =	simm.s32 $0x0;
	v10 =	vimm.f32 $-Inf;
	v11 =	vimm.f32 $-Inf;
	v12 =	vimm.f32 $-Inf;
	v7 =	vld [tilespmem:s1+$0x30];
	s1 =	simm.s32 $0x140  }
.LBB2_6:
0x26: {  	v13 =	vld [tilespmem:s1+$0x0]  }
0x27: {  	v3 =	vmax.f32 v5, v3;
	s0 =	sadd.s32 $0x8, s0;
	v14 =	vld [tilespmem:s1+$0x10]  }
0x28: {  	v5 =	vmax.f32 v3, v8;
	p0 =	slt.u32 s0, $0x1F8;
	v15 =	vld [tilespmem:s1+$0x20]  }
.Ltmp2:
0x29: {  	v16 =	vmax.f32 v10, v2;
	v6 =	vmax.f32 v11, v6;
	v3 =	vld [tilespmem:s1+$0xFFFFFFC0];
	v9 =	vmax.f32 v12, v9;
	(pc) =	sbr.rel @p0 .LBB2_6-.Ltmp2, $4  }
0x2a: {  	v10 =	vmax.f32 v16, v1;
	v11 =	vmax.f32 v6, v4;
	v2 =	vld [tilespmem:s1+$0xFFFFFFD0];
	v12 =	vmax.f32 v9, v7  }
0x2b: {  	v6 =	vld [tilespmem:s1+$0xFFFFFFE0];
	v8 =	vmov v13  }
0x2c: {  	v9 =	vld [tilespmem:s1+$0xFFFFFFF0];
	v1 =	vmov v14  }
0x2d: {  	v7 =	vld [tilespmem:s1+$0x30];
	s1 =	sadd.s32 $0x100, s1;
	v4 =	vmov v15  }
0x2e: {  	_ = 	snop  }
0x2f: {  	v3 =	vmax.f32 v5, v3  }
0x30: {  	v3 =	vmax.f32 v3, v8  }
0x31: {  	v2 =	vmax.f32 v10, v2;
	v5 =	vmax.f32 v11, v6;
	v6 =	vmax.f32 v12, v9  }
0x32: {  	v1 =	vmax.f32 v2, v1;
	v2 =	vmax.f32 v5, v4;
	v4 =	vmax.f32 v6, v7  }
0x33: {  	v1 =	vmax.f32 v3, v1;
	v2 =	vmax.f32 v2, v4  }
0x34: {  	v1 =	vmax.f32 v1, v2  }
0x35: {  	(xrf0) =	vmax.scan.msk.f32 $0xffff, v1;
	_ =	sdelay $0x5  }
0x36: {  	v1, _, _ =	vpop (xrf0)  }
0x37: {  	(v2sf) =	vpush v1, $0xF;
	_ =	sdelay $0xc  }
0x38: {  	s18 =	simm.s32 $0x40  }
0x39: {  	v2 =	vld [tilespmem:s18+$0xFFFFFFC0]  }
0x3a: {  	s13 =	spop (v2sf)  }
0x3b: {  	s12 =	sadd.f32 $-1.000000000e+00, s13;
	_ =	sdelay $0x1  }
0x3c: {  	v1 =	vmov s12  }
0x3d: {  	vm0 =	vgt.f32 v2, v1  }
0x3e: {  	v3 =	vmpcnt.ones.xlane vm0;
	_ =	sdelay $0x1  }
0x3f: {  	(v2sf) =	vpush v3, $0x0;
	_ =	sdelay $0x1  }
0x40: {  	s21 =	simm.s32 $0x140;
	v3 =	vld [tilespmem:s18+$0x0]  }
0x41: {  	v4 =	vld [tilespmem:s21+$0xFFFFFFC0];
	_ =	sdelay $0x3  }
0x42: {  	vm2 =	vgt.f32 v3, v1  }
0x43: {  	vm1 =	vgt.f32 v4, v1;
	v5 =	vmpcnt.ones.xlane vm2  }
0x44: {  	v6 =	vmpcnt.ones.xlane vm1  }
0x45: {  	(v2sf) =	vpush v5, $0x0  }
0x46: {  	(v2sf) =	vpush v6, $0x0  }
0x47: {  	s20 =	simm.s32 $0x240;
	v5 =	vld [tilespmem:s21+$0x0]  }
0x48: {  	v6 =	vld [tilespmem:s20+$0xFFFFFFC0];
	_ =	sdelay $0x1  }
0x49: {  	s14 =	simm.s32 $0x0;
	vm0 =	vmmov vm0;
	vm2 =	vmmov vm2;
	s0 =	spop (v2sf)  }
0x4a: {  	v7 =	vld [tilespmem:s20+$0x0];
	[tilespmem:s14+$0x4000] =	vst.msk vm0, v2;
	vm2 =	vmmov vm2;
	s0 =	sadd.s32 $0x0, s0  }
0x4b: {  	v2 =	vld [tilespmem:s18+$0xFFFFFFD0];
	vm3 =	vgt.f32 v5, v1;
	[tilespmem:s0+$0x4000] =	vst.msk vm2, v3  }
0x4c: {  	v8 =	vmpcnt.ones.xlane vm3;
	vm0 =	vgt.f32 v6, v1;
	v3 =	vld [tilespmem:s18+$0x10]  }
0x4d: {  	v9 =	vmpcnt.ones.xlane vm0  }
0x4e: {  	(v2sf) =	vpush v8, $0x0  }
0x4f: {  	vm2 =	vgt.f32 v7, v1;
	(v2sf) =	vpush v9, $0x0  }
0x50: {  	s19 =	simm.s32 $0x340;
	vm5 =	vgt.f32 v2, v1;
	v8 =	vmpcnt.ones.xlane vm2  }
0x51: {  	v10 =	vld [tilespmem:s19+$0xFFFFFFC0];
	v9 =	vmpcnt.ones.xlane vm5;
	vm4 =	vgt.f32 v3, v1  }
0x52: {  	(v2sf) =	vpush v8, $0x0;
	v8 =	vmpcnt.ones.xlane vm4  }
0x53: {  	(v2sf) =	vpush v9, $0x0;
	s1 =	spop (v2sf)  }
0x54: {  	vm1 =	vmmov vm1;
	vm3 =	vmmov vm3;
	s0 =	sadd.s32 s0, s1;
	s15 =	spop (v2sf);
	(v2sf) =	vpush v8, $0x0  }
0x55: {  	vm3 =	vmmov vm3;
	s1 =	sadd.s32 s0, s15;
	[tilespmem:s0+$0x4000] =	vst.msk vm1, v4;
	v8 =	vld [tilespmem:s19+$0x0]  }
0x56: {  	v4 =	vld [tilespmem:s21+$0xFFFFFFD0];
	[tilespmem:s1+$0x4000] =	vst.msk vm3, v5;
	vm3 =	vgt.f32 v10, v1  }
0x57: {  	v9 =	vld [tilespmem:s21+$0x10];
	v5 =	vmpcnt.ones.xlane vm3  }
0x58: {  	s17 =	simm.s32 $0x440;
	vm1 =	vmmov vm5  }
0x59: {  	v11 =	vld [tilespmem:s17+$0xFFFFFFC0];
	[tilespmem:s14+$0x4810] =	vst.msk vm1, v2;
	(v2sf) =	vpush v5, $0x0  }
0x5a: {  	v12 =	vld [tilespmem:s18+$0xFFFFFFE0];
	vm5 =	vgt.f32 v8, v1  }
0x5b: {  	vm6 =	vgt.f32 v4, v1;
	v2 =	vmpcnt.ones.xlane vm5  }
0x5c: {  	vm7 =	vmmov vm0;
	v5 =	vmpcnt.ones.xlane vm6;
	vm1 =	vgt.f32 v9, v1  }
0x5d: {  	vm2 =	vmmov vm2;
	s16 =	spop (v2sf);
	(v2sf) =	vpush v2, $0x0;
	v2 =	vmpcnt.ones.xlane vm1  }
0x5e: {  	vm0 =	vgt.f32 v11, v1;
	vm8 =	vmmov vm2;
	s0 =	sadd.s32 s1, s16;
	s22 =	spop (v2sf);
	(v2sf) =	vpush v5, $0x0  }
0x5f: {  	vm2 =	vgt.f32 v12, v1;
	s1 =	sadd.s32 s0, s22;
	[tilespmem:s0+$0x4000] =	vst.msk vm7, v6;
	v5 =	vmpcnt.ones.xlane vm0;
	(v2sf) =	vpush v2, $0x0;
	v2 =	vld [tilespmem:s17+$0x0]  }
0x60: {  	v6 =	vld [tilespmem:s20+$0xFFFFFFD0];
	[tilespmem:s1+$0x4000] =	vst.msk vm8, v7;
	v7 =	vmpcnt.ones.xlane vm2  }
0x61: {  	s23 =	spop (v2sf);
	v13 =	vld [tilespmem:s20+$0x10];
	(v2sf) =	vpush v5, $0x0  }
0x62: {  	vm4 =	vmmov vm4;
	s7 =	spop (v2sf);
	(v2sf) =	vpush v7, $0x0  }
0x63: {  	vm4 =	vmmov vm4;
	s7 =	sadd.s32 $0x0, s7;
	s15 =	spop (v2sf)  }
0x64: {  	vm6 =	vmmov vm6;
	[tilespmem:s7+$0x4810] =	vst.msk vm4, v3;
	vm7 =	vgt.f32 v2, v1;
	s7 =	sadd.s32 s7, s15  }
0x65: {  	s16 =	simm.s32 $0x540;
	vm8 =	vgt.f32 v6, v1;
	[tilespmem:s7+$0x4810] =	vst.msk vm6, v4;
	v4 =	vmpcnt.ones.xlane vm7  }
0x66: {  	v16 =	vld [tilespmem:s16+$0xFFFFFFC0];
	v5 =	vmpcnt.ones.xlane vm8;
	vm6 =	vgt.f32 v13, v1  }
0x67: {  	v3 =	vld [tilespmem:s18+$0x20];
	(v2sf) =	vpush v4, $0x0;
	v4 =	vmpcnt.ones.xlane vm6  }
0x68: {  	v18 =	vld [tilespmem:s21+$0xFFFFFFE0];
	s24 =	spop (v2sf);
	(v2sf) =	vpush v5, $0x0  }
0x69: {  	vm3 =	vmmov vm3;
	s0 =	sadd.s32 s1, s23;
	vm4 =	vmmov vm5;
	(v2sf) =	vpush v4, $0x0  }
0x6a: {  	v19 =	vld [tilespmem:s16+$0x0];
	vm1 =	vmmov vm1;
	vm2 =	vmmov vm2;
	[tilespmem:s0+$0x4000] =	vst.msk vm3, v10;
	vm9 =	vmmov vm4;
	s1 =	sadd.s32 s0, s24  }
0x6b: {  	vm1 =	vmmov vm1;
	vm0 =	vmmov vm0;
	vm4 =	vgt.f32 v16, v1;
	[tilespmem:s1+$0x4000] =	vst.msk vm9, v8;
	v4 =	vld [tilespmem:s19+$0xFFFFFFD0]  }
0x6c: {  	vm8 =	vmmov vm8;
	vm5 =	vgt.f32 v3, v1;
	v5 =	vmpcnt.ones.xlane vm4;
	v17 =	vld [tilespmem:s19+$0x10];
	s25 =	spop (v2sf)  }
0x6d: {  	[tilespmem:s14+$0x5020] =	vst.msk vm2, v12;
	vm7 =	vmmov vm7;
	v7 =	vmpcnt.ones.xlane vm5;
	vm3 =	vgt.f32 v18, v1;
	s22 =	spop (v2sf)  }
0x6e: {  	v21 =	vld [tilespmem:s18+$0xFFFFFFF0];
	s15 =	simm.s32 $0x640;
	vm10 =	vmmov vm7;
	(v2sf) =	vpush v5, $0x0;
	v5 =	vmpcnt.ones.xlane vm3;
	s7 =	sadd.s32 s7, s22;
	s26 =	spop (v2sf)  }
0x6f: {  	vm6 =	vmmov vm6;
	vm9 =	vgt.f32 v19, v1;
	(v2sf) =	vpush v7, $0x0;
	v7 =	vld [tilespmem:s15+$0xFFFFFFC0];
	[tilespmem:s7+$0x4810] =	vst.msk vm1, v9;
	s7 =	sadd.s32 s7, s26  }
0x70: {  	v8 =	vmpcnt.ones.xlane vm9;
	s0 =	sadd.s32 s1, s25;
	(v2sf) =	vpush v5, $0x0;
	vm11 =	vgt.f32 v4, v1;
	s29 =	spop (v2sf);
	[tilespmem:s7+$0x4810] =	vst.msk vm8, v6;
	v6 =	vld [tilespmem:s21+$0x20]  }
0x71: {  	[tilespmem:s0+$0x4000] =	vst.msk vm0, v11;
	vm1 =	vmmov vm9;
	vm7 =	vgt.f32 v17, v1;
	vm9 =	vmmov vm3;
	s30 =	spop (v2sf);
	s0 =	sadd.s32 s0, s29;
	v10 =	vld [tilespmem:s20+$0xFFFFFFE0]  }
0x72: {  	v5 =	vld [tilespmem:s15+$0x0];
	v9 =	vmpcnt.ones.xlane vm11;
	(v2sf) =	vpush v8, $0x0;
	v8 =	vmpcnt.ones.xlane vm7;
	s22 =	sadd.s32 $0x0, s30;
	[tilespmem:s0+$0x4000] =	vst.msk vm10, v2  }
0x73: {  	vm8 =	vmmov vm11;
	vm3 =	vmmov vm1;
	vm10 =	vmmov vm7;
	[tilespmem:s22+$0x5020] =	vst.msk vm5, v3  }
0x74: {  	vm7 =	vgt.f32 v21, v1;
	vm0 =	vgt.f32 v7, v1;
	(v2sf) =	vpush v9, $0x0;
	v2 =	vld [tilespmem:s18+$0x30]  }
0x75: {  	v20 =	vld [tilespmem:s17+$0xFFFFFFD0];
	vm5 =	vmmov vm6;
	v9 =	vmpcnt.ones.xlane vm0;
	vm2 =	vgt.f32 v6, v1  }
0x76: {  	(v2sf) =	vpush v8, $0x0;
	vm6 =	vgt.f32 v10, v1;
	v3 =	vmpcnt.ones.xlane vm2;
	s31 =	spop (v2sf)  }
0x77: {  	vm11 =	vgt.f32 v5, v1;
	(v2sf) =	vpush v9, $0x0;
	v14 =	vmpcnt.ones.xlane vm6;
	s23 =	spop (v2sf)  }
0x78: {  	v11 =	vmpcnt.ones.xlane vm11;
	vm1 =	vmmov vm11;
	(v2sf) =	vpush v3, $0x0;
	s7 =	sadd.s32 s7, s23;
	s9 =	spop (v2sf)  }
0x79: {  	v12 =	vld [tilespmem:s17+$0x10];
	s18 =	simm.s32 $0x740;
	v3 =	vmpcnt.ones.xlane vm7;
	vm11 =	vgt.f32 v2, v1;
	(v2sf) =	vpush v14, $0x0;
	[tilespmem:s7+$0x4810] =	vst.msk vm5, v13;
	s7 =	sadd.s32 s7, s9  }
0x7a: {  	v8 =	vld [tilespmem:s18+$0xFFFFFFC0];
	vm12 =	vgt.f32 v20, v1;
	(v2sf) =	vpush v11, $0x0;
	[tilespmem:s7+$0x4810] =	vst.msk vm8, v4;
	v4 =	vmpcnt.ones.xlane vm11  }
0x7b: {  	v11 =	vmpcnt.ones.xlane vm12;
	v15 =	vld [tilespmem:s20+$0x20];
	(v2sf) =	vpush v3, $0x0  }
0x7c: {  	v14 =	vld [tilespmem:s19+$0xFFFFFFE0];
	(v2sf) =	vpush v4, $0x0  }
0x7d: {  	v9 =	vld [tilespmem:s18+$0x0];
	(v2sf) =	vpush v11, $0x0  }
0x7e: {  	vm4 =	vmmov vm4;
	vm13 =	vgt.f32 v12, v1;
	s0 =	sadd.s32 s0, s31;
	s10 =	spop (v2sf)  }
0x7f: {  	v22 =	vmpcnt.ones.xlane vm13;
	[tilespmem:s0+$0x4000] =	vst.msk vm4, v16;
	vm5 =	vgt.f32 v8, v1;
	s25 =	spop (v2sf);
	s0 =	sadd.s32 s0, s10  }
0x80: {  	vm4 =	vmmov vm0;
	s1 =	sadd.s32 s22, s25;
	[tilespmem:s0+$0x4000] =	vst.msk vm3, v19;
	s24 =	spop (v2sf);
	v11 =	vmpcnt.ones.xlane vm5;
	vm8 =	vgt.f32 v15, v1  }
0x81: {  	v13 =	vld [tilespmem:s16+$0xFFFFFFD0];
	[tilespmem:s1+$0x5020] =	vst.msk vm9, v18;
	s22 =	sadd.s32 s1, s24;
	(v2sf) =	vpush v22, $0x0;
	vm9 =	vgt.f32 v14, v1;
	v16 =	vmpcnt.ones.xlane vm8  }
0x82: {  	vm0 =	vgt.f32 v9, v1;
	v3 =	vld [tilespmem:s21+$0xFFFFFFF0];
	[tilespmem:s22+$0x5020] =	vst.msk vm2, v6;
	(v2sf) =	vpush v11, $0x0;
	v19 =	vmpcnt.ones.xlane vm9  }
0x83: {  	v18 =	vmpcnt.ones.xlane vm0;
	v4 =	vld [tilespmem:s21+$0x30];
	(v2sf) =	vpush v16, $0x0  }
0x84: {  	s26 =	spop (v2sf);
	v11 =	vld [tilespmem:s16+$0x10];
	(v2sf) =	vpush v19, $0x0  }
0x85: {  	vm14 =	vmmov vm10;
	vm10 =	vmmov vm1;
	s23 =	simm.s32 $0x840;
	s29 =	spop (v2sf);
	(v2sf) =	vpush v18, $0x0  }
0x86: {  	vm6 =	vmmov vm6;
	vm12 =	vmmov vm12;
	vm3 =	vmmov vm0;
	s7 =	sadd.s32 s7, s29;
	s30 =	spop (v2sf);
	v16 =	vld [tilespmem:s23+$0xFFFFFFC0]  }
0x87: {  	vm0 =	vmmov vm11;
	vm11 =	vmmov vm13;
	v6 =	vld [tilespmem:s23+$0x0];
	[tilespmem:s7+$0x4810] =	vst.msk vm14, v17;
	s24 =	sadd.s32 s7, s30;
	vm1 =	vgt.f32 v3, v1  }
0x88: {  	vm13 =	vgt.f32 v13, v1;
	s25 =	sadd.s32 s0, s26;
	s31 =	spop (v2sf);
	[tilespmem:s24+$0x4810] =	vst.msk vm12, v20;
	v18 =	vld [tilespmem:s19+$0x20];
	v20 =	vmpcnt.ones.xlane vm1;
	vm2 =	vgt.f32 v4, v1  }
0x89: {  	[tilespmem:s14+$0x5830] =	vst.msk vm7, v21;
	s26 =	simm.s32 $0x40;
	s21 =	simm.s32 $0x840;
	v19 =	vmpcnt.ones.xlane vm13;
	s28 =	sadd.s32 s25, s31;
	vm7 =	vgt.f32 v11, v1;
	v17 =	vld [tilespmem:s17+$0xFFFFFFE0];
	v21 =	vmpcnt.ones.xlane vm2  }
.LBB2_8:
0x8a: {  	s26 =	sadd.s32 $0x8, s26;
	v22 =	vmpcnt.ones.xlane vm7;
	(v2sf) =	vpush v20, $0x0;
	s0 =	spop (v2sf);
	vm12 =	vmmov vm13  }
0x8b: {  	vm14 =	vmmov vm11;
	p0 =	slt.u32 s26, $0x1F8;
	[tilespmem:s25+$0x4000] =	vst.msk vm4, v7;
	s1 =	spop (v2sf);
	s0 =	sadd.s32 s22, s0;
	(v2sf) =	vpush v21, $0x0;
	v7 =	vmovc v8;
	v8 =	vmovc v16;
	vm4 =	vmmov vm5  }
0x8c: {  	vm5 =	vgt.f32 v8, v1;
	v21 =	vld [tilespmem:s15+$0xFFFFFFD0];
	s7 =	spop (v2sf);
	(v2sf) =	vpush v19, $0x0;
	[tilespmem:s0+$0x5020] =	vst.msk vm6, v10;
	s22 =	sadd.s32 s0, s1;
	v10 =	vmovc v14;
	vm6 =	vmmov vm9  }
0x8d: {  	vm11 =	vgt.f32 v6, v1;
	v16 =	vmpcnt.ones.xlane vm5;
	s25 =	sadd.s32 s28, s7;
	(v2sf) =	vpush v22, $0x0;
	v19 =	vld [tilespmem:s20+$0xFFFFFFF0];
	[tilespmem:s22+$0x5020] =	vst.msk vm8, v15;
	v15 =	vmovc v18  }
0x8e: {  	v18 =	vmpcnt.ones.xlane vm11;
	[tilespmem:s28+$0x4000] =	vst.msk vm10, v5;
	vm9 =	vgt.f32 v17, v1;
	vm8 =	vgt.f32 v15, v1;
	v22 =	vld [tilespmem:s20+$0x30];
	s0 =	spop (v2sf);
	v5 =	vmovc v9;
	s20 =	smov.u32 s19;
	s19 =	smov.u32 s17  }
0x8f: {  	s23 =	sadd.s32 $0x100, s23;
	v9 =	vmovc v6;
	v14 =	vmovc v17;
	(v2sf) =	vpush v16, $0x0;
	v23 =	vld [tilespmem:s15+$0x10];
	v20 =	vmpcnt.ones.xlane vm9;
	v24 =	vmpcnt.ones.xlane vm8;
	s0 =	sadd.s32 s14, s0;
	s1 =	spop (v2sf)  }
.Ltmp3:
0x90: {  	vm10 =	vmmov vm3;
	vm3 =	vmmov vm11;
	v6 =	vld [tilespmem:s23+$0x0];
	s7 =	spop (v2sf);
	[tilespmem:s0+$0x5830] =	vst.msk vm0, v2;
	s14 =	sadd.s32 s0, s1;
	v2 =	vmovc v4;
	vm0 =	vmmov vm2;
	(pc) =	sbr.rel @p0 .LBB2_8-.Ltmp3, $4  }
0x91: {  	vm11 =	vmmov vm7;
	s17 =	smov.u32 s16;
	v16 =	vld [tilespmem:s23+$0xFFFFFFC0];
	s0 =	sadd.s32 s24, s7;
	s1 =	spop (v2sf);
	(v2sf) =	vpush v24, $0x0;
	[tilespmem:s14+$0x5830] =	vst.msk vm1, v3  }
0x92: {  	s16 =	smov.u32 s15;
	s15 =	smov.u32 s18;
	vm13 =	vgt.f32 v21, v1;
	[tilespmem:s0+$0x4810] =	vst.msk vm14, v12;
	s24 =	sadd.s32 s0, s1;
	(v2sf) =	vpush v20, $0x0;
	vm1 =	vgt.f32 v19, v1;
	v3 =	vmovc v19  }
0x93: {  	s18 =	smov.u32 s21;
	s21 =	smov.u32 s23;
	(v2sf) =	vpush v18, $0x0;
	s0 =	spop (v2sf);
	[tilespmem:s24+$0x4810] =	vst.msk vm12, v13;
	v18 =	vld [tilespmem:s19+$0x20];
	v20 =	vmpcnt.ones.xlane vm1;
	vm2 =	vgt.f32 v22, v1;
	v13 =	vmovc v21;
	v4 =	vmovc v22  }
0x94: {  	v19 =	vmpcnt.ones.xlane vm13;
	v12 =	vmovc v11;
	s28 =	sadd.s32 s25, s0;
	vm7 =	vgt.f32 v23, v1;
	v17 =	vld [tilespmem:s17+$0xFFFFFFE0];
	v21 =	vmpcnt.ones.xlane vm2;
	v11 =	vmovc v23  }
0x95: {  	_ =	sdelay $0x1  }
0x96: {  	s0 =	spop (v2sf)  }
0x97: {  	s0 =	sadd.s32 s22, s0  }
0x98: {  	s1 =	spop (v2sf);
	[tilespmem:s0+$0x5020] =	vst.msk vm6, v10  }
0x99: {  	s7 =	spop (v2sf);
	v10 =	vld [tilespmem:s20+$0xFFFFFFF0]  }
0x9a: {  	v22 =	vmpcnt.ones.xlane vm7;
	(v2sf) =	vpush v20, $0x0;
	s22 =	spop (v2sf)  }
0x9b: {  	vm12 =	vmmov vm13;
	vm5 =	vmmov vm5;
	vm15 =	vmmov vm11;
	[tilespmem:s25+$0x4000] =	vst.msk vm4, v7;
	s0 =	sadd.s32 s0, s1;
	s23 =	spop (v2sf)  }
0x9c: {  	vm13 =	vmmov vm9;
	(v2sf) =	vpush v21, $0x0;
	vm11 =	vgt.f32 v16, v1;
	[tilespmem:s0+$0x5020] =	vst.msk vm8, v15;
	s26 =	spop (v2sf)  }
0x9d: {  	[tilespmem:s28+$0x4000] =	vst.msk vm10, v5;
	v60 =	vimm.s32 $0x0;
	(v2sf) =	vpush v19, $0x0;
	v54 =	vmpcnt.ones.xlane vm11;
	v7 =	vld [tilespmem:s20+$0x30];
	s29 =	spop (v2sf);
	s1 =	sadd.s32 s24, s26  }
0x9e: {  	v53 =	vld [tilespmem:s15+$0xFFFFFFD0];
	vm14 =	vgt.f32 v18, v1;
	(v2sf) =	vpush v22, $0x0;
	[tilespmem:s1+$0x4810] =	vst.msk vm15, v12;
	s1 =	sadd.s32 s1, s29;
	vm15 =	vgt.f32 v10, v1;
	s30 =	spop (v2sf)  }
0x9f: {  	v55 =	vld [tilespmem:s15+$0x10];
	vm9 =	vgt.f32 v17, v1;
	v56 =	vmpcnt.ones.xlane vm14;
	[tilespmem:s1+$0x4810] =	vst.msk vm12, v13;
	v5 =	vsel vm15, $0xFFFFFFFF, v60;
	s31 =	spop (v2sf)  }
0xa0: {  	vm8 =	vgt.f32 v6, v1;
	(v2sf) =	vpush v54, $0x0;
	v58 =	vmpcnt.ones.xlane vm9;
	v59 =	vld [tilespmem:s17+$0x20];
	[tilespmem:$0x1FFF0] =	vst v5;
	s9 =	spop (v2sf);
	s0 =	sadd.s32 s0, s31  }
0xa1: {  	vm6 =	vmmov vm3;
	v57 =	vmpcnt.ones.xlane vm8;
	(v2sf) =	vpush v56, $0x0;
	v61 =	vld [tilespmem:s16+$0xFFFFFFE0];
	[tilespmem:s0+$0x5020] =	vst.msk vm13, v14;
	s0 =	sadd.s32 s0, s9  }
0xa2: {  	s7 =	sadd.s32 s28, s7;
	(v2sf) =	vpush v58, $0x0;
	v62 =	vmpcnt.ones.xlane vm15;
	vm4 =	vgt.f32 v7, v1;
	v5 =	vld [tilespmem:s19+$0xFFFFFFF0];
	[tilespmem:s0+$0x5020] =	vst.msk vm14, v18  }
0xa3: {  	vm3 =	vgt.f32 v53, v1;
	(v2sf) =	vpush v57, $0x0;
	v63 =	vmpcnt.ones.xlane vm4;
	[tilespmem:s7+$0x4000] =	vst.msk vm5, v8;
	v8 =	vld [tilespmem:s19+$0x30]  }
0xa4: {  	v22 =	vmpcnt.ones.xlane vm3;
	vm12 =	vgt.f32 v55, v1;
	s7 =	sadd.s32 s7, s30;
	(v2sf) =	vpush v62, $0x0;
	v23 =	vld [tilespmem:s18+$0xFFFFFFD0]  }
0xa5: {  	v24 =	vmpcnt.ones.xlane vm12;
	(v2sf) =	vpush v63, $0x0;
	[tilespmem:s7+$0x4000] =	vst.msk vm6, v9;
	vm15 =	vgt.f32 v59, v1  }
0xa6: {  	(v2sf) =	vpush v22, $0x0;
	v25 =	vld [tilespmem:s18+$0x10];
	v26 =	vmpcnt.ones.xlane vm15;
	vm10 =	vgt.f32 v61, v1  }
0xa7: {  	(v2sf) =	vpush v24, $0x0;
	v27 =	vmpcnt.ones.xlane vm10;
	vm5 =	vgt.f32 v5, v1  }
0xa8: {  	(v2sf) =	vpush v26, $0x0;
	v28 =	vmpcnt.ones.xlane vm5;
	vm6 =	vgt.f32 v8, v1  }
0xa9: {  	vm14 =	vgt.f32 v23, v1;
	(v2sf) =	vpush v27, $0x0;
	v29 =	vmpcnt.ones.xlane vm6  }
0xaa: {  	s10 =	spop (v2sf);
	v30 =	vmpcnt.ones.xlane vm14;
	(v2sf) =	vpush v28, $0x0  }
0xab: {  	s24 =	spop (v2sf);
	vm13 =	vgt.f32 v25, v1;
	(v2sf) =	vpush v29, $0x0  }
0xac: {  	s20 =	spop (v2sf);
	v31 =	vmpcnt.ones.xlane vm13;
	(v2sf) =	vpush v30, $0x0  }
0xad: {  	s31 =	spop (v2sf)  }
0xae: {  	s26 =	spop (v2sf);
	(v2sf) =	vpush v31, $0x0  }
0xaf: {  	s29 =	spop (v2sf)  }
0xb0: {  	s9 =	spop (v2sf)  }
0xb1: {  	vm7 =	vmmov vm7;
	vm11 =	vmmov vm11;
	s7 =	sadd.s32 s7, s10;
	s30 =	spop (v2sf)  }
0xb2: {  	vm7 =	vmmov vm7;
	[tilespmem:s7+$0x4000] =	vst.msk vm11, v16;
	s1 =	sadd.s32 s1, s31;
	s19 =	spop (v2sf)  }
0xb3: {  	vm3 =	vmmov vm3;
	v16 =	vld [tilespmem:s21+$0xFFFFFFD0];
	[tilespmem:s1+$0x4810] =	vst.msk vm7, v11;
	s1 =	sadd.s32 s1, s26;
	s26 =	spop (v2sf)  }
0xb4: {  	vm9 =	vmmov vm9;
	v32 =	vld [tilespmem:s16+$0x20];
	[tilespmem:s1+$0x4810] =	vst.msk vm3, v53;
	s0 =	sadd.s32 s0, s9;
	s28 =	spop (v2sf)  }
0xb5: {  	v15 =	vld [tilespmem:s15+$0xFFFFFFE0];
	[tilespmem:s0+$0x5020] =	vst.msk vm9, v17;
	s0 =	sadd.s32 s0, s30;
	s10 =	spop (v2sf)  }
0xb6: {  	vm11 =	vmmov vm8;
	v33 =	vld [tilespmem:s17+$0xFFFFFFF0];
	[tilespmem:s0+$0x5020] =	vst.msk vm15, v59;
	s31 =	spop (v2sf)  }
0xb7: {  	vm3 =	vmmov vm11;
	s25 =	sadd.s32 s7, s29;
	vm15 =	vmmov vm12;
	v34 =	vld [tilespmem:s17+$0x30];
	s9 =	spop (v2sf)  }
0xb8: {  	[tilespmem:s25+$0x4000] =	vst.msk vm3, v6;
	vm12 =	vmmov vm14;
	vm7 =	vmmov vm15;
	s1 =	sadd.s32 s1, s10;
	s10 =	spop (v2sf)  }
0xb9: {  	v36 =	vld [tilespmem:s21+$0x10];
	vm14 =	vmmov vm10;
	vm10 =	vgt.f32 v16, v1;
	vm9 =	vgt.f32 v32, v1;
	[tilespmem:s1+$0x4810] =	vst.msk vm7, v55;
	s1 =	sadd.s32 s1, s31;
	s17 =	spop (v2sf)  }
0xba: {  	vm15 =	vmmov vm13;
	v35 =	vmpcnt.ones.xlane vm9;
	vm11 =	vgt.f32 v15, v1;
	[tilespmem:s1+$0x4810] =	vst.msk vm12, v23;
	v38 =	vld [tilespmem:s15+$0x20];
	s0 =	sadd.s32 s0, s9;
	s29 =	spop (v2sf)  }
0xbb: {  	vm3 =	vmmov vm15;
	v37 =	vmpcnt.ones.xlane vm11;
	vm7 =	vgt.f32 v33, v1;
	v14 =	vld [tilespmem:s18+$0xFFFFFFE0];
	[tilespmem:s0+$0x5020] =	vst.msk vm14, v61;
	s7 =	sadd.s32 s0, s10;
	s31 =	spop (v2sf)  }
0xbc: {  	(v2sf) =	vpush v35, $0x0;
	vm8 =	vgt.f32 v34, v1;
	v39 =	vmpcnt.ones.xlane vm7;
	v40 =	vld [tilespmem:s16+$0xFFFFFFF0];
	[tilespmem:s7+$0x5020] =	vst.msk vm9, v32;
	s0 =	sadd.s32 s1, s31  }
0xbd: {  	v41 =	vmpcnt.ones.xlane vm10;
	v42 =	vmpcnt.ones.xlane vm8;
	v43 =	vld [tilespmem:s16+$0x30];
	(v2sf) =	vpush v37, $0x0;
	s9 =	spop (v2sf);
	[tilespmem:s0+$0x4810] =	vst.msk vm3, v25  }
0xbe: {  	vm10 =	vmmov vm10;
	vm14 =	vgt.f32 v36, v1;
	(v2sf) =	vpush v39, $0x0;
	s1 =	sadd.s32 s0, s9;
	v12 =	vld [tilespmem:s18+$0x20]  }
0xbf: {  	v44 =	vmpcnt.ones.xlane vm14;
	vm12 =	vgt.f32 v38, v1;
	(v2sf) =	vpush v42, $0x0;
	[tilespmem:s1+$0x4810] =	vst.msk vm10, v16  }
0xc0: {  	v45 =	vmpcnt.ones.xlane vm12;
	(v2sf) =	vpush v41, $0x0;
	vm3 =	vgt.f32 v14, v1;
	v46 =	vld [tilespmem:s21+$0xFFFFFFE0]  }
0xc1: {  	vm9 =	vgt.f32 v40, v1;
	(v2sf) =	vpush v44, $0x0;
	v47 =	vmpcnt.ones.xlane vm3  }
0xc2: {  	v48 =	vmpcnt.ones.xlane vm9;
	vm10 =	vgt.f32 v43, v1;
	(v2sf) =	vpush v45, $0x0  }
0xc3: {  	v49 =	vmpcnt.ones.xlane vm10;
	(v2sf) =	vpush v47, $0x0;
	vm13 =	vgt.f32 v12, v1  }
0xc4: {  	(v2sf) =	vpush v48, $0x0;
	v50 =	vmpcnt.ones.xlane vm13  }
0xc5: {  	(v2sf) =	vpush v49, $0x0;
	vm15 =	vgt.f32 v46, v1  }
0xc6: {  	v51 =	vmpcnt.ones.xlane vm15;
	(v2sf) =	vpush v50, $0x0;
	_ =	sdelay $0x1  }
0xc7: {  	(v2sf) =	vpush v51, $0x0;
	_ =	sdelay $0x2  }
0xc8: {  	s16 =	spop (v2sf)  }
0xc9: {  	s9 =	spop (v2sf)  }
0xca: {  	s0 =	spop (v2sf)  }
0xcb: {  	s31 =	spop (v2sf)  }
0xcc: {  	s10 =	spop (v2sf)  }
0xcd: {  	vm11 =	vmmov vm11;
	vm14 =	vmmov vm14;
	s7 =	sadd.s32 s7, s16;
	s16 =	spop (v2sf)  }
0xce: {  	vm14 =	vmmov vm14;
	[tilespmem:s7+$0x5020] =	vst.msk vm11, v15;
	s30 =	sadd.s32 s1, s10;
	s10 =	spop (v2sf)  }
0xcf: {  	v15 =	vld [tilespmem:s15+$0xFFFFFFF0];
	s7 =	sadd.s32 s7, s9;
	[tilespmem:s30+$0x4810] =	vst.msk vm14, v36;
	s9 =	spop (v2sf)  }
0xd0: {  	[tilespmem:s7+$0x5020] =	vst.msk vm12, v38;
	v52 =	vld [tilespmem:s21+$0x20];
	s1 =	spop (v2sf)  }
0xd1: {  	vm3 =	vmmov vm3;
	v53 =	vld [tilespmem:s15+$0x30];
	s10 =	sadd.s32 s7, s10;
	s7 =	spop (v2sf)  }
0xd2: {  	[tilespmem:s10+$0x5020] =	vst.msk vm3, v14;
	s9 =	sadd.s32 s10, s9;
	s15 =	spop (v2sf)  }
0xd3: {  	vm15 =	vmmov vm15;
	[tilespmem:s9+$0x5020] =	vst.msk vm13, v12;
	v54 =	vld [tilespmem:s18+$0xFFFFFFF0];
	s9 =	sadd.s32 s9, s15  }
0xd4: {  	vm12 =	vgt.f32 v15, v1;
	v55 =	vld [tilespmem:s18+$0x30];
	s15 =	spop (v2sf);
	[tilespmem:s9+$0x5020] =	vst.msk vm15, v46  }
0xd5: {  	v57 =	vmpcnt.ones.xlane vm12;
	vm11 =	vgt.f32 v52, v1;
	s15 =	sadd.s32 s9, s15;
	v56 =	vld [tilespmem:s21+$0xFFFFFFF0]  }
0xd6: {  	vm15 =	vgt.f32 v53, v1;
	[tilespmem:s15+$0x5020] =	vst.msk vm11, v52  }
0xd7: {  	(v2sf) =	vpush v57, $0x0;
	s18 =	sadd.s32 s14, s22;
	v58 =	vmpcnt.ones.xlane vm15;
	v6 =	vld [tilespmem:s21+$0x30]  }
0xd8: {  	[tilespmem:s18+$0x5830] =	vst.msk vm0, v2;
	vm0 =	vmmov vm2;
	v59 =	vmpcnt.ones.xlane vm11;
	vm13 =	vgt.f32 v54, v1;
	s9 =	sadd.s32 s18, s23  }
0xd9: {  	v60 =	vmpcnt.ones.xlane vm13;
	vm3 =	vgt.f32 v55, v1;
	[tilespmem:s9+$0x5830] =	vst.msk vm1, v3;
	s9 =	sadd.s32 s9, s24;
	(v2sf) =	vpush v58, $0x0  }
0xda: {  	v61 =	vmpcnt.ones.xlane vm3;
	[tilespmem:s9+$0x5830] =	vst.msk vm0, v4;
	(v2sf) =	vpush v59, $0x0;
	vm11 =	vgt.f32 v56, v1  }
0xdb: {  	v2 =	vld [tilespmem:$0x1FFF0];
	(v2sf) =	vpush v60, $0x0;
	v62 =	vmpcnt.ones.xlane vm11  }
0xdc: {  	(v2sf) =	vpush v61, $0x0;
	vm14 =	vgt.f32 v6, v1  }
0xdd: {  	v63 =	vmpcnt.ones.xlane vm14;
	(v2sf) =	vpush v62, $0x0;
	_ =	sdelay $0x1  }
0xde: {  	(v2sf) =	vpush v63, $0x0  }
0xdf: {  	s9 =	sadd.s32 s9, s20;
	vm0 =	vnez.u8 v2  }
0xe0: {  	vm4 =	vmmov vm4;
	[tilespmem:s9+$0x5830] =	vst.msk vm0, v10;
	s9 =	sadd.s32 s9, s26  }
0xe1: {  	[tilespmem:s9+$0x5830] =	vst.msk vm4, v7;
	s9 =	sadd.s32 s9, s28  }
0xe2: {  	vm4 =	vmmov vm6;
	[tilespmem:s9+$0x5830] =	vst.msk vm5, v5;
	s9 =	sadd.s32 s9, s17  }
0xe3: {  	[tilespmem:s9+$0x5830] =	vst.msk vm4, v8;
	s9 =	sadd.s32 s9, s29  }
0xe4: {  	vm6 =	vmmov vm8;
	[tilespmem:s9+$0x5830] =	vst.msk vm7, v33;
	s0 =	sadd.s32 s9, s0  }
0xe5: {  	[tilespmem:s0+$0x5830] =	vst.msk vm6, v34;
	s0 =	sadd.s32 s0, s31  }
0xe6: {  	s24 =	sadd.s32 s25, s19;
	s20 =	spop (v2sf);
	vm8 =	vmmov vm10;
	[tilespmem:s0+$0x5830] =	vst.msk vm9, v40;
	s0 =	sadd.s32 s0, s1  }
0xe7: {  	s28 =	sadd.s32 $0xF, s24;
	[tilespmem:s0+$0x5830] =	vst.msk vm8, v43;
	s0 =	sadd.s32 s0, s7;
	s21 =	spop (v2sf)  }
0xe8: {  	vm10 =	vmmov vm15;
	s17 =	sshra.s32 s28, $0x4;
	[tilespmem:s0+$0x5830] =	vst.msk vm12, v15;
	s0 =	sadd.s32 s0, s20;
	s22 =	spop (v2sf)  }
0xe9: {  	p0 =	slt.s32 s17, $0x1;
	[tilespmem:s0+$0x5830] =	vst.msk vm10, v53;
	s0 =	sadd.s32 s0, s21;
	s23 =	spop (v2sf)  }
.Ltmp4:
0xea: {  	vm12 =	vmmov vm3;
	[tilespmem:s0+$0x5830] =	vst.msk vm13, v54;
	s0 =	sadd.s32 s0, s23;
	s25 =	spop (v2sf);
	(pc) =	sbr.rel @p0 .LBB2_10-.Ltmp4, $4  }
0xeb: {  	[tilespmem:s0+$0x5830] =	vst.msk vm12, v55;
	s0 =	sadd.s32 s0, s25;
	s26 =	spop (v2sf)  }
0xec: {  	vm15 =	vmmov vm14;
	[tilespmem:s0+$0x5830] =	vst.msk vm11, v56;
	s29 =	sadd.s32 s0, s26  }
0xed: {  	s31 =	spop (v2sf);
	[tilespmem:s29+$0x5830] =	vst.msk vm15, v6  }
0xee: {  	s7 =	sadd.s32 s30, s16;
	s0 =	sadd.s32 s15, s22;
	s14 =	sadd.s32 s29, s31;
	[tilespmem:s24+$0x4000] =	vst v1  }
0xef: {  	s1 =	simm.s32 $0x4000  }
0xf0: {  	p0 =	sne.s32 s17, $0x1;
	v2 =	vld [tilespmem:s1+$0x0]  }
.Ltmp5:
0xf1: {  	_ = 	snop;
	(pc) =	sbr.rel @!p0 .LBB2_13-.Ltmp5, $3  }
0xf2: {  	_ =	sdelay $0x1  }
0xf3: {  	s1 =	simm.s32 $0x6080  }
0xf4: {  	s15 =	sadd.s32 $0xFFFFFFFF, s17;
	s16 =	simm.s32 $0x4010;
	[tilespmem:s1+$0x0] =	vst v2  }
.LBB2_12:
0xf5: {  	v2 =	vld [tilespmem:s16+$0x0];
	p0 =	sne.s32 s15, $0x1;
	s15 =	sadd.s32 $0xFFFFFFFF, s15  }
.Ltmp6:
0xf6: {  	(pc) =	sbr.rel @p0 .LBB2_12-.Ltmp6, $3  }
0xf7: {  	_ =	sdelay $0x1  }
0xf8: {  	s1 =	sadd.s32 $0x10, s1  }
0xf9: {  	s16 =	sadd.s32 $0x10, s16;
	[tilespmem:s1+$0x0] =	vst v2  }
.Ltmp7:
0xfa: {  	_ = 	snop;
	(pc) =	sbr.rel .LBB2_13-.Ltmp7, $1  }
0xfb: {  	_ =	sdelay $0x3  }
.LBB2_10:
0xfc: {  	s17 =	simm.s32 $0x0  }
.LBB2_13:
0xfd: {  	s1 =	sadd.s32 $0xF, s7  }
0xfe: {  	s1 =	sshra.s32 s1, $0x4  }
0xff: {  	p0 =	slt.s32 s1, $0x1  }
.Ltmp8:
0x100: {  	_ = 	snop;
	(pc) =	sbr.rel @p0 .LBB2_16-.Ltmp8, $2  }
0x101: {  	_ =	sdelay $0x2  }
0x102: {  	[tilespmem:s7+$0x4810] =	vst v1;
	s15 =	smov.u32 s17  }
0x103: {  	s7 =	simm.s32 $0x4810  }
0x104: {  	p0 =	sne.s32 s1, $0x1;
	v2 =	vld [tilespmem:s7+$0x0]  }
.Ltmp9:
0x105: {  	_ = 	snop;
	(pc) =	sbr.rel @!p0 .LBB2_16-.Ltmp9, $4  }
0x106: {  	s31 =	sshll.u32 s17, $0x6  }
0x107: {  	s7 =	sshra.s32 s31, $0x2  }
0x108: {  	s7 =	sadd.s32 $0x6080, s7  }
0x109: {  	s15 =	sadd.s32 s17, s1;
	s16 =	sadd.s32 $0xFFFFFFFF, s1;
	s18 =	simm.s32 $0x4820;
	[tilespmem:s7+$0x0] =	vst v2  }
.LBB2_15:
0x10a: {  	v2 =	vld [tilespmem:s18+$0x0];
	p0 =	sne.s32 s16, $0x1;
	s16 =	sadd.s32 $0xFFFFFFFF, s16  }
.Ltmp10:
0x10b: {  	(pc) =	sbr.rel @p0 .LBB2_15-.Ltmp10, $3  }
0x10c: {  	_ =	sdelay $0x1  }
0x10d: {  	s7 =	sadd.s32 $0x10, s7  }
0x10e: {  	s18 =	sadd.s32 $0x10, s18;
	[tilespmem:s7+$0x0] =	vst v2  }
.LBB2_16:
0x10f: {  	s7 =	sadd.s32 $0xF, s0  }
0x110: {  	s7 =	sshra.s32 s7, $0x4  }
0x111: {  	p0 =	slt.s32 s7, $0x1  }
.Ltmp11:
0x112: {  	_ = 	snop;
	(pc) =	sbr.rel @p0 .LBB2_19-.Ltmp11, $2  }
0x113: {  	_ =	sdelay $0x2  }
0x114: {  	[tilespmem:s0+$0x5020] =	vst v1  }
0x115: {  	s0 =	simm.s32 $0x5020;
	p0 =	sgt.s32 s1, $0x0  }
0x116: {  	v2 =	vld [tilespmem:s0+$0x0];
	s1 =	simm.s32 @!p0 $0x0;
	p0 =	sne.s32 s7, $0x1  }
.Ltmp12:
0x117: {  	_ = 	snop;
	(pc) =	sbr.rel @!p0 .LBB2_19-.Ltmp12, $4  }
0x118: {  	s31 =	sshll.u32 s15, $0x6  }
0x119: {  	s0 =	sshra.s32 s31, $0x2  }
0x11a: {  	s9 =	sadd.s32 s17, s7;
	s0 =	sadd.s32 $0x6080, s0  }
0x11b: {  	s15 =	sadd.s32 s1, s9;
	s1 =	sadd.s32 $0xFFFFFFFF, s7;
	s7 =	simm.s32 $0x5030;
	[tilespmem:s0+$0x0] =	vst v2  }
.LBB2_18:
0x11c: {  	v2 =	vld [tilespmem:s7+$0x0];
	p0 =	sne.s32 s1, $0x1;
	s1 =	sadd.s32 $0xFFFFFFFF, s1  }
.Ltmp13:
0x11d: {  	(pc) =	sbr.rel @p0 .LBB2_18-.Ltmp13, $3  }
0x11e: {  	_ =	sdelay $0x1  }
0x11f: {  	s0 =	sadd.s32 $0x10, s0  }
0x120: {  	s7 =	sadd.s32 $0x10, s7;
	[tilespmem:s0+$0x0] =	vst v2  }
.LBB2_19:
0x121: {  	s0 =	sadd.s32 $0xF, s14  }
0x122: {  	s1 =	sshra.s32 s0, $0x4  }
0x123: {  	p0 =	slt.s32 s1, $0x1  }
.Ltmp14:
0x124: {  	_ = 	snop;
	(pc) =	sbr.rel @p0 .LBB2_22-.Ltmp14, $2  }
0x125: {  	_ =	sdelay $0x2  }
0x126: {  	[tilespmem:s14+$0x5830] =	vst v1  }
0x127: {  	s0 =	simm.s32 $0x5830  }
0x128: {  	p0 =	sne.s32 s1, $0x1;
	v2 =	vld [tilespmem:s0+$0x0]  }
.Ltmp15:
0x129: {  	_ = 	snop;
	(pc) =	sbr.rel @!p0 .LBB2_22-.Ltmp15, $4  }
0x12a: {  	s31 =	sshll.u32 s15, $0x6  }
0x12b: {  	s0 =	sshra.s32 s31, $0x2  }
0x12c: {  	s0 =	sadd.s32 $0x6080, s0  }
0x12d: {  	s1 =	sadd.s32 $0xFFFFFFFF, s1;
	s15 =	sadd.s32 $0x1, s15;
	s7 =	simm.s32 $0x5840;
	[tilespmem:s0+$0x0] =	vst v2  }
.LBB2_21:
0x12e: {  	v2 =	vld [tilespmem:s7+$0x0];
	p0 =	sne.s32 s1, $0x1;
	s1 =	sadd.s32 $0xFFFFFFFF, s1  }
.Ltmp16:
0x12f: {  	(pc) =	sbr.rel @p0 .LBB2_21-.Ltmp16, $3  }
0x130: {  	_ =	sdelay $0x1  }
0x131: {  	s0 =	sadd.s32 $0x10, s0  }
0x132: {  	s15 =	sadd.s32 $0x1, s15;
	s7 =	sadd.s32 $0x10, s7;
	[tilespmem:s0+$0x0] =	vst v2  }
.LBB2_22:
.Ltmp17:
0x133: {  	(pc) =	sbr.rel .LBB2_23-.Ltmp17, $4  }
0x134: {  	_ = 	snop  }
0x135: {  	s0 =	sshll.u32 s15, $0x6;
	s1 =	sadd.s32 $0x1, s15  }
0x136: {  	s7 =	sshra.s32 s0, $0x2;
	s0 =	sshra.s32 s1, $0x1  }
0x137: {  	s1 =	simm.s32 $0x0;
	[tilespmem:s7+$0x6080] =	vst v1;
	p0 =	slt.s32 s0, $0x1  }
.LBB2_24:
0x138: {  	v1 =	vimm.f32 $0.0e+00  }
.LBB2_30:
0x139: {  	(xrf2) =	vadd.scan.msk.f32 $0xffff, v1;
	_ =	sdelay $0x9  }
0x13a: {  	v1, _, _ =	vpop (xrf2)  }
0x13b: {  	(v2sf) =	vpush v1, $0xF;
	_ =	sdelay $0xe  }
0x13c: {  	s9 =	spop (v2sf)  }
0x13d: {  	p1 =	sge.f32 s9, $1.000000000e+00  }
0x13e: {  	s1 =	sadd.s32 $0x1, s1  }
0x13f: {  	s12 =	smov.u32 @p1 s7;
	s7 =	smov.u32 @p1 s13;
	p1 =	seq.s32 s1, $0x1A  }
.Ltmp18:
0x140: {  	_ = 	snop;
	(pc) =	sbr.rel @p1 .LBB2_25-.Ltmp18, $2  }
0x141: {  	_ =	sdelay $0x2  }
0x142: {  	s13 =	smov.u32 s7  }
.LBB2_23:
.Ltmp19:
0x143: {  	(pc) =	sbr.rel @p0 .LBB2_24-.Ltmp19, $3  }
0x144: {  	_ = 	snop  }
0x145: {  	s7 =	sadd.f32 s13, s12;
	_ =	sdelay $0x1  }
0x146: {  	s7 =	smul.f32 $5.000000000e-01, s7  }
0x147: {  	s9 =	simm.s32 $0x6090  }
0x148: {  	p1 =	sne.s32 s0, $0x1;
	v3 =	vld [tilespmem:s9+$0x0]  }
.Ltmp20:
0x149: {  	v4 =	vld [tilespmem:s9+$0xFFFFFFF0];
	(pc) =	sbr.rel @!p1 .LBB2_29-.Ltmp20, $3  }
0x14a: {  	_ =	sdelay $0x1  }
0x14b: {  	v2 =	vmov s7  }
0x14c: {  	v1 =	vimm.f32 $0.0e+00;
	s14 =	sadd.s32 $0xFFFFFFFF, s0;
	s15 =	simm.s32 $0x60B0;
	v5 =	vsub.f32 v3, v2;
	v3 =	vimm.f32 $0.0e+00  }
.LBB2_28:
0x14d: {  	v6 =	vld [tilespmem:s15+$0x0];
	p1 =	sne.s32 s14, $0x1;
	s14 =	sadd.s32 $0xFFFFFFFF, s14;
	v7 =	vsub.f32 v4, v2  }
.Ltmp21:
0x14e: {  	v4 =	vld [tilespmem:s15+$0xFFFFFFF0];
	v5 =	vmax.f32 v5, $0.0e+00;
	(pc) =	sbr.rel @p1 .LBB2_28-.Ltmp21, $3  }
0x14f: {  	v7 =	vmax.f32 v7, $0.0e+00;
	v1 =	vadd.f32 v5, v1  }
0x150: {  	v3 =	vadd.f32 v7, v3;
	_ =	sdelay $0x1  }
0x151: {  	s15 =	sadd.s32 $0x20, s15;
	v5 =	vsub.f32 v6, v2  }
.LBB2_29:
0x152: {  	v2 =	vsub.f32 v4, v2;
	_ =	sdelay $0x1  }
.Ltmp22:
0x153: {  	v63 =	vmax.f32 v5, $0.0e+00;
	v2 =	vmax.f32 v2, $0.0e+00;
	(pc) =	sbr.rel .LBB2_30-.Ltmp22, $2  }
0x154: {  	v1 =	vadd.f32 v63, v1;
	v2 =	vadd.f32 v2, v3;
	_ =	sdelay $0x1  }
0x155: {  	v1 =	vadd.f32 v1, v2;
	_ =	sdelay $0x1  }
.LBB2_25:
.Ltmp23:
0x156: {  	(pc) =	sbr.rel @p0 .LBB2_26-.Ltmp23, $1  }
0x157: {  	_ =	sdelay $0x3  }
0x158: {  	s1 =	simm.s32 $0x6090  }
0x159: {  	p0 =	sne.s32 s0, $0x1;
	v4 =	vld [tilespmem:s1+$0xFFFFFFF0]  }
.Ltmp24:
0x15a: {  	_ = 	snop;
	(pc) =	sbr.rel @!p0 .LBB2_33-.Ltmp24, $3  }
0x15b: {  	v2 =	vld [tilespmem:s1+$0x0];
	_ =	sdelay $0x1  }
0x15c: {  	v1 =	vmov s12  }
0x15d: {  	v3 =	vimm.f32 $0.0e+00;
	s0 =	sadd.s32 $0xFFFFFFFF, s0;
	v5 =	vimm.f32 $0.0e+00;
	s1 =	simm.s32 $0x60B0;
	vm0 =	vgt.f32 v4, v1  }
.LBB2_32:
0x15e: {  	p0 =	sne.s32 s0, $0x1;
	s0 =	sadd.s32 $0xFFFFFFFF, s0;
	v6 =	vnsel vm0, $0x0, v4;
	v4 =	vld [tilespmem:s1+$0xFFFFFFF0];
	v7 =	vsel vm0, $0x3F800000, v0  }
.Ltmp25:
0x15f: {  	vm0 =	vgt.f32 v2, v1;
	v3 =	vadd.f32 v6, v3;
	v5 =	vadd.f32 v7, v5;
	(pc) =	sbr.rel @p0 .LBB2_32-.Ltmp25, $3  }
0x160: {  	v6 =	vnsel vm0, $0x0, v2;
	v2 =	vld [tilespmem:s1+$0x0];
	v7 =	vsel vm0, $0x3F800000, v0  }
0x161: {  	v3 =	vadd.f32 v6, v3;
	v5 =	vadd.f32 v7, v5;
	_ =	sdelay $0x1  }
0x162: {  	s1 =	sadd.s32 $0x20, s1;
	vm0 =	vgt.f32 v4, v1  }
.LBB2_33:
.Ltmp26:
0x163: {  	(pc) =	sbr.rel .LBB2_34-.Ltmp26, $4  }
0x164: {  	v4 =	vnsel vm0, $0x0, v4;
	v6 =	vsel vm0, $0x3F800000, v0  }
0x165: {  	vm15 =	vgt.f32 v2, v1;
	v1 =	vadd.f32 v4, v3;
	v3 =	vadd.f32 v6, v5  }
0x166: {  	v2 =	vnsel vm15, $0x0, v2;
	v63 =	vsel vm15, $0x3F800000, v0  }
0x167: {  	v1 =	vadd.f32 v2, v1;
	v2 =	vadd.f32 v63, v3  }
.LBB2_26:
0x168: {  	v1 =	vimm.f32 $0.0e+00;
	v2 =	vimm.f32 $0.0e+00  }
.LBB2_34:
0x169: {  	_ = 	snop  }
0x16a: {  	(xrf2) =	vadd.scan.msk.f32 $0xffff, v1  }
0x16b: {  	(xrf2) =	vadd.scan.msk.f32 $0xffff, v2;
	_ =	sdelay $0x8  }
0x16c: {  	v1, _, _ =	vpop (xrf2)  }
0x16d: {  	(v2sf) =	vpush v1, $0xF;
	v1, _, _ =	vpop (xrf2)  }
0x16e: {  	(v2sf) =	vpush v1, $0xF;
	_ =	sdelay $0xd  }
0x16f: {  	s0 =	spop (v2sf)  }
0x170: {  	s1 =	spop (v2sf)  }
0x171: {  	s1 =	smax.f32 s1, $1.000000000e+00  }
0x172: {  	v1 =	vmov s1  }
0x173: {  	(erf) = vrcp.f32 v1;
	_ =	sdelay $0x5  }
0x174: {  	s12 =	simm.s32 $0x40  }
0x175: {  	v3 =	vld [tilespmem:s12+$0x30]  }
0x176: {  	v5 =	vld [tilespmem:s12+$0xFFFFFFD0];
	s0 =	sadd.f32 $-1.000000000e+00, s0  }
0x177: {  	v7 =	vld [tilespmem:s12+$0xFFFFFFE0];
	v1 =	vpop (erf)  }
0x178: {  	v6 =	vld [tilespmem:s12+$0xFFFFFFF0];
	v1 =	vmul.f32 s0, v1  }
0x179: {  	v4 =	vld [tilespmem:s12+$0x0]  }
0x17a: {  	v2 =	vld [tilespmem:s12+$0x10];
	v9 =	vsub.f32 v3, v1  }
0x17b: {  	v3 =	vld [tilespmem:s12+$0x20];
	v8 =	vsub.f32 v5, v1  }
0x17c: {  	s1 =	simm.s32 $0x140;
	s0 =	simm.s32 $0x0;
	v5 =	vld [tilespmem:s12+$0xFFFFFFC0];
	v7 =	vsub.f32 v7, v1;
	v9 =	vmax.f32 v9, $0.0e+00  }
.LBB2_35:
0x17d: {  	v10 =	vld [tilespmem:s1+$0x30];
	s0 =	sadd.s32 $0x8, s0;
	v8 =	vmax.f32 v8, $0.0e+00;
	v6 =	vsub.f32 v6, v1;
	[tilespmem:s12+$0x30] =	vst v9  }
0x17e: {  	v9 =	vld [tilespmem:s1+$0xFFFFFFD0];
	p0 =	slt.u32 s0, $0x1F8;
	[tilespmem:s12+$0xFFFFFFD0] =	vst v8;
	v7 =	vmax.f32 v7, $0.0e+00;
	v4 =	vsub.f32 v4, v1  }
0x17f: {  	v11 =	vld [tilespmem:s1+$0xFFFFFFE0];
	[tilespmem:s12+$0xFFFFFFE0] =	vst v7;
	v7 =	vmax.f32 v6, $0.0e+00;
	v2 =	vsub.f32 v2, v1  }
.Ltmp27:
0x180: {  	v6 =	vld [tilespmem:s1+$0xFFFFFFF0];
	[tilespmem:s12+$0xFFFFFFF0] =	vst v7;
	v7 =	vmax.f32 v4, $0.0e+00;
	v3 =	vsub.f32 v3, v1;
	(pc) =	sbr.rel @p0 .LBB2_35-.Ltmp27, $4  }
0x181: {  	v4 =	vld [tilespmem:s1+$0x0];
	v5 =	vsub.f32 v5, v1;
	[tilespmem:s12+$0x0] =	vst v7;
	v7 =	vmax.f32 v2, $0.0e+00  }
0x182: {  	v2 =	vld [tilespmem:s1+$0x10];
	v10 =	vsub.f32 v10, v1;
	[tilespmem:s12+$0x10] =	vst v7;
	v7 =	vmax.f32 v3, $0.0e+00  }
0x183: {  	v8 =	vsub.f32 v9, v1;
	v3 =	vld [tilespmem:s1+$0x20];
	v12 =	vmax.f32 v5, $0.0e+00;
	[tilespmem:s12+$0x20] =	vst v7  }
0x184: {  	v5 =	vld [tilespmem:s1+$0xFFFFFFC0];
	v7 =	vsub.f32 v11, v1;
	v9 =	vmax.f32 v10, $0.0e+00;
	[tilespmem:s12+$0xFFFFFFC0] =	vst v12;
	s12 =	smov.u32 s1;
	s1 =	sadd.s32 $0x100, s1  }
0x185: {  	v8 =	vmax.f32 v8, $0.0e+00;
	v6 =	vsub.f32 v6, v1;
	[tilespmem:s12+$0x30] =	vst v9  }
0x186: {  	[tilespmem:s12+$0xFFFFFFD0] =	vst v8;
	v7 =	vmax.f32 v7, $0.0e+00;
	v4 =	vsub.f32 v4, v1  }
0x187: {  	[tilespmem:s12+$0xFFFFFFE0] =	vst v7;
	v6 =	vmax.f32 v6, $0.0e+00;
	v2 =	vsub.f32 v2, v1  }
0x188: {  	[tilespmem:s12+$0xFFFFFFF0] =	vst v6;
	v4 =	vmax.f32 v4, $0.0e+00;
	v3 =	vsub.f32 v3, v1  }
0x189: {  	v1 =	vsub.f32 v5, v1;
	[tilespmem:s12+$0x0] =	vst v4;
	v2 =	vmax.f32 v2, $0.0e+00  }
0x18a: {  	[tilespmem:s12+$0x10] =	vst v2;
	v2 =	vmax.f32 v3, $0.0e+00  }
0x18b: {  	s0 =	simm.s32 $0x0;
	v1 =	vmax.f32 v1, $0.0e+00;
	[tilespmem:s12+$0x20] =	vst v2  }
0x18c: {  	s1 =	simm.s32 $0x80;
	s7 =	simm.s32 $0x100;
	[tilespmem:s12+$0xFFFFFFC0] =	vst v1;
	s12 =	sadd.s32 $0x0, s5  }
.LBB2_37:
0x18d: {  	[hbm4b:s12+s2] =	stream.linear.scatter [tilespmem:s0], [sflag:$0x2], $0x80, $0x38;
	[tilespmem:$0x8100] =	vst v63  }
0x18e: {  	s9 =	smov.u32 s1;
	s0 =	smov.u32 s7;
	p0 =	sne.s32 s1, $0x1F80  }
.Ltmp28:
0x18f: {  	s1 =	sadd.s32 $0x80, s1;
	(pc) =	sbr.rel @p0 .LBB2_37-.Ltmp28, $2  }
0x190: {  	_ =	sdelay $0x2  }
0x191: {  	s7 =	sadd.s32 $0x100, s7;
	s12 =	sadd.s32 s9, s5  }
0x192: {  	[hbm4b:s12+s2] =	stream.linear.scatter [tilespmem:s0], [sflag:$0x2], $0x80, $0x38;
	[tilespmem:$0x8100] =	vst v63  }
0x193: {  	s31 =	simm.s32 $0x1  }
0x194: {  	_ =	swait.ge [sflag:s31], $0x2000  }
0x195: {  	[sflag:s31] =	ssyncset.done $0x0  }
0x196: {  	s1 =	simm.s32 $0xF0;
	[sflag:s31] =	ssyncadd.s32 $0xFFFFE000  }
0x197: {  	v8 =	vld [tilespmem:s1+$0xFFFFFFD0]  }
0x198: {  	v1 =	vld [tilespmem:s1+$0xFFFFFFE0]  }
0x199: {  	v4 =	vld [tilespmem:s1+$0xFFFFFFF0]  }
0x19a: {  	v3 =	vld [tilespmem:s1+$0xFFFFFF90]  }
0x19b: {  	v2 =	vld [tilespmem:s1+$0xFFFFFFA0]  }
0x19c: {  	v6 =	vld [tilespmem:s1+$0xFFFFFFB0]  }
0x19d: {  	v5 =	vimm.f32 $-Inf;
	v9 =	vld [tilespmem:s1+$0xFFFFFFC0]  }
0x19e: {  	s0 =	simm.s32 $0x0;
	v10 =	vimm.f32 $-Inf;
	v11 =	vimm.f32 $-Inf;
	v12 =	vimm.f32 $-Inf;
	v7 =	vld [tilespmem:s1+$0x0];
	s1 =	simm.s32 $0x1F0  }
.LBB2_39:
0x19f: {  	v13 =	vld [tilespmem:s1+$0xFFFFFFD0]  }
0x1a0: {  	v3 =	vmax.f32 v5, v3;
	s0 =	sadd.s32 $0x8, s0;
	v14 =	vld [tilespmem:s1+$0xFFFFFFE0]  }
0x1a1: {  	v5 =	vmax.f32 v3, v8;
	p0 =	slt.u32 s0, $0x1F8;
	v15 =	vld [tilespmem:s1+$0xFFFFFFF0]  }
.Ltmp29:
0x1a2: {  	v16 =	vmax.f32 v10, v2;
	v6 =	vmax.f32 v11, v6;
	v3 =	vld [tilespmem:s1+$0xFFFFFF90];
	v9 =	vmax.f32 v12, v9;
	(pc) =	sbr.rel @p0 .LBB2_39-.Ltmp29, $4  }
0x1a3: {  	v10 =	vmax.f32 v16, v1;
	v11 =	vmax.f32 v6, v4;
	v2 =	vld [tilespmem:s1+$0xFFFFFFA0];
	v12 =	vmax.f32 v9, v7  }
0x1a4: {  	v6 =	vld [tilespmem:s1+$0xFFFFFFB0];
	v8 =	vmov v13  }
0x1a5: {  	v9 =	vld [tilespmem:s1+$0xFFFFFFC0];
	v1 =	vmov v14  }
0x1a6: {  	v7 =	vld [tilespmem:s1+$0x0];
	s1 =	sadd.s32 $0x100, s1;
	v4 =	vmov v15  }
0x1a7: {  	_ = 	snop  }
0x1a8: {  	v3 =	vmax.f32 v5, v3  }
0x1a9: {  	v3 =	vmax.f32 v3, v8  }
0x1aa: {  	v2 =	vmax.f32 v10, v2;
	v5 =	vmax.f32 v11, v6;
	v6 =	vmax.f32 v12, v9  }
0x1ab: {  	v1 =	vmax.f32 v2, v1;
	v2 =	vmax.f32 v5, v4;
	v4 =	vmax.f32 v6, v7  }
0x1ac: {  	v1 =	vmax.f32 v3, v1;
	v2 =	vmax.f32 v2, v4  }
0x1ad: {  	v1 =	vmax.f32 v1, v2  }
0x1ae: {  	(xrf0) =	vmax.scan.msk.f32 $0xffff, v1;
	_ =	sdelay $0x5  }
0x1af: {  	v1, _, _ =	vpop (xrf0)  }
0x1b0: {  	(v2sf) =	vpush v1, $0xF;
	_ =	sdelay $0xc  }
0x1b1: {  	s18 =	simm.s32 $0xF0  }
0x1b2: {  	v2 =	vld [tilespmem:s18+$0xFFFFFF90]  }
0x1b3: {  	s13 =	spop (v2sf)  }
0x1b4: {  	s12 =	sadd.f32 $-1.000000000e+00, s13;
	_ =	sdelay $0x1  }
0x1b5: {  	v1 =	vmov s12  }
0x1b6: {  	vm0 =	vgt.f32 v2, v1  }
0x1b7: {  	v3 =	vmpcnt.ones.xlane vm0;
	_ =	sdelay $0x1  }
0x1b8: {  	(v2sf) =	vpush v3, $0x0;
	_ =	sdelay $0x1  }
0x1b9: {  	s21 =	simm.s32 $0x1F0;
	v3 =	vld [tilespmem:s18+$0xFFFFFFD0]  }
0x1ba: {  	v4 =	vld [tilespmem:s21+$0xFFFFFF90];
	_ =	sdelay $0x3  }
0x1bb: {  	vm2 =	vgt.f32 v3, v1  }
0x1bc: {  	vm1 =	vgt.f32 v4, v1;
	v5 =	vmpcnt.ones.xlane vm2  }
0x1bd: {  	v6 =	vmpcnt.ones.xlane vm1  }
0x1be: {  	(v2sf) =	vpush v5, $0x0  }
0x1bf: {  	(v2sf) =	vpush v6, $0x0  }
0x1c0: {  	s20 =	simm.s32 $0x2F0;
	v5 =	vld [tilespmem:s21+$0xFFFFFFD0]  }
0x1c1: {  	v6 =	vld [tilespmem:s20+$0xFFFFFF90];
	_ =	sdelay $0x1  }
0x1c2: {  	s14 =	simm.s32 $0x0;
	vm0 =	vmmov vm0;
	vm2 =	vmmov vm2;
	s0 =	spop (v2sf)  }
0x1c3: {  	v7 =	vld [tilespmem:s20+$0xFFFFFFD0];
	[tilespmem:s14+$0x4000] =	vst.msk vm0, v2;
	vm2 =	vmmov vm2;
	s0 =	sadd.s32 $0x0, s0  }
0x1c4: {  	v2 =	vld [tilespmem:s18+$0xFFFFFFA0];
	vm3 =	vgt.f32 v5, v1;
	[tilespmem:s0+$0x4000] =	vst.msk vm2, v3  }
0x1c5: {  	v8 =	vmpcnt.ones.xlane vm3;
	vm0 =	vgt.f32 v6, v1;
	v3 =	vld [tilespmem:s18+$0xFFFFFFE0]  }
0x1c6: {  	v9 =	vmpcnt.ones.xlane vm0  }
0x1c7: {  	(v2sf) =	vpush v8, $0x0  }
0x1c8: {  	vm2 =	vgt.f32 v7, v1;
	(v2sf) =	vpush v9, $0x0  }
0x1c9: {  	s19 =	simm.s32 $0x3F0;
	vm5 =	vgt.f32 v2, v1;
	v8 =	vmpcnt.ones.xlane vm2  }
0x1ca: {  	v10 =	vld [tilespmem:s19+$0xFFFFFF90];
	v9 =	vmpcnt.ones.xlane vm5;
	vm4 =	vgt.f32 v3, v1  }
0x1cb: {  	(v2sf) =	vpush v8, $0x0;
	v8 =	vmpcnt.ones.xlane vm4  }
0x1cc: {  	(v2sf) =	vpush v9, $0x0;
	s1 =	spop (v2sf)  }
0x1cd: {  	vm1 =	vmmov vm1;
	vm3 =	vmmov vm3;
	s0 =	sadd.s32 s0, s1;
	s17 =	spop (v2sf);
	(v2sf) =	vpush v8, $0x0  }
0x1ce: {  	vm3 =	vmmov vm3;
	s1 =	sadd.s32 s0, s17;
	[tilespmem:s0+$0x4000] =	vst.msk vm1, v4;
	v8 =	vld [tilespmem:s19+$0xFFFFFFD0]  }
0x1cf: {  	v4 =	vld [tilespmem:s21+$0xFFFFFFA0];
	[tilespmem:s1+$0x4000] =	vst.msk vm3, v5;
	vm3 =	vgt.f32 v10, v1  }
0x1d0: {  	v9 =	vld [tilespmem:s21+$0xFFFFFFE0];
	v5 =	vmpcnt.ones.xlane vm3  }
0x1d1: {  	vm1 =	vmmov vm5;
	s17 =	simm.s32 $0x4F0  }
0x1d2: {  	v11 =	vld [tilespmem:s17+$0xFFFFFF90];
	[tilespmem:s14+$0x4810] =	vst.msk vm1, v2;
	(v2sf) =	vpush v5, $0x0  }
0x1d3: {  	v12 =	vld [tilespmem:s18+$0xFFFFFFB0];
	vm5 =	vgt.f32 v8, v1  }
0x1d4: {  	vm6 =	vgt.f32 v4, v1;
	v2 =	vmpcnt.ones.xlane vm5  }
0x1d5: {  	vm7 =	vmmov vm0;
	v5 =	vmpcnt.ones.xlane vm6;
	vm1 =	vgt.f32 v9, v1  }
0x1d6: {  	vm2 =	vmmov vm2;
	s22 =	spop (v2sf);
	(v2sf) =	vpush v2, $0x0;
	v2 =	vmpcnt.ones.xlane vm1  }
0x1d7: {  	vm8 =	vmmov vm2;
	vm0 =	vgt.f32 v11, v1;
	s0 =	sadd.s32 s1, s22;
	s23 =	spop (v2sf);
	(v2sf) =	vpush v5, $0x0  }
0x1d8: {  	vm2 =	vgt.f32 v12, v1;
	s1 =	sadd.s32 s0, s23;
	[tilespmem:s0+$0x4000] =	vst.msk vm7, v6;
	v5 =	vmpcnt.ones.xlane vm0;
	(v2sf) =	vpush v2, $0x0;
	v2 =	vld [tilespmem:s17+$0xFFFFFFD0]  }
0x1d9: {  	v6 =	vld [tilespmem:s20+$0xFFFFFFA0];
	[tilespmem:s1+$0x4000] =	vst.msk vm8, v7;
	v7 =	vmpcnt.ones.xlane vm2  }
0x1da: {  	s24 =	spop (v2sf);
	v13 =	vld [tilespmem:s20+$0xFFFFFFE0];
	(v2sf) =	vpush v5, $0x0  }
0x1db: {  	vm4 =	vmmov vm4;
	s7 =	spop (v2sf);
	(v2sf) =	vpush v7, $0x0  }
0x1dc: {  	vm4 =	vmmov vm4;
	s7 =	sadd.s32 $0x0, s7;
	s9 =	spop (v2sf)  }
0x1dd: {  	vm6 =	vmmov vm6;
	[tilespmem:s7+$0x4810] =	vst.msk vm4, v3;
	vm7 =	vgt.f32 v2, v1;
	s7 =	sadd.s32 s7, s9  }
0x1de: {  	s16 =	simm.s32 $0x5F0;
	vm8 =	vgt.f32 v6, v1;
	[tilespmem:s7+$0x4810] =	vst.msk vm6, v4;
	v4 =	vmpcnt.ones.xlane vm7  }
0x1df: {  	v16 =	vld [tilespmem:s16+$0xFFFFFF90];
	v5 =	vmpcnt.ones.xlane vm8;
	vm6 =	vgt.f32 v13, v1  }
0x1e0: {  	v3 =	vld [tilespmem:s18+$0xFFFFFFF0];
	(v2sf) =	vpush v4, $0x0;
	v4 =	vmpcnt.ones.xlane vm6  }
0x1e1: {  	v18 =	vld [tilespmem:s21+$0xFFFFFFB0];
	s25 =	spop (v2sf);
	(v2sf) =	vpush v5, $0x0  }
0x1e2: {  	vm3 =	vmmov vm3;
	s0 =	sadd.s32 s1, s24;
	vm4 =	vmmov vm5;
	(v2sf) =	vpush v4, $0x0  }
0x1e3: {  	v19 =	vld [tilespmem:s16+$0xFFFFFFD0];
	vm1 =	vmmov vm1;
	vm2 =	vmmov vm2;
	[tilespmem:s0+$0x4000] =	vst.msk vm3, v10;
	vm9 =	vmmov vm4;
	s1 =	sadd.s32 s0, s25  }
0x1e4: {  	vm1 =	vmmov vm1;
	vm0 =	vmmov vm0;
	vm4 =	vgt.f32 v16, v1;
	[tilespmem:s1+$0x4000] =	vst.msk vm9, v8;
	v4 =	vld [tilespmem:s19+$0xFFFFFFA0]  }
0x1e5: {  	vm8 =	vmmov vm8;
	vm5 =	vgt.f32 v3, v1;
	v5 =	vmpcnt.ones.xlane vm4;
	v17 =	vld [tilespmem:s19+$0xFFFFFFE0];
	s26 =	spop (v2sf)  }
0x1e6: {  	[tilespmem:s14+$0x5020] =	vst.msk vm2, v12;
	vm7 =	vmmov vm7;
	v7 =	vmpcnt.ones.xlane vm5;
	vm3 =	vgt.f32 v18, v1;
	s29 =	spop (v2sf)  }
0x1e7: {  	s15 =	simm.s32 $0x6F0;
	v21 =	vld [tilespmem:s18+$0xFFFFFFC0];
	vm10 =	vmmov vm7;
	(v2sf) =	vpush v5, $0x0;
	v5 =	vmpcnt.ones.xlane vm3;
	s7 =	sadd.s32 s7, s29;
	s30 =	spop (v2sf)  }
0x1e8: {  	vm6 =	vmmov vm6;
	vm9 =	vgt.f32 v19, v1;
	(v2sf) =	vpush v7, $0x0;
	v7 =	vld [tilespmem:s15+$0xFFFFFF90];
	[tilespmem:s7+$0x4810] =	vst.msk vm1, v9;
	s7 =	sadd.s32 s7, s30  }
0x1e9: {  	v8 =	vmpcnt.ones.xlane vm9;
	s0 =	sadd.s32 s1, s26;
	(v2sf) =	vpush v5, $0x0;
	vm11 =	vgt.f32 v4, v1;
	s31 =	spop (v2sf);
	[tilespmem:s7+$0x4810] =	vst.msk vm8, v6;
	v6 =	vld [tilespmem:s21+$0xFFFFFFF0]  }
0x1ea: {  	[tilespmem:s0+$0x4000] =	vst.msk vm0, v11;
	vm1 =	vmmov vm9;
	vm7 =	vgt.f32 v17, v1;
	vm9 =	vmmov vm3;
	s10 =	spop (v2sf);
	s0 =	sadd.s32 s0, s31;
	v10 =	vld [tilespmem:s20+$0xFFFFFFB0]  }
0x1eb: {  	v5 =	vld [tilespmem:s15+$0xFFFFFFD0];
	v9 =	vmpcnt.ones.xlane vm11;
	(v2sf) =	vpush v8, $0x0;
	v8 =	vmpcnt.ones.xlane vm7;
	s9 =	sadd.s32 $0x0, s10;
	[tilespmem:s0+$0x4000] =	vst.msk vm10, v2  }
0x1ec: {  	vm8 =	vmmov vm11;
	vm3 =	vmmov vm1;
	vm10 =	vmmov vm7;
	[tilespmem:s9+$0x5020] =	vst.msk vm5, v3  }
0x1ed: {  	vm7 =	vgt.f32 v21, v1;
	vm0 =	vgt.f32 v7, v1;
	(v2sf) =	vpush v9, $0x0;
	v2 =	vld [tilespmem:s18+$0x0]  }
0x1ee: {  	v20 =	vld [tilespmem:s17+$0xFFFFFFA0];
	vm5 =	vmmov vm6;
	v9 =	vmpcnt.ones.xlane vm0;
	vm2 =	vgt.f32 v6, v1  }
0x1ef: {  	(v2sf) =	vpush v8, $0x0;
	vm6 =	vgt.f32 v10, v1;
	v3 =	vmpcnt.ones.xlane vm2;
	s22 =	spop (v2sf)  }
0x1f0: {  	vm11 =	vgt.f32 v5, v1;
	(v2sf) =	vpush v9, $0x0;
	v14 =	vmpcnt.ones.xlane vm6;
	s10 =	spop (v2sf)  }
0x1f1: {  	v11 =	vmpcnt.ones.xlane vm11;
	vm1 =	vmmov vm11;
	(v2sf) =	vpush v3, $0x0;
	s7 =	sadd.s32 s7, s10;
	s23 =	spop (v2sf)  }
0x1f2: {  	v12 =	vld [tilespmem:s17+$0xFFFFFFE0];
	s18 =	simm.s32 $0x7F0;
	v3 =	vmpcnt.ones.xlane vm7;
	vm11 =	vgt.f32 v2, v1;
	(v2sf) =	vpush v14, $0x0;
	[tilespmem:s7+$0x4810] =	vst.msk vm5, v13;
	s7 =	sadd.s32 s7, s23  }
0x1f3: {  	v8 =	vld [tilespmem:s18+$0xFFFFFF90];
	vm12 =	vgt.f32 v20, v1;
	(v2sf) =	vpush v11, $0x0;
	[tilespmem:s7+$0x4810] =	vst.msk vm8, v4;
	v4 =	vmpcnt.ones.xlane vm11  }
0x1f4: {  	v11 =	vmpcnt.ones.xlane vm12;
	v15 =	vld [tilespmem:s20+$0xFFFFFFF0];
	(v2sf) =	vpush v3, $0x0  }
0x1f5: {  	v14 =	vld [tilespmem:s19+$0xFFFFFFB0];
	(v2sf) =	vpush v4, $0x0  }
0x1f6: {  	v9 =	vld [tilespmem:s18+$0xFFFFFFD0];
	(v2sf) =	vpush v11, $0x0  }
0x1f7: {  	vm4 =	vmmov vm4;
	vm13 =	vgt.f32 v12, v1;
	s0 =	sadd.s32 s0, s22;
	s24 =	spop (v2sf)  }
0x1f8: {  	v22 =	vmpcnt.ones.xlane vm13;
	[tilespmem:s0+$0x4000] =	vst.msk vm4, v16;
	vm5 =	vgt.f32 v8, v1;
	s25 =	spop (v2sf);
	s0 =	sadd.s32 s0, s24  }
0x1f9: {  	vm4 =	vmmov vm0;
	s1 =	sadd.s32 s9, s25;
	[tilespmem:s0+$0x4000] =	vst.msk vm3, v19;
	s22 =	spop (v2sf);
	v11 =	vmpcnt.ones.xlane vm5;
	vm8 =	vgt.f32 v15, v1  }
0x1fa: {  	v13 =	vld [tilespmem:s16+$0xFFFFFFA0];
	[tilespmem:s1+$0x5020] =	vst.msk vm9, v18;
	s22 =	sadd.s32 s1, s22;
	(v2sf) =	vpush v22, $0x0;
	vm9 =	vgt.f32 v14, v1;
	v16 =	vmpcnt.ones.xlane vm8  }
0x1fb: {  	vm0 =	vgt.f32 v9, v1;
	v3 =	vld [tilespmem:s21+$0xFFFFFFC0];
	[tilespmem:s22+$0x5020] =	vst.msk vm2, v6;
	(v2sf) =	vpush v11, $0x0;
	v19 =	vmpcnt.ones.xlane vm9  }
0x1fc: {  	v18 =	vmpcnt.ones.xlane vm0;
	v4 =	vld [tilespmem:s21+$0x0];
	(v2sf) =	vpush v16, $0x0  }
0x1fd: {  	s26 =	spop (v2sf);
	v11 =	vld [tilespmem:s16+$0xFFFFFFE0];
	(v2sf) =	vpush v19, $0x0  }
0x1fe: {  	vm14 =	vmmov vm10;
	vm10 =	vmmov vm1;
	s23 =	simm.s32 $0x8F0;
	s29 =	spop (v2sf);
	(v2sf) =	vpush v18, $0x0  }
0x1ff: {  	vm6 =	vmmov vm6;
	vm12 =	vmmov vm12;
	vm3 =	vmmov vm0;
	s7 =	sadd.s32 s7, s29;
	s30 =	spop (v2sf);
	v16 =	vld [tilespmem:s23+$0xFFFFFF90]  }
0x200: {  	vm0 =	vmmov vm11;
	vm11 =	vmmov vm13;
	v6 =	vld [tilespmem:s23+$0xFFFFFFD0];
	[tilespmem:s7+$0x4810] =	vst.msk vm14, v17;
	s24 =	sadd.s32 s7, s30;
	vm1 =	vgt.f32 v3, v1  }
0x201: {  	vm13 =	vgt.f32 v13, v1;
	s25 =	sadd.s32 s0, s26;
	s31 =	spop (v2sf);
	[tilespmem:s24+$0x4810] =	vst.msk vm12, v20;
	v18 =	vld [tilespmem:s19+$0xFFFFFFF0];
	v20 =	vmpcnt.ones.xlane vm1;
	vm2 =	vgt.f32 v4, v1  }
0x202: {  	[tilespmem:s14+$0x5830] =	vst.msk vm7, v21;
	s26 =	simm.s32 $0x40;
	s21 =	simm.s32 $0x8F0;
	v19 =	vmpcnt.ones.xlane vm13;
	s28 =	sadd.s32 s25, s31;
	vm7 =	vgt.f32 v11, v1;
	v17 =	vld [tilespmem:s17+$0xFFFFFFB0];
	v21 =	vmpcnt.ones.xlane vm2  }
.LBB2_41:
0x203: {  	s26 =	sadd.s32 $0x8, s26;
	v22 =	vmpcnt.ones.xlane vm7;
	(v2sf) =	vpush v20, $0x0;
	s0 =	spop (v2sf);
	vm12 =	vmmov vm13  }
0x204: {  	vm14 =	vmmov vm11;
	p0 =	slt.u32 s26, $0x1F8;
	[tilespmem:s25+$0x4000] =	vst.msk vm4, v7;
	s1 =	spop (v2sf);
	s0 =	sadd.s32 s22, s0;
	(v2sf) =	vpush v21, $0x0;
	v7 =	vmovc v8;
	v8 =	vmovc v16;
	vm4 =	vmmov vm5  }
0x205: {  	vm5 =	vgt.f32 v8, v1;
	v21 =	vld [tilespmem:s15+$0xFFFFFFA0];
	s7 =	spop (v2sf);
	(v2sf) =	vpush v19, $0x0;
	[tilespmem:s0+$0x5020] =	vst.msk vm6, v10;
	s22 =	sadd.s32 s0, s1;
	v10 =	vmovc v14;
	vm6 =	vmmov vm9  }
0x206: {  	vm11 =	vgt.f32 v6, v1;
	v16 =	vmpcnt.ones.xlane vm5;
	s25 =	sadd.s32 s28, s7;
	(v2sf) =	vpush v22, $0x0;
	v19 =	vld [tilespmem:s20+$0xFFFFFFC0];
	[tilespmem:s22+$0x5020] =	vst.msk vm8, v15;
	v15 =	vmovc v18  }
0x207: {  	v18 =	vmpcnt.ones.xlane vm11;
	[tilespmem:s28+$0x4000] =	vst.msk vm10, v5;
	vm9 =	vgt.f32 v17, v1;
	vm8 =	vgt.f32 v15, v1;
	v22 =	vld [tilespmem:s20+$0x0];
	s0 =	spop (v2sf);
	v5 =	vmovc v9;
	s20 =	smov.u32 s19;
	s19 =	smov.u32 s17  }
0x208: {  	s23 =	sadd.s32 $0x100, s23;
	v9 =	vmovc v6;
	v14 =	vmovc v17;
	(v2sf) =	vpush v16, $0x0;
	v23 =	vld [tilespmem:s15+$0xFFFFFFE0];
	v20 =	vmpcnt.ones.xlane vm9;
	v24 =	vmpcnt.ones.xlane vm8;
	s0 =	sadd.s32 s14, s0;
	s1 =	spop (v2sf)  }
.Ltmp30:
0x209: {  	vm10 =	vmmov vm3;
	vm3 =	vmmov vm11;
	v6 =	vld [tilespmem:s23+$0xFFFFFFD0];
	s7 =	spop (v2sf);
	[tilespmem:s0+$0x5830] =	vst.msk vm0, v2;
	s14 =	sadd.s32 s0, s1;
	v2 =	vmovc v4;
	vm0 =	vmmov vm2;
	(pc) =	sbr.rel @p0 .LBB2_41-.Ltmp30, $4  }
0x20a: {  	vm11 =	vmmov vm7;
	s17 =	smov.u32 s16;
	v16 =	vld [tilespmem:s23+$0xFFFFFF90];
	s0 =	sadd.s32 s24, s7;
	s1 =	spop (v2sf);
	(v2sf) =	vpush v24, $0x0;
	[tilespmem:s14+$0x5830] =	vst.msk vm1, v3  }
0x20b: {  	s16 =	smov.u32 s15;
	s15 =	smov.u32 s18;
	vm13 =	vgt.f32 v21, v1;
	[tilespmem:s0+$0x4810] =	vst.msk vm14, v12;
	s24 =	sadd.s32 s0, s1;
	(v2sf) =	vpush v20, $0x0;
	vm1 =	vgt.f32 v19, v1;
	v3 =	vmovc v19  }
0x20c: {  	s18 =	smov.u32 s21;
	s21 =	smov.u32 s23;
	(v2sf) =	vpush v18, $0x0;
	s0 =	spop (v2sf);
	[tilespmem:s24+$0x4810] =	vst.msk vm12, v13;
	v18 =	vld [tilespmem:s19+$0xFFFFFFF0];
	v20 =	vmpcnt.ones.xlane vm1;
	vm2 =	vgt.f32 v22, v1;
	v13 =	vmovc v21;
	v4 =	vmovc v22  }
0x20d: {  	v19 =	vmpcnt.ones.xlane vm13;
	v12 =	vmovc v11;
	s28 =	sadd.s32 s25, s0;
	vm7 =	vgt.f32 v23, v1;
	v17 =	vld [tilespmem:s17+$0xFFFFFFB0];
	v21 =	vmpcnt.ones.xlane vm2;
	v11 =	vmovc v23  }
0x20e: {  	_ =	sdelay $0x1  }
0x20f: {  	s0 =	spop (v2sf)  }
0x210: {  	s0 =	sadd.s32 s22, s0  }
0x211: {  	s1 =	spop (v2sf);
	[tilespmem:s0+$0x5020] =	vst.msk vm6, v10  }
0x212: {  	s7 =	spop (v2sf);
	v10 =	vld [tilespmem:s20+$0xFFFFFFC0]  }
0x213: {  	v22 =	vmpcnt.ones.xlane vm7;
	(v2sf) =	vpush v20, $0x0;
	s22 =	spop (v2sf)  }
0x214: {  	vm12 =	vmmov vm13;
	vm5 =	vmmov vm5;
	vm15 =	vmmov vm11;
	[tilespmem:s25+$0x4000] =	vst.msk vm4, v7;
	s0 =	sadd.s32 s0, s1;
	s23 =	spop (v2sf)  }
0x215: {  	vm13 =	vmmov vm9;
	(v2sf) =	vpush v21, $0x0;
	vm11 =	vgt.f32 v16, v1;
	[tilespmem:s0+$0x5020] =	vst.msk vm8, v15;
	s10 =	spop (v2sf)  }
0x216: {  	[tilespmem:s28+$0x4000] =	vst.msk vm10, v5;
	v60 =	vimm.s32 $0x0;
	(v2sf) =	vpush v19, $0x0;
	v54 =	vmpcnt.ones.xlane vm11;
	v7 =	vld [tilespmem:s20+$0x0];
	s9 =	spop (v2sf);
	s1 =	sadd.s32 s24, s10  }
0x217: {  	v53 =	vld [tilespmem:s15+$0xFFFFFFA0];
	vm14 =	vgt.f32 v18, v1;
	(v2sf) =	vpush v22, $0x0;
	[tilespmem:s1+$0x4810] =	vst.msk vm15, v12;
	s1 =	sadd.s32 s1, s9;
	vm15 =	vgt.f32 v10, v1;
	s10 =	spop (v2sf)  }
0x218: {  	v55 =	vld [tilespmem:s15+$0xFFFFFFE0];
	vm9 =	vgt.f32 v17, v1;
	v56 =	vmpcnt.ones.xlane vm14;
	[tilespmem:s1+$0x4810] =	vst.msk vm12, v13;
	v5 =	vsel vm15, $0xFFFFFFFF, v60;
	s24 =	spop (v2sf)  }
0x219: {  	vm8 =	vgt.f32 v6, v1;
	(v2sf) =	vpush v54, $0x0;
	v58 =	vmpcnt.ones.xlane vm9;
	v59 =	vld [tilespmem:s17+$0xFFFFFFF0];
	[tilespmem:$0x1FFE0] =	vst v5;
	s25 =	spop (v2sf);
	s0 =	sadd.s32 s0, s24  }
0x21a: {  	vm6 =	vmmov vm3;
	v57 =	vmpcnt.ones.xlane vm8;
	(v2sf) =	vpush v56, $0x0;
	v61 =	vld [tilespmem:s16+$0xFFFFFFB0];
	[tilespmem:s0+$0x5020] =	vst.msk vm13, v14;
	s0 =	sadd.s32 s0, s25  }
0x21b: {  	s7 =	sadd.s32 s28, s7;
	(v2sf) =	vpush v58, $0x0;
	v62 =	vmpcnt.ones.xlane vm15;
	vm4 =	vgt.f32 v7, v1;
	v5 =	vld [tilespmem:s19+$0xFFFFFFC0];
	[tilespmem:s0+$0x5020] =	vst.msk vm14, v18  }
0x21c: {  	vm3 =	vgt.f32 v53, v1;
	(v2sf) =	vpush v57, $0x0;
	v63 =	vmpcnt.ones.xlane vm4;
	[tilespmem:s7+$0x4000] =	vst.msk vm5, v8;
	v8 =	vld [tilespmem:s19+$0x0]  }
0x21d: {  	v22 =	vmpcnt.ones.xlane vm3;
	vm12 =	vgt.f32 v55, v1;
	s7 =	sadd.s32 s7, s10;
	(v2sf) =	vpush v62, $0x0;
	v23 =	vld [tilespmem:s18+$0xFFFFFFA0]  }
0x21e: {  	v24 =	vmpcnt.ones.xlane vm12;
	(v2sf) =	vpush v63, $0x0;
	[tilespmem:s7+$0x4000] =	vst.msk vm6, v9;
	vm15 =	vgt.f32 v59, v1  }
0x21f: {  	(v2sf) =	vpush v22, $0x0;
	v25 =	vld [tilespmem:s18+$0xFFFFFFE0];
	v26 =	vmpcnt.ones.xlane vm15;
	vm10 =	vgt.f32 v61, v1  }
0x220: {  	(v2sf) =	vpush v24, $0x0;
	v27 =	vmpcnt.ones.xlane vm10;
	vm5 =	vgt.f32 v5, v1  }
0x221: {  	(v2sf) =	vpush v26, $0x0;
	v28 =	vmpcnt.ones.xlane vm5;
	vm6 =	vgt.f32 v8, v1  }
0x222: {  	vm14 =	vgt.f32 v23, v1;
	(v2sf) =	vpush v27, $0x0;
	v29 =	vmpcnt.ones.xlane vm6  }
0x223: {  	s9 =	spop (v2sf);
	v30 =	vmpcnt.ones.xlane vm14;
	(v2sf) =	vpush v28, $0x0  }
0x224: {  	s24 =	spop (v2sf);
	vm13 =	vgt.f32 v25, v1;
	(v2sf) =	vpush v29, $0x0  }
0x225: {  	s20 =	spop (v2sf);
	v31 =	vmpcnt.ones.xlane vm13;
	(v2sf) =	vpush v30, $0x0  }
0x226: {  	s26 =	spop (v2sf)  }
0x227: {  	s29 =	spop (v2sf);
	(v2sf) =	vpush v31, $0x0  }
0x228: {  	s25 =	spop (v2sf)  }
0x229: {  	s30 =	spop (v2sf)  }
0x22a: {  	vm7 =	vmmov vm7;
	vm11 =	vmmov vm11;
	s7 =	sadd.s32 s7, s9;
	s31 =	spop (v2sf)  }
0x22b: {  	vm7 =	vmmov vm7;
	[tilespmem:s7+$0x4000] =	vst.msk vm11, v16;
	s1 =	sadd.s32 s1, s26;
	s19 =	spop (v2sf)  }
0x22c: {  	vm3 =	vmmov vm3;
	v16 =	vld [tilespmem:s21+$0xFFFFFFA0];
	[tilespmem:s1+$0x4810] =	vst.msk vm7, v11;
	s1 =	sadd.s32 s1, s29;
	s26 =	spop (v2sf)  }
0x22d: {  	vm9 =	vmmov vm9;
	v32 =	vld [tilespmem:s16+$0xFFFFFFF0];
	[tilespmem:s1+$0x4810] =	vst.msk vm3, v53;
	s0 =	sadd.s32 s0, s30;
	s28 =	spop (v2sf)  }
0x22e: {  	v15 =	vld [tilespmem:s15+$0xFFFFFFB0];
	[tilespmem:s0+$0x5020] =	vst.msk vm9, v17;
	s0 =	sadd.s32 s0, s31;
	s10 =	spop (v2sf)  }
0x22f: {  	vm11 =	vmmov vm8;
	v33 =	vld [tilespmem:s17+$0xFFFFFFC0];
	[tilespmem:s0+$0x5020] =	vst.msk vm15, v59;
	s29 =	spop (v2sf)  }
0x230: {  	vm3 =	vmmov vm11;
	s25 =	sadd.s32 s7, s25;
	vm15 =	vmmov vm12;
	v34 =	vld [tilespmem:s17+$0x0];
	s30 =	spop (v2sf)  }
0x231: {  	[tilespmem:s25+$0x4000] =	vst.msk vm3, v6;
	vm12 =	vmmov vm14;
	vm7 =	vmmov vm15;
	s1 =	sadd.s32 s1, s10;
	s31 =	spop (v2sf)  }
0x232: {  	v36 =	vld [tilespmem:s21+$0xFFFFFFE0];
	vm14 =	vmmov vm10;
	vm10 =	vgt.f32 v16, v1;
	vm9 =	vgt.f32 v32, v1;
	[tilespmem:s1+$0x4810] =	vst.msk vm7, v55;
	s1 =	sadd.s32 s1, s29;
	s17 =	spop (v2sf)  }
0x233: {  	vm15 =	vmmov vm13;
	v35 =	vmpcnt.ones.xlane vm9;
	vm11 =	vgt.f32 v15, v1;
	[tilespmem:s1+$0x4810] =	vst.msk vm12, v23;
	v38 =	vld [tilespmem:s15+$0xFFFFFFF0];
	s0 =	sadd.s32 s0, s30;
	s29 =	spop (v2sf)  }
0x234: {  	vm3 =	vmmov vm15;
	v37 =	vmpcnt.ones.xlane vm11;
	vm7 =	vgt.f32 v33, v1;
	v14 =	vld [tilespmem:s18+$0xFFFFFFB0];
	[tilespmem:s0+$0x5020] =	vst.msk vm14, v61;
	s7 =	sadd.s32 s0, s31;
	s9 =	spop (v2sf)  }
0x235: {  	(v2sf) =	vpush v35, $0x0;
	vm8 =	vgt.f32 v34, v1;
	v39 =	vmpcnt.ones.xlane vm7;
	v40 =	vld [tilespmem:s16+$0xFFFFFFC0];
	[tilespmem:s7+$0x5020] =	vst.msk vm9, v32;
	s0 =	sadd.s32 s1, s9  }
0x236: {  	v41 =	vmpcnt.ones.xlane vm10;
	v42 =	vmpcnt.ones.xlane vm8;
	v43 =	vld [tilespmem:s16+$0x0];
	(v2sf) =	vpush v37, $0x0;
	s10 =	spop (v2sf);
	[tilespmem:s0+$0x4810] =	vst.msk vm3, v25  }
0x237: {  	vm10 =	vmmov vm10;
	vm14 =	vgt.f32 v36, v1;
	(v2sf) =	vpush v39, $0x0;
	s1 =	sadd.s32 s0, s10;
	v12 =	vld [tilespmem:s18+$0xFFFFFFF0]  }
0x238: {  	v44 =	vmpcnt.ones.xlane vm14;
	vm12 =	vgt.f32 v38, v1;
	(v2sf) =	vpush v42, $0x0;
	[tilespmem:s1+$0x4810] =	vst.msk vm10, v16  }
0x239: {  	v45 =	vmpcnt.ones.xlane vm12;
	(v2sf) =	vpush v41, $0x0;
	vm3 =	vgt.f32 v14, v1;
	v46 =	vld [tilespmem:s21+$0xFFFFFFB0]  }
0x23a: {  	vm9 =	vgt.f32 v40, v1;
	(v2sf) =	vpush v44, $0x0;
	v47 =	vmpcnt.ones.xlane vm3  }
0x23b: {  	v48 =	vmpcnt.ones.xlane vm9;
	vm10 =	vgt.f32 v43, v1;
	(v2sf) =	vpush v45, $0x0  }
0x23c: {  	v49 =	vmpcnt.ones.xlane vm10;
	(v2sf) =	vpush v47, $0x0;
	vm13 =	vgt.f32 v12, v1  }
0x23d: {  	(v2sf) =	vpush v48, $0x0;
	v50 =	vmpcnt.ones.xlane vm13  }
0x23e: {  	(v2sf) =	vpush v49, $0x0;
	vm15 =	vgt.f32 v46, v1  }
0x23f: {  	v51 =	vmpcnt.ones.xlane vm15;
	(v2sf) =	vpush v50, $0x0;
	_ =	sdelay $0x1  }
0x240: {  	(v2sf) =	vpush v51, $0x0;
	_ =	sdelay $0x2  }
0x241: {  	s16 =	spop (v2sf)  }
0x242: {  	s10 =	spop (v2sf)  }
0x243: {  	s0 =	spop (v2sf)  }
0x244: {  	s31 =	spop (v2sf)  }
0x245: {  	s30 =	spop (v2sf)  }
0x246: {  	vm11 =	vmmov vm11;
	vm14 =	vmmov vm14;
	s7 =	sadd.s32 s7, s16;
	s16 =	spop (v2sf)  }
0x247: {  	vm14 =	vmmov vm14;
	[tilespmem:s7+$0x5020] =	vst.msk vm11, v15;
	s30 =	sadd.s32 s1, s30;
	s9 =	spop (v2sf)  }
0x248: {  	v15 =	vld [tilespmem:s15+$0xFFFFFFC0];
	s7 =	sadd.s32 s7, s10;
	[tilespmem:s30+$0x4810] =	vst.msk vm14, v36;
	s10 =	spop (v2sf)  }
0x249: {  	[tilespmem:s7+$0x5020] =	vst.msk vm12, v38;
	v52 =	vld [tilespmem:s21+$0xFFFFFFF0];
	s1 =	spop (v2sf)  }
0x24a: {  	vm3 =	vmmov vm3;
	v53 =	vld [tilespmem:s15+$0x0];
	s9 =	sadd.s32 s7, s9;
	s7 =	spop (v2sf)  }
0x24b: {  	[tilespmem:s9+$0x5020] =	vst.msk vm3, v14;
	s9 =	sadd.s32 s9, s10;
	s15 =	spop (v2sf)  }
0x24c: {  	vm15 =	vmmov vm15;
	[tilespmem:s9+$0x5020] =	vst.msk vm13, v12;
	v54 =	vld [tilespmem:s18+$0xFFFFFFC0];
	s9 =	sadd.s32 s9, s15  }
0x24d: {  	vm12 =	vgt.f32 v15, v1;
	v55 =	vld [tilespmem:s18+$0x0];
	s15 =	spop (v2sf);
	[tilespmem:s9+$0x5020] =	vst.msk vm15, v46  }
0x24e: {  	v57 =	vmpcnt.ones.xlane vm12;
	vm11 =	vgt.f32 v52, v1;
	s15 =	sadd.s32 s9, s15;
	v56 =	vld [tilespmem:s21+$0xFFFFFFC0]  }
0x24f: {  	vm15 =	vgt.f32 v53, v1;
	[tilespmem:s15+$0x5020] =	vst.msk vm11, v52  }
0x250: {  	(v2sf) =	vpush v57, $0x0;
	s18 =	sadd.s32 s14, s22;
	v58 =	vmpcnt.ones.xlane vm15;
	v6 =	vld [tilespmem:s21+$0x0]  }
0x251: {  	[tilespmem:s18+$0x5830] =	vst.msk vm0, v2;
	vm0 =	vmmov vm2;
	v59 =	vmpcnt.ones.xlane vm11;
	vm13 =	vgt.f32 v54, v1;
	s9 =	sadd.s32 s18, s23  }
0x252: {  	v60 =	vmpcnt.ones.xlane vm13;
	vm3 =	vgt.f32 v55, v1;
	[tilespmem:s9+$0x5830] =	vst.msk vm1, v3;
	s9 =	sadd.s32 s9, s24;
	(v2sf) =	vpush v58, $0x0  }
0x253: {  	v61 =	vmpcnt.ones.xlane vm3;
	[tilespmem:s9+$0x5830] =	vst.msk vm0, v4;
	(v2sf) =	vpush v59, $0x0;
	vm11 =	vgt.f32 v56, v1  }
0x254: {  	v2 =	vld [tilespmem:$0x1FFE0];
	(v2sf) =	vpush v60, $0x0;
	v62 =	vmpcnt.ones.xlane vm11  }
0x255: {  	(v2sf) =	vpush v61, $0x0;
	vm14 =	vgt.f32 v6, v1  }
0x256: {  	v63 =	vmpcnt.ones.xlane vm14;
	(v2sf) =	vpush v62, $0x0;
	_ =	sdelay $0x1  }
0x257: {  	(v2sf) =	vpush v63, $0x0  }
0x258: {  	s9 =	sadd.s32 s9, s20;
	vm0 =	vnez.u8 v2  }
0x259: {  	vm4 =	vmmov vm4;
	[tilespmem:s9+$0x5830] =	vst.msk vm0, v10;
	s9 =	sadd.s32 s9, s26  }
0x25a: {  	[tilespmem:s9+$0x5830] =	vst.msk vm4, v7;
	s9 =	sadd.s32 s9, s28  }
0x25b: {  	vm4 =	vmmov vm6;
	[tilespmem:s9+$0x5830] =	vst.msk vm5, v5;
	s9 =	sadd.s32 s9, s17  }
0x25c: {  	[tilespmem:s9+$0x5830] =	vst.msk vm4, v8;
	s9 =	sadd.s32 s9, s29  }
0x25d: {  	vm6 =	vmmov vm8;
	[tilespmem:s9+$0x5830] =	vst.msk vm7, v33;
	s0 =	sadd.s32 s9, s0  }
0x25e: {  	[tilespmem:s0+$0x5830] =	vst.msk vm6, v34;
	s0 =	sadd.s32 s0, s31  }
0x25f: {  	s24 =	sadd.s32 s25, s19;
	s20 =	spop (v2sf);
	vm8 =	vmmov vm10;
	[tilespmem:s0+$0x5830] =	vst.msk vm9, v40;
	s0 =	sadd.s32 s0, s1  }
0x260: {  	s28 =	sadd.s32 $0xF, s24;
	[tilespmem:s0+$0x5830] =	vst.msk vm8, v43;
	s0 =	sadd.s32 s0, s7;
	s21 =	spop (v2sf)  }
0x261: {  	vm10 =	vmmov vm15;
	s17 =	sshra.s32 s28, $0x4;
	[tilespmem:s0+$0x5830] =	vst.msk vm12, v15;
	s0 =	sadd.s32 s0, s20;
	s22 =	spop (v2sf)  }
0x262: {  	p0 =	slt.s32 s17, $0x1;
	[tilespmem:s0+$0x5830] =	vst.msk vm10, v53;
	s0 =	sadd.s32 s0, s21;
	s23 =	spop (v2sf)  }
.Ltmp31:
0x263: {  	vm12 =	vmmov vm3;
	[tilespmem:s0+$0x5830] =	vst.msk vm13, v54;
	s0 =	sadd.s32 s0, s23;
	s25 =	spop (v2sf);
	(pc) =	sbr.rel @p0 .LBB2_43-.Ltmp31, $4  }
0x264: {  	[tilespmem:s0+$0x5830] =	vst.msk vm12, v55;
	s0 =	sadd.s32 s0, s25;
	s26 =	spop (v2sf)  }
0x265: {  	vm15 =	vmmov vm14;
	[tilespmem:s0+$0x5830] =	vst.msk vm11, v56;
	s29 =	sadd.s32 s0, s26  }
0x266: {  	s31 =	spop (v2sf);
	[tilespmem:s29+$0x5830] =	vst.msk vm15, v6  }
0x267: {  	s7 =	sadd.s32 s30, s16;
	s0 =	sadd.s32 s15, s22;
	s14 =	sadd.s32 s29, s31;
	[tilespmem:s24+$0x4000] =	vst v1  }
0x268: {  	s1 =	simm.s32 $0x4000  }
0x269: {  	p0 =	sne.s32 s17, $0x1;
	v2 =	vld [tilespmem:s1+$0x0]  }
.Ltmp32:
0x26a: {  	_ = 	snop;
	(pc) =	sbr.rel @!p0 .LBB2_46-.Ltmp32, $3  }
0x26b: {  	_ =	sdelay $0x1  }
0x26c: {  	s1 =	simm.s32 $0x6080  }
0x26d: {  	s15 =	sadd.s32 $0xFFFFFFFF, s17;
	s16 =	simm.s32 $0x4010;
	[tilespmem:s1+$0x0] =	vst v2  }
.LBB2_45:
0x26e: {  	v2 =	vld [tilespmem:s16+$0x0];
	p0 =	sne.s32 s15, $0x1;
	s15 =	sadd.s32 $0xFFFFFFFF, s15  }
.Ltmp33:
0x26f: {  	(pc) =	sbr.rel @p0 .LBB2_45-.Ltmp33, $3  }
0x270: {  	_ =	sdelay $0x1  }
0x271: {  	s1 =	sadd.s32 $0x10, s1  }
0x272: {  	s16 =	sadd.s32 $0x10, s16;
	[tilespmem:s1+$0x0] =	vst v2  }
.Ltmp34:
0x273: {  	_ = 	snop;
	(pc) =	sbr.rel .LBB2_46-.Ltmp34, $1  }
0x274: {  	_ =	sdelay $0x3  }
.LBB2_43:
0x275: {  	s17 =	simm.s32 $0x0  }
.LBB2_46:
0x276: {  	s1 =	sadd.s32 $0xF, s7  }
0x277: {  	s1 =	sshra.s32 s1, $0x4  }
0x278: {  	p0 =	slt.s32 s1, $0x1  }
.Ltmp35:
0x279: {  	_ = 	snop;
	(pc) =	sbr.rel @p0 .LBB2_49-.Ltmp35, $2  }
0x27a: {  	_ =	sdelay $0x2  }
0x27b: {  	[tilespmem:s7+$0x4810] =	vst v1;
	s15 =	smov.u32 s17  }
0x27c: {  	s7 =	simm.s32 $0x4810  }
0x27d: {  	p0 =	sne.s32 s1, $0x1;
	v2 =	vld [tilespmem:s7+$0x0]  }
.Ltmp36:
0x27e: {  	_ = 	snop;
	(pc) =	sbr.rel @!p0 .LBB2_49-.Ltmp36, $4  }
0x27f: {  	s31 =	sshll.u32 s17, $0x6  }
0x280: {  	s7 =	sshra.s32 s31, $0x2  }
0x281: {  	s7 =	sadd.s32 $0x6080, s7  }
0x282: {  	s15 =	sadd.s32 s17, s1;
	s16 =	sadd.s32 $0xFFFFFFFF, s1;
	s18 =	simm.s32 $0x4820;
	[tilespmem:s7+$0x0] =	vst v2  }
.LBB2_48:
0x283: {  	v2 =	vld [tilespmem:s18+$0x0];
	p0 =	sne.s32 s16, $0x1;
	s16 =	sadd.s32 $0xFFFFFFFF, s16  }
.Ltmp37:
0x284: {  	(pc) =	sbr.rel @p0 .LBB2_48-.Ltmp37, $3  }
0x285: {  	_ =	sdelay $0x1  }
0x286: {  	s7 =	sadd.s32 $0x10, s7  }
0x287: {  	s18 =	sadd.s32 $0x10, s18;
	[tilespmem:s7+$0x0] =	vst v2  }
.LBB2_49:
0x288: {  	s7 =	sadd.s32 $0xF, s0  }
0x289: {  	s7 =	sshra.s32 s7, $0x4  }
0x28a: {  	p0 =	slt.s32 s7, $0x1  }
.Ltmp38:
0x28b: {  	_ = 	snop;
	(pc) =	sbr.rel @p0 .LBB2_52-.Ltmp38, $2  }
0x28c: {  	_ =	sdelay $0x2  }
0x28d: {  	[tilespmem:s0+$0x5020] =	vst v1  }
0x28e: {  	s0 =	simm.s32 $0x5020;
	p0 =	sgt.s32 s1, $0x0  }
0x28f: {  	v2 =	vld [tilespmem:s0+$0x0];
	s1 =	simm.s32 @!p0 $0x0;
	p0 =	sne.s32 s7, $0x1  }
.Ltmp39:
0x290: {  	_ = 	snop;
	(pc) =	sbr.rel @!p0 .LBB2_52-.Ltmp39, $4  }
0x291: {  	s31 =	sshll.u32 s15, $0x6  }
0x292: {  	s0 =	sshra.s32 s31, $0x2  }
0x293: {  	s9 =	sadd.s32 s17, s7;
	s0 =	sadd.s32 $0x6080, s0  }
0x294: {  	s15 =	sadd.s32 s1, s9;
	s1 =	sadd.s32 $0xFFFFFFFF, s7;
	s7 =	simm.s32 $0x5030;
	[tilespmem:s0+$0x0] =	vst v2  }
.LBB2_51:
0x295: {  	v2 =	vld [tilespmem:s7+$0x0];
	p0 =	sne.s32 s1, $0x1;
	s1 =	sadd.s32 $0xFFFFFFFF, s1  }
.Ltmp40:
0x296: {  	(pc) =	sbr.rel @p0 .LBB2_51-.Ltmp40, $3  }
0x297: {  	_ =	sdelay $0x1  }
0x298: {  	s0 =	sadd.s32 $0x10, s0  }
0x299: {  	s7 =	sadd.s32 $0x10, s7;
	[tilespmem:s0+$0x0] =	vst v2  }
.LBB2_52:
0x29a: {  	s0 =	sadd.s32 $0xF, s14  }
0x29b: {  	s1 =	sshra.s32 s0, $0x4  }
0x29c: {  	p0 =	slt.s32 s1, $0x1  }
.Ltmp41:
0x29d: {  	_ = 	snop;
	(pc) =	sbr.rel @p0 .LBB2_55-.Ltmp41, $2  }
0x29e: {  	_ =	sdelay $0x2  }
0x29f: {  	[tilespmem:s14+$0x5830] =	vst v1  }
0x2a0: {  	s0 =	simm.s32 $0x5830  }
0x2a1: {  	p0 =	sne.s32 s1, $0x1;
	v2 =	vld [tilespmem:s0+$0x0]  }
.Ltmp42:
0x2a2: {  	_ = 	snop;
	(pc) =	sbr.rel @!p0 .LBB2_55-.Ltmp42, $4  }
0x2a3: {  	s31 =	sshll.u32 s15, $0x6  }
0x2a4: {  	s0 =	sshra.s32 s31, $0x2  }
0x2a5: {  	s0 =	sadd.s32 $0x6080, s0  }
0x2a6: {  	s1 =	sadd.s32 $0xFFFFFFFF, s1;
	s15 =	sadd.s32 $0x1, s15;
	s7 =	simm.s32 $0x5840;
	[tilespmem:s0+$0x0] =	vst v2  }
.LBB2_54:
0x2a7: {  	v2 =	vld [tilespmem:s7+$0x0];
	p0 =	sne.s32 s1, $0x1;
	s1 =	sadd.s32 $0xFFFFFFFF, s1  }
.Ltmp43:
0x2a8: {  	(pc) =	sbr.rel @p0 .LBB2_54-.Ltmp43, $3  }
0x2a9: {  	_ =	sdelay $0x1  }
0x2aa: {  	s0 =	sadd.s32 $0x10, s0  }
0x2ab: {  	s15 =	sadd.s32 $0x1, s15;
	s7 =	sadd.s32 $0x10, s7;
	[tilespmem:s0+$0x0] =	vst v2  }
.LBB2_55:
.Ltmp44:
0x2ac: {  	(pc) =	sbr.rel .LBB2_56-.Ltmp44, $4  }
0x2ad: {  	_ = 	snop  }
0x2ae: {  	s0 =	sshll.u32 s15, $0x6;
	s1 =	sadd.s32 $0x1, s15  }
0x2af: {  	s7 =	sshra.s32 s0, $0x2;
	s0 =	sshra.s32 s1, $0x1  }
0x2b0: {  	s1 =	simm.s32 $0x0;
	[tilespmem:s7+$0x6080] =	vst v1;
	p0 =	slt.s32 s0, $0x1  }
.LBB2_57:
0x2b1: {  	v1 =	vimm.f32 $0.0e+00  }
.LBB2_63:
0x2b2: {  	(xrf2) =	vadd.scan.msk.f32 $0xffff, v1;
	_ =	sdelay $0x9  }
0x2b3: {  	v1, _, _ =	vpop (xrf2)  }
0x2b4: {  	(v2sf) =	vpush v1, $0xF;
	_ =	sdelay $0xe  }
0x2b5: {  	s9 =	spop (v2sf)  }
0x2b6: {  	p1 =	sge.f32 s9, $1.000000000e+00  }
0x2b7: {  	s1 =	sadd.s32 $0x1, s1  }
0x2b8: {  	s12 =	smov.u32 @p1 s7;
	s7 =	smov.u32 @p1 s13;
	p1 =	seq.s32 s1, $0x1A  }
.Ltmp45:
0x2b9: {  	_ = 	snop;
	(pc) =	sbr.rel @p1 .LBB2_58-.Ltmp45, $2  }
0x2ba: {  	_ =	sdelay $0x2  }
0x2bb: {  	s13 =	smov.u32 s7  }
.LBB2_56:
.Ltmp46:
0x2bc: {  	(pc) =	sbr.rel @p0 .LBB2_57-.Ltmp46, $3  }
0x2bd: {  	_ = 	snop  }
0x2be: {  	s7 =	sadd.f32 s13, s12;
	_ =	sdelay $0x1  }
0x2bf: {  	s7 =	smul.f32 $5.000000000e-01, s7  }
0x2c0: {  	s9 =	simm.s32 $0x6090  }
0x2c1: {  	p1 =	sne.s32 s0, $0x1;
	v3 =	vld [tilespmem:s9+$0x0]  }
.Ltmp47:
0x2c2: {  	v4 =	vld [tilespmem:s9+$0xFFFFFFF0];
	(pc) =	sbr.rel @!p1 .LBB2_62-.Ltmp47, $3  }
0x2c3: {  	_ =	sdelay $0x1  }
0x2c4: {  	v2 =	vmov s7  }
0x2c5: {  	v1 =	vimm.f32 $0.0e+00;
	s14 =	sadd.s32 $0xFFFFFFFF, s0;
	s15 =	simm.s32 $0x60B0;
	v5 =	vsub.f32 v3, v2;
	v3 =	vimm.f32 $0.0e+00  }
.LBB2_61:
0x2c6: {  	v6 =	vld [tilespmem:s15+$0x0];
	p1 =	sne.s32 s14, $0x1;
	s14 =	sadd.s32 $0xFFFFFFFF, s14;
	v7 =	vsub.f32 v4, v2  }
.Ltmp48:
0x2c7: {  	v4 =	vld [tilespmem:s15+$0xFFFFFFF0];
	v5 =	vmax.f32 v5, $0.0e+00;
	(pc) =	sbr.rel @p1 .LBB2_61-.Ltmp48, $3  }
0x2c8: {  	v7 =	vmax.f32 v7, $0.0e+00;
	v1 =	vadd.f32 v5, v1  }
0x2c9: {  	v3 =	vadd.f32 v7, v3;
	_ =	sdelay $0x1  }
0x2ca: {  	s15 =	sadd.s32 $0x20, s15;
	v5 =	vsub.f32 v6, v2  }
.LBB2_62:
0x2cb: {  	v2 =	vsub.f32 v4, v2;
	_ =	sdelay $0x1  }
.Ltmp49:
0x2cc: {  	v63 =	vmax.f32 v5, $0.0e+00;
	v2 =	vmax.f32 v2, $0.0e+00;
	(pc) =	sbr.rel .LBB2_63-.Ltmp49, $2  }
0x2cd: {  	v1 =	vadd.f32 v63, v1;
	v2 =	vadd.f32 v2, v3;
	_ =	sdelay $0x1  }
0x2ce: {  	v1 =	vadd.f32 v1, v2;
	_ =	sdelay $0x1  }
.LBB2_58:
.Ltmp50:
0x2cf: {  	(pc) =	sbr.rel @p0 .LBB2_59-.Ltmp50, $1  }
0x2d0: {  	_ =	sdelay $0x3  }
0x2d1: {  	s1 =	simm.s32 $0x6090  }
0x2d2: {  	p0 =	sne.s32 s0, $0x1;
	v4 =	vld [tilespmem:s1+$0xFFFFFFF0]  }
.Ltmp51:
0x2d3: {  	_ = 	snop;
	(pc) =	sbr.rel @!p0 .LBB2_66-.Ltmp51, $3  }
0x2d4: {  	v2 =	vld [tilespmem:s1+$0x0];
	_ =	sdelay $0x1  }
0x2d5: {  	v1 =	vmov s12  }
0x2d6: {  	v3 =	vimm.f32 $0.0e+00;
	s0 =	sadd.s32 $0xFFFFFFFF, s0;
	v5 =	vimm.f32 $0.0e+00;
	s1 =	simm.s32 $0x60B0;
	vm0 =	vgt.f32 v4, v1  }
.LBB2_65:
0x2d7: {  	p0 =	sne.s32 s0, $0x1;
	s0 =	sadd.s32 $0xFFFFFFFF, s0;
	v6 =	vnsel vm0, $0x0, v4;
	v4 =	vld [tilespmem:s1+$0xFFFFFFF0];
	v7 =	vsel vm0, $0x3F800000, v0  }
.Ltmp52:
0x2d8: {  	vm0 =	vgt.f32 v2, v1;
	v3 =	vadd.f32 v6, v3;
	v5 =	vadd.f32 v7, v5;
	(pc) =	sbr.rel @p0 .LBB2_65-.Ltmp52, $3  }
0x2d9: {  	v6 =	vnsel vm0, $0x0, v2;
	v2 =	vld [tilespmem:s1+$0x0];
	v7 =	vsel vm0, $0x3F800000, v0  }
0x2da: {  	v3 =	vadd.f32 v6, v3;
	v5 =	vadd.f32 v7, v5;
	_ =	sdelay $0x1  }
0x2db: {  	s1 =	sadd.s32 $0x20, s1;
	vm0 =	vgt.f32 v4, v1  }
.LBB2_66:
.Ltmp53:
0x2dc: {  	(pc) =	sbr.rel .LBB2_67-.Ltmp53, $4  }
0x2dd: {  	v4 =	vnsel vm0, $0x0, v4;
	v6 =	vsel vm0, $0x3F800000, v0  }
0x2de: {  	vm15 =	vgt.f32 v2, v1;
	v1 =	vadd.f32 v4, v3;
	v3 =	vadd.f32 v6, v5  }
0x2df: {  	v2 =	vnsel vm15, $0x0, v2;
	v63 =	vsel vm15, $0x3F800000, v0  }
0x2e0: {  	v1 =	vadd.f32 v2, v1;
	v2 =	vadd.f32 v63, v3  }
.LBB2_59:
0x2e1: {  	v1 =	vimm.f32 $0.0e+00;
	v2 =	vimm.f32 $0.0e+00  }
.LBB2_67:
0x2e2: {  	_ = 	snop  }
0x2e3: {  	(xrf2) =	vadd.scan.msk.f32 $0xffff, v1  }
0x2e4: {  	(xrf2) =	vadd.scan.msk.f32 $0xffff, v2;
	_ =	sdelay $0x8  }
0x2e5: {  	v1, _, _ =	vpop (xrf2)  }
0x2e6: {  	(v2sf) =	vpush v1, $0xF;
	v1, _, _ =	vpop (xrf2)  }
0x2e7: {  	(v2sf) =	vpush v1, $0xF;
	_ =	sdelay $0xd  }
0x2e8: {  	s0 =	spop (v2sf)  }
0x2e9: {  	s1 =	spop (v2sf)  }
0x2ea: {  	s1 =	smax.f32 s1, $1.000000000e+00  }
0x2eb: {  	v1 =	vmov s1  }
0x2ec: {  	(erf) = vrcp.f32 v1;
	_ =	sdelay $0x5  }
0x2ed: {  	s12 =	simm.s32 $0xF0  }
0x2ee: {  	v3 =	vld [tilespmem:s12+$0x0]  }
0x2ef: {  	v5 =	vld [tilespmem:s12+$0xFFFFFFA0];
	s0 =	sadd.f32 $-1.000000000e+00, s0  }
0x2f0: {  	v7 =	vld [tilespmem:s12+$0xFFFFFFB0];
	v1 =	vpop (erf)  }
0x2f1: {  	v6 =	vld [tilespmem:s12+$0xFFFFFFC0];
	v1 =	vmul.f32 s0, v1  }
0x2f2: {  	v4 =	vld [tilespmem:s12+$0xFFFFFFD0]  }
0x2f3: {  	v2 =	vld [tilespmem:s12+$0xFFFFFFE0];
	v9 =	vsub.f32 v3, v1  }
0x2f4: {  	v3 =	vld [tilespmem:s12+$0xFFFFFFF0];
	v8 =	vsub.f32 v5, v1  }
0x2f5: {  	s1 =	simm.s32 $0x1F0;
	s0 =	simm.s32 $0x0;
	v5 =	vld [tilespmem:s12+$0xFFFFFF90];
	v7 =	vsub.f32 v7, v1;
	v9 =	vmax.f32 v9, $0.0e+00  }
.LBB2_68:
0x2f6: {  	v10 =	vld [tilespmem:s1+$0x0];
	s0 =	sadd.s32 $0x8, s0;
	v8 =	vmax.f32 v8, $0.0e+00;
	v6 =	vsub.f32 v6, v1;
	[tilespmem:s12+$0x0] =	vst v9  }
0x2f7: {  	v9 =	vld [tilespmem:s1+$0xFFFFFFA0];
	p0 =	slt.u32 s0, $0x1F8;
	[tilespmem:s12+$0xFFFFFFA0] =	vst v8;
	v7 =	vmax.f32 v7, $0.0e+00;
	v4 =	vsub.f32 v4, v1  }
0x2f8: {  	v11 =	vld [tilespmem:s1+$0xFFFFFFB0];
	[tilespmem:s12+$0xFFFFFFB0] =	vst v7;
	v7 =	vmax.f32 v6, $0.0e+00;
	v2 =	vsub.f32 v2, v1  }
.Ltmp54:
0x2f9: {  	v6 =	vld [tilespmem:s1+$0xFFFFFFC0];
	[tilespmem:s12+$0xFFFFFFC0] =	vst v7;
	v7 =	vmax.f32 v4, $0.0e+00;
	v3 =	vsub.f32 v3, v1;
	(pc) =	sbr.rel @p0 .LBB2_68-.Ltmp54, $4  }
0x2fa: {  	v4 =	vld [tilespmem:s1+$0xFFFFFFD0];
	v5 =	vsub.f32 v5, v1;
	[tilespmem:s12+$0xFFFFFFD0] =	vst v7;
	v7 =	vmax.f32 v2, $0.0e+00  }
0x2fb: {  	v2 =	vld [tilespmem:s1+$0xFFFFFFE0];
	v10 =	vsub.f32 v10, v1;
	[tilespmem:s12+$0xFFFFFFE0] =	vst v7;
	v7 =	vmax.f32 v3, $0.0e+00  }
0x2fc: {  	v8 =	vsub.f32 v9, v1;
	v3 =	vld [tilespmem:s1+$0xFFFFFFF0];
	v12 =	vmax.f32 v5, $0.0e+00;
	[tilespmem:s12+$0xFFFFFFF0] =	vst v7  }
0x2fd: {  	v5 =	vld [tilespmem:s1+$0xFFFFFF90];
	v7 =	vsub.f32 v11, v1;
	v9 =	vmax.f32 v10, $0.0e+00;
	[tilespmem:s12+$0xFFFFFF90] =	vst v12;
	s12 =	smov.u32 s1;
	s1 =	sadd.s32 $0x100, s1  }
0x2fe: {  	v8 =	vmax.f32 v8, $0.0e+00;
	v6 =	vsub.f32 v6, v1;
	[tilespmem:s12+$0x0] =	vst v9  }
0x2ff: {  	[tilespmem:s12+$0xFFFFFFA0] =	vst v8;
	v7 =	vmax.f32 v7, $0.0e+00;
	v4 =	vsub.f32 v4, v1  }
0x300: {  	[tilespmem:s12+$0xFFFFFFB0] =	vst v7;
	v6 =	vmax.f32 v6, $0.0e+00;
	v2 =	vsub.f32 v2, v1  }
0x301: {  	[tilespmem:s12+$0xFFFFFFC0] =	vst v6;
	v4 =	vmax.f32 v4, $0.0e+00;
	v3 =	vsub.f32 v3, v1  }
0x302: {  	v1 =	vsub.f32 v5, v1;
	[tilespmem:s12+$0xFFFFFFD0] =	vst v4;
	v2 =	vmax.f32 v2, $0.0e+00  }
0x303: {  	[tilespmem:s12+$0xFFFFFFE0] =	vst v2;
	v2 =	vmax.f32 v3, $0.0e+00  }
0x304: {  	s0 =	simm.s32 $0x80;
	v1 =	vmax.f32 v1, $0.0e+00;
	[tilespmem:s12+$0xFFFFFFF0] =	vst v2  }
0x305: {  	s1 =	simm.s32 $0x80;
	s7 =	simm.s32 $0x180;
	[tilespmem:s12+$0xFFFFFF90] =	vst v1;
	s12 =	sadd.s32 $0x0, s6  }
.LBB2_70:
0x306: {  	[hbm4b:s12+s2] =	stream.linear.scatter [tilespmem:s0], [sflag:$0x3], $0x80, $0x38;
	[tilespmem:$0x8100] =	vst v63  }
0x307: {  	s9 =	smov.u32 s1;
	s0 =	smov.u32 s7;
	p0 =	sne.s32 s1, $0x1F80  }
.Ltmp55:
0x308: {  	s1 =	sadd.s32 $0x80, s1;
	(pc) =	sbr.rel @p0 .LBB2_70-.Ltmp55, $2  }
0x309: {  	_ =	sdelay $0x2  }
0x30a: {  	s7 =	sadd.s32 $0x100, s7;
	s12 =	sadd.s32 s9, s6  }
0x30b: {  	[hbm4b:s12+s2] =	stream.linear.scatter [tilespmem:s0], [sflag:$0x3], $0x80, $0x38;
	[tilespmem:$0x8100] =	vst v63  }
0x30c: {  	_ =	swait.ge [sflag:s8], $0x2000  }
0x30d: {  	[sflag:s8] =	ssyncset.done $0x0  }
0x30e: {  	s1 =	simm.s32 $0x2;
	[sflag:s8] =	ssyncadd.s32 $0xFFFFE000  }
0x30f: {  	_ =	swait.ge [sflag:s1], $0x2000  }
0x310: {  	s11 =	sadd.s32 $0x1, s11;
	s31 =	rddreg [dreg:$0x3]  }
0x311: {  	p0 =	sne.s32 s11, s31  }
.Ltmp56:
0x312: {  	_ = 	snop;
	(pc) =	sbr.rel @p0 .LBB2_1-.Ltmp56, $3  }
0x313: {  	_ =	sdelay $0x1  }
0x314: {  	[sflag:s1] =	ssyncset.done $0x0  }
0x315: {  	[sflag:s1] =	ssyncadd.s32 $0xFFFFE000  }
0x316: {  	_ =	sfence.sel $0x180000  }
0x317: {  	[bflag:$0x0] =	sbarrier.arrive $0xFFFF  }
0x318: {  	_ =	strace $0x90000047  }
0x319: {  	s0 =	stileid.u32;
	[bflag:$0x2] =	sbarrier.arrive $0xFFFF  }
0x31a: {  	p0 =	sne.s32 s0, $0x0;
	s0 =	rddreg [dreg:$0x2]  }
0x31b: {  	s0 =	sadd.s32 @!p0 $0x100000, s0  }
0x31c: {  	[sflag:s0] =	ssyncadd.tile.s32 @!p0 $0x1;
	_ =	shalt  }
.Lfunc_end2:
_tile_overlayer_lowered:
.L_overlay_start_2:
0x31d: {  	(tag) =	ssettag $0x2  }
0x31e: {  	s0 =	rddreg [dreg:$0x0];
	s2 =	stileid.u32  }
0x31f: {  	s1 =	rddreg [dreg:$0x1];
	p0 =	sne.s32 s2, $0x0  }
0x320: {  	s3 =	rddreg [dreg:$0x2];
	[bflag:$0x3] =	sbarrier.arrive $0xFFFF;
	s2 =	simm.s32 @!p0 $0x1C03  }
0x321: {  	[timem:s3], [sflag:s2] =	dma.local @!p0 [hbm:s0], s1  }
0x322: {  	s0 =	simm.s32 @!p0 $0x3  }
0x323: {  	_ =	swait.ge @!p0 [sflag:s0], s1  }
0x324: {  	s1 =	ssub.s32 @!p0 $0x0, s1;
	[sflag:s0] =	ssyncset.done @!p0 $0x0  }
0x325: {  	[sflag:s0] =	ssyncadd.s32 @!p0 s1  }
0x326: {  	[bflag:$0x3] =	sbarrier.arrive $0xFFFF  }
0x327: {  	_ =	shalt  }

</sc_bundles>
